<compile_context>
chip_gen: v7x
topology: tpu7x:2x2x1
jax: 0.10.2.dev20260603
libtpu: 0.0.44.dev20260713+nightly
codegen_flags: <defaults>
</compile_context>

<pallas_src>
import functools

import jax
import jax.numpy as jnp
from jax import lax
from jax.experimental import pallas as pl
from jax.experimental.pallas import tpu as pltpu
from jax.experimental.pallas import tpu_sc as plsc

N_NODES = 10000
N_EDGES = 320000
F_IN = 128
NH = 8
DH = 16
FO = NH * DH

NC = 2
NS = 16
NW = NC * NS

CHUNK = 240
CPW = 42
NCHUNKS = NW * CPW
E_PAD = NCHUNKS * CHUNK
NROWS = N_NODES + 8
RPT = 624
RPT_LAST = N_NODES - 15 * RPT
ZR_LAST = NROWS - 15 * RPT

_BR = 1000


def _tc_prologue(x, W, Acat):
    def body(x_ref, w_ref, a_ref, h_ref, t_ref):
        h = jnp.dot(x_ref[...], w_ref[...],
                    preferred_element_type=jnp.float32,
                    precision=lax.Precision.HIGHEST)
        h_ref[...] = h
        t_ref[...] = jnp.dot(h, a_ref[...],
                             preferred_element_type=jnp.float32,
                             precision=lax.Precision.HIGHEST)

    return pl.pallas_call(
        body,
        grid=(N_NODES // _BR,),
        in_specs=[
            pl.BlockSpec((_BR, F_IN), lambda i: (i, 0)),
            pl.BlockSpec((F_IN, FO), lambda i: (0, 0)),
            pl.BlockSpec((F_IN, 32), lambda i: (0, 0)),
        ],
        out_specs=[
            pl.BlockSpec((_BR, FO), lambda i: (i, 0)),
            pl.BlockSpec((_BR, 32), lambda i: (i, 0)),
        ],
        out_shape=[
            jax.ShapeDtypeStruct((N_NODES, FO), jnp.float32),
            jax.ShapeDtypeStruct((N_NODES, 32), jnp.float32),
        ],
    )(x, W, Acat)


def _sc_edge_pass(h, t2, e2, z128, z16):
    mesh = plsc.VectorSubcoreMesh(core_axis_name="c", subcore_axis_name="s")

    @functools.partial(
        pl.kernel,
        out_type=[
            jax.ShapeDtypeStruct((NC, N_NODES, FO), jnp.float32),
            jax.ShapeDtypeStruct((NC, N_NODES, DH), jnp.float32),
        ],
        mesh=mesh,
        scratch_types=[
            pltpu.VMEM_SHARED((NROWS, FO), jnp.float32),
            pltpu.VMEM_SHARED((NROWS, DH), jnp.float32),
            pltpu.VMEM((2, CHUNK), jnp.int32),
            pltpu.VMEM((2, CHUNK), jnp.int32),
            pltpu.VMEM((1, 2 * CHUNK), jnp.int32),
            pltpu.VMEM((2 * CHUNK, DH), jnp.float32),
            pltpu.VMEM((CHUNK, FO), jnp.float32),
            pltpu.SemaphoreType.DMA,
            pltpu.SemaphoreType.DMA,
            pltpu.SemaphoreType.DMA,
        ],
        compiler_params=pltpu.CompilerParams(use_tc_tiling_on_sc=False),
    )
    def k(h_hbm, t2_hbm, e2_hbm, z128_hbm, z16_hbm,
          pout_hbm, sout_hbm,
          acc, sacc, idxa, idxb, idxg, a_sd, hrows, semG, semI, semS):
        cid = lax.axis_index("c")
        sid = lax.axis_index("s")
        wid = sid * NC + cid
        lo = sid * RPT
        idx = (idxa, idxb)

        @pl.when(sid < NS - 1)
        def _():
            rows = pl.ds(lo, RPT)
            pltpu.sync_copy(z128_hbm.at[rows], acc.at[rows])
            pltpu.sync_copy(z16_hbm.at[rows], sacc.at[rows])

        @pl.when(sid == NS - 1)
        def _():
            rows = pl.ds(15 * RPT, ZR_LAST)
            pltpu.sync_copy(z128_hbm.at[rows], acc.at[rows])
            pltpu.sync_copy(z16_hbm.at[rows], sacc.at[rows])

        plsc.subcore_barrier()

        pltpu.async_copy(e2_hbm.at[wid], idxa, semI)

        def pair_body(jj, carry):
            for b in (0, 1):
                j = 2 * jj + b
                nb = 1 - b
                pltpu.make_async_copy(e2_hbm.at[0], idx[b], semI).wait()

                for l in range(CHUNK // 16):
                    s16 = pl.ds(16 * l, 16)
                    idxg[0, s16] = idx[b][0, s16]
                    idxg[0, pl.ds(CHUNK + 16 * l, 16)] = idx[b][1, s16] + NROWS

                c1 = pltpu.async_copy(t2_hbm.at[idxg.at[0]], a_sd, semG)
                c2 = pltpu.async_copy(h_hbm.at[idx[b].at[0]], hrows, semG)
                c1.wait()

                def prow(r, c):
                    v = a_sd[r] + a_sd[CHUNK + r]
                    a_sd[r] = jnp.exp(jnp.where(v >= 0.0, v, 0.2 * v))
                    return c

                lax.fori_loop(0, CHUNK, prow, None, unroll=4)
                c2.wait()

                def srow(e, c):
                    pr = a_sd[e]
                    for hh in range(NH):
                        seg = pl.ds(hh * DH, DH)
                        hrows[e, seg] = hrows[e, seg] * pr[hh]
                    return c

                lax.fori_loop(0, CHUNK, srow, None, unroll=2)

                s1 = pltpu.async_copy(a_sd.at[pl.ds(0, CHUNK)],
                                      sacc.at[idx[b].at[1]], semS, add=True)
                s2 = pltpu.async_copy(hrows, acc.at[idx[b].at[1]], semS,
                                      add=True)

                @pl.when(j + 1 < CPW)
                def _():
                    pltpu.async_copy(e2_hbm.at[wid + NW * (j + 1)], idx[nb],
                                     semI)

                s1.wait()
                s2.wait()
            return carry

        lax.fori_loop(0, CPW // 2, pair_body, None)
        plsc.subcore_barrier()

        @pl.when(sid < NS - 1)
        def _():
            rows = pl.ds(lo, RPT)
            pltpu.sync_copy(acc.at[rows], pout_hbm.at[cid, rows])
            pltpu.sync_copy(sacc.at[rows], sout_hbm.at[cid, rows])

        @pl.when(sid == NS - 1)
        def _():
            rows = pl.ds(15 * RPT, RPT_LAST)
            pltpu.sync_copy(acc.at[rows], pout_hbm.at[cid, rows])
            pltpu.sync_copy(sacc.at[rows], sout_hbm.at[cid, rows])

    return k(h, t2, e2, z128, z16)


def _tc_epilogue(p0, p1, s0, s1, K16):
    def body(p0_ref, p1_ref, s0_ref, s1_ref, k_ref, o_ref):
        acc = p0_ref[...] + p1_ref[...]
        r = 1.0 / (s0_ref[...] + s1_ref[...] + 1e-10)
        o_ref[...] = acc * jnp.dot(r, k_ref[...],
                                   preferred_element_type=jnp.float32)

    return pl.pallas_call(
        body,
        grid=(N_NODES // _BR,),
        in_specs=[
            pl.BlockSpec((_BR, FO), lambda i: (i, 0)),
            pl.BlockSpec((_BR, FO), lambda i: (i, 0)),
            pl.BlockSpec((_BR, DH), lambda i: (i, 0)),
            pl.BlockSpec((_BR, DH), lambda i: (i, 0)),
            pl.BlockSpec((DH, FO), lambda i: (0, 0)),
        ],
        out_specs=pl.BlockSpec((_BR, FO), lambda i: (i, 0)),
        out_shape=jax.ShapeDtypeStruct((N_NODES, FO), jnp.float32),
    )(p0, p1, s0, s1, K16)


@jax.jit
def kernel(x, edge_index, W, a_src, a_dst):
    f = jnp.float32
    rows = jnp.arange(F_IN)
    cols = rows // DH
    As = jnp.zeros((F_IN, NH), f).at[rows, cols].set(a_src.reshape(-1))
    Ad = jnp.zeros((F_IN, NH), f).at[rows, cols].set(a_dst.reshape(-1))
    zpad = jnp.zeros((F_IN, NH), f)
    Acat = jnp.concatenate([As, zpad, Ad, zpad], axis=1)

    h, T = _tc_prologue(x, W, Acat)
    tsrc = jnp.pad(T[:, 0:16], ((0, NROWS - N_NODES), (0, 0)))
    tdst = jnp.pad(T[:, 16:32], ((0, NROWS - N_NODES), (0, 0)))
    t2 = jnp.concatenate([tsrc, tdst], axis=0)

    npad = E_PAD - N_EDGES
    srcp = jnp.concatenate([edge_index[0], jnp.zeros((npad,), jnp.int32)])
    dstp = jnp.concatenate([edge_index[1], jnp.full((npad,), N_NODES, jnp.int32)])
    e2 = jnp.stack([srcp.reshape(NCHUNKS, CHUNK),
                    dstp.reshape(NCHUNKS, CHUNK)], axis=1)
    z128 = jnp.zeros((NROWS, FO), f)
    z16 = jnp.zeros((NROWS, DH), f)

    pout, sout = _sc_edge_pass(h, t2, e2, z128, z16)

    K8 = jnp.repeat(jnp.eye(NH, dtype=f), DH, axis=1)
    K16 = jnp.concatenate([K8, jnp.zeros((NH, FO), f)], axis=0)
    return _tc_epilogue(pout[0], pout[1], sout[0], sout[1], K16)

# --- scband reference (transcript-rebuilt; emitter-appended) ---
"""Pipeline reference for scband-gatlayer-15625091023233 (READ-ONLY COPY).

The authoritative reference and input builder live on the scoring server;
editing this copy changes nothing except your own understanding.
"""

import jax, jax.numpy as jnp
import numpy as np

N_NODES = 10000
N_EDGES = 320000
IN_FEATURES = 128
NUM_HEADS = 8
OUT_PER_HEAD = 16  # out_features // num_heads = 128 // 8


def setup_inputs(seed: int = 0) -> dict:
    key = jax.random.key(seed)
    k1, k2, k3, k4, k5 = jax.random.split(key, 5)
    x = jax.random.normal(k1, (N_NODES, IN_FEATURES), dtype=jnp.float32)
    edge_index = jax.random.randint(k2, (2, N_EDGES), 0, N_NODES, dtype=jnp.int32)
    # Learned parameters (xavier-uniform-like scaling)
    lim_w = float(np.sqrt(6.0 / (IN_FEATURES + NUM_HEADS * OUT_PER_HEAD)))
    W = jax.random.uniform(k3, (IN_FEATURES, NUM_HEADS * OUT_PER_HEAD), dtype=jnp.float32, minval=-lim_w, maxval=lim_w)
    lim_a = float(np.sqrt(6.0 / (NUM_HEADS + OUT_PER_HEAD)))
    a_src = jax.random.uniform(k4, (NUM_HEADS, OUT_PER_HEAD), dtype=jnp.float32, minval=-lim_a, maxval=lim_a)
    a_dst = jax.random.uniform(k5, (NUM_HEADS, OUT_PER_HEAD), dtype=jnp.float32, minval=-lim_a, maxval=lim_a)
    return {"x": x, "edge_index": edge_index, "W": W, "a_src": a_src, "a_dst": a_dst}


def reference(x, edge_index, W, a_src, a_dst):
    num_nodes = x.shape[0]
    H, D = a_src.shape
    h = (x @ W).reshape(num_nodes, H, D)
    src = edge_index[0]
    dst = edge_index[1]
    attn_src = (h[src] * a_src[None, :, :]).sum(axis=-1)  # [E, H]
    attn_dst = (h[dst] * a_dst[None, :, :]).sum(axis=-1)  # [E, H]
    attn = jax.nn.leaky_relu(attn_src + attn_dst, negative_slope=0.2)
    # scatter_reduce amax with zeros base (include_self=True semantics)
    attn_max = jnp.zeros((num_nodes, H), dtype=x.dtype).at[dst].max(attn)
    attn = jnp.exp(attn - attn_max[dst])
    attn_sum = jnp.zeros((num_nodes, H), dtype=x.dtype).at[dst].add(attn)
    attn = attn / (attn_sum[dst] + 1e-10)
    # dropout p=0.0 -> identity
    msg = h[src] * attn[:, :, None]  # [E, H, D]
    out = jnp.zeros((num_nodes, H, D), dtype=x.dtype).at[dst].add(msg)
    return out.reshape(num_nodes, -1)

if __name__ == "__main__":
    import jax
    _d = setup_inputs()
    print(jax.jit(kernel)(*tuple(_d.values())))

</pallas_src>

<mosaic_0001>
#map = affine_map<(d0, d1) -> (0, 0)>
#map1 = affine_map<(d0, d1) -> (0, 0, 0)>
module attributes {stable_mosaic.version = 14 : i64} {
  func.func @k(%arg0: i32, %arg1: i32, %arg2: memref<10000x128xf32, #tpu.memory_space<hbm>>, %arg3: memref<20016x16xf32, #tpu.memory_space<hbm>>, %arg4: memref<1344x2x240xi32, #tpu.memory_space<hbm>>, %arg5: memref<10008x128xf32, #tpu.memory_space<hbm>>, %arg6: memref<10008x16xf32, #tpu.memory_space<hbm>>, %arg7: memref<2x10000x128xf32, #tpu.memory_space<hbm>>, %arg8: memref<2x10000x16xf32, #tpu.memory_space<hbm>>, %arg9: memref<10008x128xf32, #tpu.memory_space<vmem_shared>>, %arg10: memref<10008x16xf32, #tpu.memory_space<vmem_shared>>, %arg11: memref<2x240xi32, #tpu.memory_space<vmem>>, %arg12: memref<2x240xi32, #tpu.memory_space<vmem>>, %arg13: memref<1x480xi32, #tpu.memory_space<vmem>>, %arg14: memref<480x16xf32, #tpu.memory_space<vmem>>, %arg15: memref<240x128xf32, #tpu.memory_space<vmem>>, %arg16: memref<!tpu.dma_semaphore, #tpu.memory_space<semaphore_mem>>, %arg17: memref<!tpu.dma_semaphore, #tpu.memory_space<semaphore_mem>>, %arg18: memref<!tpu.dma_semaphore, #tpu.memory_space<semaphore_mem>>) attributes {dimension_semantics = [#tpu.dimension_semantics<core_parallel>, #tpu.dimension_semantics<subcore_parallel>], iteration_bounds = array<i64: 2, 16>, scalar_prefetch = 0 : i64, scratch_operands = 10 : i64, tpu.core_type = #tpu.core_type<sc_vector_subcore>, window_params = [{transform_indices = #map}, {transform_indices = #map}, {transform_indices = #map1}, {transform_indices = #map}, {transform_indices = #map}, {transform_indices = #map1}, {transform_indices = #map1}]} {
    %mul3A = arith.constant 2 : i32
    %mul3A_0 = arith.muli %arg1, %mul3A : i32
    %add3A = arith.addi %mul3A_0, %arg0 : i32
    %mul3A_1 = arith.constant 624 : i32
    %mul3A_2 = arith.muli %arg1, %mul3A_1 : i32
    %lt3A = arith.constant 15 : i32
    %lt3A_3 = arith.cmpi slt, %arg1, %lt3A : i32
    %convert_element_type3A = arith.extui %lt3A_3 : i1 to i32
    %cond3A = arith.constant 0 : i32
    %cond3A_4 = arith.cmpi ne, %convert_element_type3A, %cond3A : i32
    scf.if %cond3A_4 {
      "tpu.region"() ({
        %run_scoped3A = tpu.sem_alloc : memref<!tpu.dma_semaphore, #tpu.memory_space<semaphore_mem>>
        %dma_start3A_31 = arith.constant 0 : i32
        %dma_start3A_32 = tpu.memref_slice %arg9[%mul3A_2, %dma_start3A_31] : memref<10008x128xf32, #tpu.memory_space<vmem_shared>> -> memref<624x128xf32, #tpu.memory_space<vmem_shared>>
        %dma_start3A_33 = arith.constant 0 : i32
        %dma_start3A_34 = tpu.memref_slice %arg5[%mul3A_2, %dma_start3A_33] : memref<10008x128xf32, #tpu.memory_space<hbm>> -> memref<624x128xf32, #tpu.memory_space<hbm>>
        tpu.enqueue_dma source(%dma_start3A_34 : memref<624x128xf32, #tpu.memory_space<hbm>>) target(%dma_start3A_32 : memref<624x128xf32, #tpu.memory_space<vmem_shared>>) target_semaphore(%run_scoped3A : memref<!tpu.dma_semaphore, #tpu.memory_space<semaphore_mem>>)
        %dma_wait3A = arith.constant 0 : i32
        %dma_wait3A_35 = tpu.memref_slice %arg9[%mul3A_2, %dma_wait3A] : memref<10008x128xf32, #tpu.memory_space<vmem_shared>> -> memref<624x128xf32, #tpu.memory_space<vmem_shared>>
        %dma_wait3A_36 = arith.constant 0 : i32
        %dma_wait3A_37 = tpu.memref_slice %arg5[%mul3A_2, %dma_wait3A_36] : memref<10008x128xf32, #tpu.memory_space<hbm>> -> memref<624x128xf32, #tpu.memory_space<hbm>>
        tpu.wait_dma2 semaphore(%run_scoped3A : memref<!tpu.dma_semaphore, #tpu.memory_space<semaphore_mem>>) src(%dma_wait3A_37 : memref<624x128xf32, #tpu.memory_space<hbm>>) dst(%dma_wait3A_35 : memref<624x128xf32, #tpu.memory_space<vmem_shared>>)
        tpu.yield
      }) : () -> ()
      "tpu.region"() ({
        %run_scoped3A = tpu.sem_alloc : memref<!tpu.dma_semaphore, #tpu.memory_space<semaphore_mem>>
        %dma_start3A_31 = arith.constant 0 : i32
        %dma_start3A_32 = tpu.memref_slice %arg10[%mul3A_2, %dma_start3A_31] : memref<10008x16xf32, #tpu.memory_space<vmem_shared>> -> memref<624x16xf32, #tpu.memory_space<vmem_shared>>
        %dma_start3A_33 = arith.constant 0 : i32
        %dma_start3A_34 = tpu.memref_slice %arg6[%mul3A_2, %dma_start3A_33] : memref<10008x16xf32, #tpu.memory_space<hbm>> -> memref<624x16xf32, #tpu.memory_space<hbm>>
        tpu.enqueue_dma source(%dma_start3A_34 : memref<624x16xf32, #tpu.memory_space<hbm>>) target(%dma_start3A_32 : memref<624x16xf32, #tpu.memory_space<vmem_shared>>) target_semaphore(%run_scoped3A : memref<!tpu.dma_semaphore, #tpu.memory_space<semaphore_mem>>)
        %dma_wait3A = arith.constant 0 : i32
        %dma_wait3A_35 = tpu.memref_slice %arg10[%mul3A_2, %dma_wait3A] : memref<10008x16xf32, #tpu.memory_space<vmem_shared>> -> memref<624x16xf32, #tpu.memory_space<vmem_shared>>
        %dma_wait3A_36 = arith.constant 0 : i32
        %dma_wait3A_37 = tpu.memref_slice %arg6[%mul3A_2, %dma_wait3A_36] : memref<10008x16xf32, #tpu.memory_space<hbm>> -> memref<624x16xf32, #tpu.memory_space<hbm>>
        tpu.wait_dma2 semaphore(%run_scoped3A : memref<!tpu.dma_semaphore, #tpu.memory_space<semaphore_mem>>) src(%dma_wait3A_37 : memref<624x16xf32, #tpu.memory_space<hbm>>) dst(%dma_wait3A_35 : memref<624x16xf32, #tpu.memory_space<vmem_shared>>)
        tpu.yield
      }) : () -> ()
    } else {
    }
    %eq3A = arith.constant 15 : i32
    %eq3A_5 = arith.cmpi eq, %arg1, %eq3A : i32
    %convert_element_type3A_6 = arith.extui %eq3A_5 : i1 to i32
    %cond3A_7 = arith.constant 0 : i32
    %cond3A_8 = arith.cmpi ne, %convert_element_type3A_6, %cond3A_7 : i32
    scf.if %cond3A_8 {
      "tpu.region"() ({
        %run_scoped3A = tpu.sem_alloc : memref<!tpu.dma_semaphore, #tpu.memory_space<semaphore_mem>>
        %dma_start3A_31 = arith.constant 9360 : i32
        %dma_start3A_32 = arith.constant 0 : i32
        %dma_start3A_33 = tpu.memref_slice %arg9[%dma_start3A_31, %dma_start3A_32] : memref<10008x128xf32, #tpu.memory_space<vmem_shared>> -> memref<648x128xf32, #tpu.memory_space<vmem_shared>>
        %dma_start3A_34 = arith.constant 9360 : i32
        %dma_start3A_35 = arith.constant 0 : i32
        %dma_start3A_36 = tpu.memref_slice %arg5[%dma_start3A_34, %dma_start3A_35] : memref<10008x128xf32, #tpu.memory_space<hbm>> -> memref<648x128xf32, #tpu.memory_space<hbm>>
        tpu.enqueue_dma source(%dma_start3A_36 : memref<648x128xf32, #tpu.memory_space<hbm>>) target(%dma_start3A_33 : memref<648x128xf32, #tpu.memory_space<vmem_shared>>) target_semaphore(%run_scoped3A : memref<!tpu.dma_semaphore, #tpu.memory_space<semaphore_mem>>)
        %dma_wait3A = arith.constant 9360 : i32
        %dma_wait3A_37 = arith.constant 0 : i32
        %dma_wait3A_38 = tpu.memref_slice %arg9[%dma_wait3A, %dma_wait3A_37] : memref<10008x128xf32, #tpu.memory_space<vmem_shared>> -> memref<648x128xf32, #tpu.memory_space<vmem_shared>>
        %dma_wait3A_39 = arith.constant 9360 : i32
        %dma_wait3A_40 = arith.constant 0 : i32
        %dma_wait3A_41 = tpu.memref_slice %arg5[%dma_wait3A_39, %dma_wait3A_40] : memref<10008x128xf32, #tpu.memory_space<hbm>> -> memref<648x128xf32, #tpu.memory_space<hbm>>
        tpu.wait_dma2 semaphore(%run_scoped3A : memref<!tpu.dma_semaphore, #tpu.memory_space<semaphore_mem>>) src(%dma_wait3A_41 : memref<648x128xf32, #tpu.memory_space<hbm>>) dst(%dma_wait3A_38 : memref<648x128xf32, #tpu.memory_space<vmem_shared>>)
        tpu.yield
      }) : () -> ()
      "tpu.region"() ({
        %run_scoped3A = tpu.sem_alloc : memref<!tpu.dma_semaphore, #tpu.memory_space<semaphore_mem>>
        %dma_start3A_31 = arith.constant 9360 : i32
        %dma_start3A_32 = arith.constant 0 : i32
        %dma_start3A_33 = tpu.memref_slice %arg10[%dma_start3A_31, %dma_start3A_32] : memref<10008x16xf32, #tpu.memory_space<vmem_shared>> -> memref<648x16xf32, #tpu.memory_space<vmem_shared>>
        %dma_start3A_34 = arith.constant 9360 : i32
        %dma_start3A_35 = arith.constant 0 : i32
        %dma_start3A_36 = tpu.memref_slice %arg6[%dma_start3A_34, %dma_start3A_35] : memref<10008x16xf32, #tpu.memory_space<hbm>> -> memref<648x16xf32, #tpu.memory_space<hbm>>
        tpu.enqueue_dma source(%dma_start3A_36 : memref<648x16xf32, #tpu.memory_space<hbm>>) target(%dma_start3A_33 : memref<648x16xf32, #tpu.memory_space<vmem_shared>>) target_semaphore(%run_scoped3A : memref<!tpu.dma_semaphore, #tpu.memory_space<semaphore_mem>>)
        %dma_wait3A = arith.constant 9360 : i32
        %dma_wait3A_37 = arith.constant 0 : i32
        %dma_wait3A_38 = tpu.memref_slice %arg10[%dma_wait3A, %dma_wait3A_37] : memref<10008x16xf32, #tpu.memory_space<vmem_shared>> -> memref<648x16xf32, #tpu.memory_space<vmem_shared>>
        %dma_wait3A_39 = arith.constant 9360 : i32
        %dma_wait3A_40 = arith.constant 0 : i32
        %dma_wait3A_41 = tpu.memref_slice %arg6[%dma_wait3A_39, %dma_wait3A_40] : memref<10008x16xf32, #tpu.memory_space<hbm>> -> memref<648x16xf32, #tpu.memory_space<hbm>>
        tpu.wait_dma2 semaphore(%run_scoped3A : memref<!tpu.dma_semaphore, #tpu.memory_space<semaphore_mem>>) src(%dma_wait3A_41 : memref<648x16xf32, #tpu.memory_space<hbm>>) dst(%dma_wait3A_38 : memref<648x16xf32, #tpu.memory_space<vmem_shared>>)
        tpu.yield
      }) : () -> ()
    } else {
    }
    %barrier3A = arith.constant 0 : index
    tpu.barrier barrier_id(%barrier3A)
    %dma_start3A = arith.constant 0 : i32
    %dma_start3A_9 = arith.constant 0 : i32
    %dma_start3A_10 = tpu.memref_slice %arg4[%add3A, %dma_start3A, %dma_start3A_9] : memref<1344x2x240xi32, #tpu.memory_space<hbm>> -> memref<1x2x240xi32, #tpu.memory_space<hbm>>
    %dma_start3A_11 = tpu.memref_squeeze %dma_start3A_10 : memref<1x2x240xi32, #tpu.memory_space<hbm>> -> memref<2x240xi32, #tpu.memory_space<hbm>>
    %dma_start3A_12 = arith.constant 0 : i32
    %dma_start3A_13 = arith.constant 0 : i32
    %dma_start3A_14 = tpu.memref_slice %arg4[%add3A, %dma_start3A_12, %dma_start3A_13] : memref<1344x2x240xi32, #tpu.memory_space<hbm>> -> memref<1x2x240xi32, #tpu.memory_space<hbm>>
    %dma_start3A_15 = tpu.memref_squeeze %dma_start3A_14 : memref<1x2x240xi32, #tpu.memory_space<hbm>> -> memref<2x240xi32, #tpu.memory_space<hbm>>
    tpu.enqueue_dma source(%dma_start3A_15 : memref<2x240xi32, #tpu.memory_space<hbm>>) target(%arg11 : memref<2x240xi32, #tpu.memory_space<vmem>>) target_semaphore(%arg17 : memref<!tpu.dma_semaphore, #tpu.memory_space<semaphore_mem>>)
    %scan3A = arith.constant 0 : i32
    %scan3A_16 = arith.constant 21 : i32
    %scan3A_17 = arith.addi %scan3A, %scan3A_16 : i32
    %scan3A_18 = arith.constant 1 : i32
    scf.for %scan3A_31 = %scan3A to %scan3A_17 step %scan3A_18  : i32 {
      %mul3A_32 = arith.constant 2 : i32
      %mul3A_33 = arith.muli %mul3A_32, %scan3A_31 : i32
      %add3A_34 = arith.constant 0 : i32
      %add3A_35 = arith.addi %mul3A_33, %add3A_34 : i32
      %dma_wait3A = arith.constant 0 : i32
      %dma_wait3A_36 = arith.constant 0 : i32
      %dma_wait3A_37 = arith.constant 0 : i32
      %dma_wait3A_38 = tpu.memref_slice %arg4[%dma_wait3A, %dma_wait3A_36, %dma_wait3A_37] : memref<1344x2x240xi32, #tpu.memory_space<hbm>> -> memref<1x2x240xi32, #tpu.memory_space<hbm>>
      %dma_wait3A_39 = tpu.memref_squeeze %dma_wait3A_38 : memref<1x2x240xi32, #tpu.memory_space<hbm>> -> memref<2x240xi32, #tpu.memory_space<hbm>>
      %dma_wait3A_40 = arith.constant 0 : i32
      %dma_wait3A_41 = arith.constant 0 : i32
      %dma_wait3A_42 = tpu.memref_slice %arg4[%dma_wait3A, %dma_wait3A_40, %dma_wait3A_41] : memref<1344x2x240xi32, #tpu.memory_space<hbm>> -> memref<1x2x240xi32, #tpu.memory_space<hbm>>
      %dma_wait3A_43 = tpu.memref_squeeze %dma_wait3A_42 : memref<1x2x240xi32, #tpu.memory_space<hbm>> -> memref<2x240xi32, #tpu.memory_space<hbm>>
      tpu.wait_dma2 semaphore(%arg17 : memref<!tpu.dma_semaphore, #tpu.memory_space<semaphore_mem>>) src(%dma_wait3A_43 : memref<2x240xi32, #tpu.memory_space<hbm>>) dst(%arg11 : memref<2x240xi32, #tpu.memory_space<vmem>>)
      %get3A = arith.constant 0 : i32
      %get3A_44 = arith.index_cast %get3A : i32 to index
      %get3A_45 = arith.constant 0 : index
      %get3A_46 = tpu.vector_load %arg11[%get3A_44, %get3A_45] {strides = array<i32>} : memref<2x240xi32, #tpu.memory_space<vmem>>, vector<1x16xi32>,
      %get3A_47 = vector.shape_cast %get3A_46 : vector<1x16xi32> to vector<16xi32>
      %swap3A = arith.constant 0 : i32
      %swap3A_48 = arith.index_cast %swap3A : i32 to index
      %swap3A_49 = arith.constant 0 : index
      %swap3A_50 = tpu.vector_load %arg13[%swap3A_48, %swap3A_49] {strides = array<i32>} : memref<1x480xi32, #tpu.memory_space<vmem>>, vector<1x16xi32>,
      %swap3A_51 = vector.shape_cast %swap3A_50 : vector<1x16xi32> to vector<16xi32>
      %swap3A_52 = vector.shape_cast %get3A_47 : vector<16xi32> to vector<1x16xi32>
      tpu.vector_store %arg13[%swap3A_48, %swap3A_49], %swap3A_52 {strides = array<i32>} : memref<1x480xi32, #tpu.memory_space<vmem>>, vector<1x16xi32>,
      %get3A_53 = arith.constant 1 : i32
      %get3A_54 = arith.index_cast %get3A_53 : i32 to index
      %get3A_55 = arith.constant 0 : index
      %get3A_56 = tpu.vector_load %arg11[%get3A_54, %get3A_55] {strides = array<i32>} : memref<2x240xi32, #tpu.memory_space<vmem>>, vector<1x16xi32>,
      %get3A_57 = vector.shape_cast %get3A_56 : vector<1x16xi32> to vector<16xi32>
      %add3A_58 = arith.constant 10008 : i32
      %add3A_59 = vector.broadcast %add3A_58 : i32 to vector<16xi32>
      %add3A_60 = arith.addi %get3A_57, %add3A_59 : vector<16xi32>
      %swap3A_61 = arith.constant 0 : i32
      %swap3A_62 = arith.index_cast %swap3A_61 : i32 to index
      %swap3A_63 = arith.constant 240 : index
      %swap3A_64 = tpu.vector_load %arg13[%swap3A_62, %swap3A_63] {strides = array<i32>} : memref<1x480xi32, #tpu.memory_space<vmem>>, vector<1x16xi32>,
      %swap3A_65 = vector.shape_cast %swap3A_64 : vector<1x16xi32> to vector<16xi32>
      %swap3A_66 = vector.shape_cast %add3A_60 : vector<16xi32> to vector<1x16xi32>
      tpu.vector_store %arg13[%swap3A_62, %swap3A_63], %swap3A_66 {strides = array<i32>} : memref<1x480xi32, #tpu.memory_space<vmem>>, vector<1x16xi32>,
      %get3A_67 = arith.constant 0 : i32
      %get3A_68 = arith.index_cast %get3A_67 : i32 to index
      %get3A_69 = arith.constant 16 : index
      %get3A_70 = tpu.vector_load %arg11[%get3A_68, %get3A_69] {strides = array<i32>} : memref<2x240xi32, #tpu.memory_space<vmem>>, vector<1x16xi32>,
      %get3A_71 = vector.shape_cast %get3A_70 : vector<1x16xi32> to vector<16xi32>
      %swap3A_72 = arith.constant 0 : i32
      %swap3A_73 = arith.index_cast %swap3A_72 : i32 to index
      %swap3A_74 = arith.constant 16 : index
      %swap3A_75 = tpu.vector_load %arg13[%swap3A_73, %swap3A_74] {strides = array<i32>} : memref<1x480xi32, #tpu.memory_space<vmem>>, vector<1x16xi32>,
      %swap3A_76 = vector.shape_cast %swap3A_75 : vector<1x16xi32> to vector<16xi32>
      %swap3A_77 = vector.shape_cast %get3A_71 : vector<16xi32> to vector<1x16xi32>
      tpu.vector_store %arg13[%swap3A_73, %swap3A_74], %swap3A_77 {strides = array<i32>} : memref<1x480xi32, #tpu.memory_space<vmem>>, vector<1x16xi32>,
      %get3A_78 = arith.constant 1 : i32
      %get3A_79 = arith.index_cast %get3A_78 : i32 to index
      %get3A_80 = arith.constant 16 : index
      %get3A_81 = tpu.vector_load %arg11[%get3A_79, %get3A_80] {strides = array<i32>} : memref<2x240xi32, #tpu.memory_space<vmem>>, vector<1x16xi32>,
      %get3A_82 = vector.shape_cast %get3A_81 : vector<1x16xi32> to vector<16xi32>
      %add3A_83 = arith.constant 10008 : i32
      %add3A_84 = vector.broadcast %add3A_83 : i32 to vector<16xi32>
      %add3A_85 = arith.addi %get3A_82, %add3A_84 : vector<16xi32>
      %swap3A_86 = arith.constant 0 : i32
      %swap3A_87 = arith.index_cast %swap3A_86 : i32 to index
      %swap3A_88 = arith.constant 256 : index
      %swap3A_89 = tpu.vector_load %arg13[%swap3A_87, %swap3A_88] {strides = array<i32>} : memref<1x480xi32, #tpu.memory_space<vmem>>, vector<1x16xi32>,
      %swap3A_90 = vector.shape_cast %swap3A_89 : vector<1x16xi32> to vector<16xi32>
      %swap3A_91 = vector.shape_cast %add3A_85 : vector<16xi32> to vector<1x16xi32>
      tpu.vector_store %arg13[%swap3A_87, %swap3A_88], %swap3A_91 {strides = array<i32>} : memref<1x480xi32, #tpu.memory_space<vmem>>, vector<1x16xi32>,
      %get3A_92 = arith.constant 0 : i32
      %get3A_93 = arith.index_cast %get3A_92 : i32 to index
      %get3A_94 = arith.constant 32 : index
      %get3A_95 = tpu.vector_load %arg11[%get3A_93, %get3A_94] {strides = array<i32>} : memref<2x240xi32, #tpu.memory_space<vmem>>, vector<1x16xi32>,
      %get3A_96 = vector.shape_cast %get3A_95 : vector<1x16xi32> to vector<16xi32>
      %swap3A_97 = arith.constant 0 : i32
      %swap3A_98 = arith.index_cast %swap3A_97 : i32 to index
      %swap3A_99 = arith.constant 32 : index
      %swap3A_100 = tpu.vector_load %arg13[%swap3A_98, %swap3A_99] {strides = array<i32>} : memref<1x480xi32, #tpu.memory_space<vmem>>, vector<1x16xi32>,
      %swap3A_101 = vector.shape_cast %swap3A_100 : vector<1x16xi32> to vector<16xi32>
      %swap3A_102 = vector.shape_cast %get3A_96 : vector<16xi32> to vector<1x16xi32>
      tpu.vector_store %arg13[%swap3A_98, %swap3A_99], %swap3A_102 {strides = array<i32>} : memref<1x480xi32, #tpu.memory_space<vmem>>, vector<1x16xi32>,
      %get3A_103 = arith.constant 1 : i32
      %get3A_104 = arith.index_cast %get3A_103 : i32 to index
      %get3A_105 = arith.constant 32 : index
      %get3A_106 = tpu.vector_load %arg11[%get3A_104, %get3A_105] {strides = array<i32>} : memref<2x240xi32, #tpu.memory_space<vmem>>, vector<1x16xi32>,
      %get3A_107 = vector.shape_cast %get3A_106 : vector<1x16xi32> to vector<16xi32>
      %add3A_108 = arith.constant 10008 : i32
      %add3A_109 = vector.broadcast %add3A_108 : i32 to vector<16xi32>
      %add3A_110 = arith.addi %get3A_107, %add3A_109 : vector<16xi32>
      %swap3A_111 = arith.constant 0 : i32
      %swap3A_112 = arith.index_cast %swap3A_111 : i32 to index
      %swap3A_113 = arith.constant 272 : index
      %swap3A_114 = tpu.vector_load %arg13[%swap3A_112, %swap3A_113] {strides = array<i32>} : memref<1x480xi32, #tpu.memory_space<vmem>>, vector<1x16xi32>,
      %swap3A_115 = vector.shape_cast %swap3A_114 : vector<1x16xi32> to vector<16xi32>
      %swap3A_116 = vector.shape_cast %add3A_110 : vector<16xi32> to vector<1x16xi32>
      tpu.vector_store %arg13[%swap3A_112, %swap3A_113], %swap3A_116 {strides = array<i32>} : memref<1x480xi32, #tpu.memory_space<vmem>>, vector<1x16xi32>,
      %get3A_117 = arith.constant 0 : i32
      %get3A_118 = arith.index_cast %get3A_117 : i32 to index
      %get3A_119 = arith.constant 48 : index
      %get3A_120 = tpu.vector_load %arg11[%get3A_118, %get3A_119] {strides = array<i32>} : memref<2x240xi32, #tpu.memory_space<vmem>>, vector<1x16xi32>,
      %get3A_121 = vector.shape_cast %get3A_120 : vector<1x16xi32> to vector<16xi32>
      %swap3A_122 = arith.constant 0 : i32
      %swap3A_123 = arith.index_cast %swap3A_122 : i32 to index
      %swap3A_124 = arith.constant 48 : index
      %swap3A_125 = tpu.vector_load %arg13[%swap3A_123, %swap3A_124] {strides = array<i32>} : memref<1x480xi32, #tpu.memory_space<vmem>>, vector<1x16xi32>,
      %swap3A_126 = vector.shape_cast %swap3A_125 : vector<1x16xi32> to vector<16xi32>
      %swap3A_127 = vector.shape_cast %get3A_121 : vector<16xi32> to vector<1x16xi32>
      tpu.vector_store %arg13[%swap3A_123, %swap3A_124], %swap3A_127 {strides = array<i32>} : memref<1x480xi32, #tpu.memory_space<vmem>>, vector<1x16xi32>,
      %get3A_128 = arith.constant 1 : i32
      %get3A_129 = arith.index_cast %get3A_128 : i32 to index
      %get3A_130 = arith.constant 48 : index
      %get3A_131 = tpu.vector_load %arg11[%get3A_129, %get3A_130] {strides = array<i32>} : memref<2x240xi32, #tpu.memory_space<vmem>>, vector<1x16xi32>,
      %get3A_132 = vector.shape_cast %get3A_131 : vector<1x16xi32> to vector<16xi32>
      %add3A_133 = arith.constant 10008 : i32
      %add3A_134 = vector.broadcast %add3A_133 : i32 to vector<16xi32>
      %add3A_135 = arith.addi %get3A_132, %add3A_134 : vector<16xi32>
      %swap3A_136 = arith.constant 0 : i32
      %swap3A_137 = arith.index_cast %swap3A_136 : i32 to index
      %swap3A_138 = arith.constant 288 : index
      %swap3A_139 = tpu.vector_load %arg13[%swap3A_137, %swap3A_138] {strides = array<i32>} : memref<1x480xi32, #tpu.memory_space<vmem>>, vector<1x16xi32>,
      %swap3A_140 = vector.shape_cast %swap3A_139 : vector<1x16xi32> to vector<16xi32>
      %swap3A_141 = vector.shape_cast %add3A_135 : vector<16xi32> to vector<1x16xi32>
      tpu.vector_store %arg13[%swap3A_137, %swap3A_138], %swap3A_141 {strides = array<i32>} : memref<1x480xi32, #tpu.memory_space<vmem>>, vector<1x16xi32>,
      %get3A_142 = arith.constant 0 : i32
      %get3A_143 = arith.index_cast %get3A_142 : i32 to index
      %get3A_144 = arith.constant 64 : index
      %get3A_145 = tpu.vector_load %arg11[%get3A_143, %get3A_144] {strides = array<i32>} : memref<2x240xi32, #tpu.memory_space<vmem>>, vector<1x16xi32>,
      %get3A_146 = vector.shape_cast %get3A_145 : vector<1x16xi32> to vector<16xi32>
      %swap3A_147 = arith.constant 0 : i32
      %swap3A_148 = arith.index_cast %swap3A_147 : i32 to index
      %swap3A_149 = arith.constant 64 : index
      %swap3A_150 = tpu.vector_load %arg13[%swap3A_148, %swap3A_149] {strides = array<i32>} : memref<1x480xi32, #tpu.memory_space<vmem>>, vector<1x16xi32>,
      %swap3A_151 = vector.shape_cast %swap3A_150 : vector<1x16xi32> to vector<16xi32>
      %swap3A_152 = vector.shape_cast %get3A_146 : vector<16xi32> to vector<1x16xi32>
      tpu.vector_store %arg13[%swap3A_148, %swap3A_149], %swap3A_152 {strides = array<i32>} : memref<1x480xi32, #tpu.memory_space<vmem>>, vector<1x16xi32>,
      %get3A_153 = arith.constant 1 : i32
      %get3A_154 = arith.index_cast %get3A_153 : i32 to index
      %get3A_155 = arith.constant 64 : index
      %get3A_156 = tpu.vector_load %arg11[%get3A_154, %get3A_155] {strides = array<i32>} : memref<2x240xi32, #tpu.memory_space<vmem>>, vector<1x16xi32>,
      %get3A_157 = vector.shape_cast %get3A_156 : vector<1x16xi32> to vector<16xi32>
      %add3A_158 = arith.constant 10008 : i32
      %add3A_159 = vector.broadcast %add3A_158 : i32 to vector<16xi32>
      %add3A_160 = arith.addi %get3A_157, %add3A_159 : vector<16xi32>
      %swap3A_161 = arith.constant 0 : i32
      %swap3A_162 = arith.index_cast %swap3A_161 : i32 to index
      %swap3A_163 = arith.constant 304 : index
      %swap3A_164 = tpu.vector_load %arg13[%swap3A_162, %swap3A_163] {strides = array<i32>} : memref<1x480xi32, #tpu.memory_space<vmem>>, vector<1x16xi32>,
      %swap3A_165 = vector.shape_cast %swap3A_164 : vector<1x16xi32> to vector<16xi32>
      %swap3A_166 = vector.shape_cast %add3A_160 : vector<16xi32> to vector<1x16xi32>
      tpu.vector_store %arg13[%swap3A_162, %swap3A_163], %swap3A_166 {strides = array<i32>} : memref<1x480xi32, #tpu.memory_space<vmem>>, vector<1x16xi32>,
      %get3A_167 = arith.constant 0 : i32
      %get3A_168 = arith.index_cast %get3A_167 : i32 to index
      %get3A_169 = arith.constant 80 : index
      %get3A_170 = tpu.vector_load %arg11[%get3A_168, %get3A_169] {strides = array<i32>} : memref<2x240xi32, #tpu.memory_space<vmem>>, vector<1x16xi32>,
      %get3A_171 = vector.shape_cast %get3A_170 : vector<1x16xi32> to vector<16xi32>
      %swap3A_172 = arith.constant 0 : i32
      %swap3A_173 = arith.index_cast %swap3A_172 : i32 to index
      %swap3A_174 = arith.constant 80 : index
      %swap3A_175 = tpu.vector_load %arg13[%swap3A_173, %swap3A_174] {strides = array<i32>} : memref<1x480xi32, #tpu.memory_space<vmem>>, vector<1x16xi32>,
      %swap3A_176 = vector.shape_cast %swap3A_175 : vector<1x16xi32> to vector<16xi32>
      %swap3A_177 = vector.shape_cast %get3A_171 : vector<16xi32> to vector<1x16xi32>
      tpu.vector_store %arg13[%swap3A_173, %swap3A_174], %swap3A_177 {strides = array<i32>} : memref<1x480xi32, #tpu.memory_space<vmem>>, vector<1x16xi32>,
      %get3A_178 = arith.constant 1 : i32
      %get3A_179 = arith.index_cast %get3A_178 : i32 to index
      %get3A_180 = arith.constant 80 : index
      %get3A_181 = tpu.vector_load %arg11[%get3A_179, %get3A_180] {strides = array<i32>} : memref<2x240xi32, #tpu.memory_space<vmem>>, vector<1x16xi32>,
      %get3A_182 = vector.shape_cast %get3A_181 : vector<1x16xi32> to vector<16xi32>
      %add3A_183 = arith.constant 10008 : i32
      %add3A_184 = vector.broadcast %add3A_183 : i32 to vector<16xi32>
      %add3A_185 = arith.addi %get3A_182, %add3A_184 : vector<16xi32>
      %swap3A_186 = arith.constant 0 : i32
      %swap3A_187 = arith.index_cast %swap3A_186 : i32 to index
      %swap3A_188 = arith.constant 320 : index
      %swap3A_189 = tpu.vector_load %arg13[%swap3A_187, %swap3A_188] {strides = array<i32>} : memref<1x480xi32, #tpu.memory_space<vmem>>, vector<1x16xi32>,
      %swap3A_190 = vector.shape_cast %swap3A_189 : vector<1x16xi32> to vector<16xi32>
      %swap3A_191 = vector.shape_cast %add3A_185 : vector<16xi32> to vector<1x16xi32>
      tpu.vector_store %arg13[%swap3A_187, %swap3A_188], %swap3A_191 {strides = array<i32>} : memref<1x480xi32, #tpu.memory_space<vmem>>, vector<1x16xi32>,
      %get3A_192 = arith.constant 0 : i32
      %get3A_193 = arith.index_cast %get3A_192 : i32 to index
      %get3A_194 = arith.constant 96 : index
      %get3A_195 = tpu.vector_load %arg11[%get3A_193, %get3A_194] {strides = array<i32>} : memref<2x240xi32, #tpu.memory_space<vmem>>, vector<1x16xi32>,
      %get3A_196 = vector.shape_cast %get3A_195 : vector<1x16xi32> to vector<16xi32>
      %swap3A_197 = arith.constant 0 : i32
      %swap3A_198 = arith.index_cast %swap3A_197 : i32 to index
      %swap3A_199 = arith.constant 96 : index
      %swap3A_200 = tpu.vector_load %arg13[%swap3A_198, %swap3A_199] {strides = array<i32>} : memref<1x480xi32, #tpu.memory_space<vmem>>, vector<1x16xi32>,
      %swap3A_201 = vector.shape_cast %swap3A_200 : vector<1x16xi32> to vector<16xi32>
      %swap3A_202 = vector.shape_cast %get3A_196 : vector<16xi32> to vector<1x16xi32>
      tpu.vector_store %arg13[%swap3A_198, %swap3A_199], %swap3A_202 {strides = array<i32>} : memref<1x480xi32, #tpu.memory_space<vmem>>, vector<1x16xi32>,
      %get3A_203 = arith.constant 1 : i32
      %get3A_204 = arith.index_cast %get3A_203 : i32 to index
      %get3A_205 = arith.constant 96 : index
      %get3A_206 = tpu.vector_load %arg11[%get3A_204, %get3A_205] {strides = array<i32>} : memref<2x240xi32, #tpu.memory_space<vmem>>, vector<1x16xi32>,
      %get3A_207 = vector.shape_cast %get3A_206 : vector<1x16xi32> to vector<16xi32>
      %add3A_208 = arith.constant 10008 : i32
      %add3A_209 = vector.broadcast %add3A_208 : i32 to vector<16xi32>
      %add3A_210 = arith.addi %get3A_207, %add3A_209 : vector<16xi32>
      %swap3A_211 = arith.constant 0 : i32
      %swap3A_212 = arith.index_cast %swap3A_211 : i32 to index
      %swap3A_213 = arith.constant 336 : index
      %swap3A_214 = tpu.vector_load %arg13[%swap3A_212, %swap3A_213] {strides = array<i32>} : memref<1x480xi32, #tpu.memory_space<vmem>>, vector<1x16xi32>,
      %swap3A_215 = vector.shape_cast %swap3A_214 : vector<1x16xi32> to vector<16xi32>
      %swap3A_216 = vector.shape_cast %add3A_210 : vector<16xi32> to vector<1x16xi32>
      tpu.vector_store %arg13[%swap3A_212, %swap3A_213], %swap3A_216 {strides = array<i32>} : memref<1x480xi32, #tpu.memory_space<vmem>>, vector<1x16xi32>,
      %get3A_217 = arith.constant 0 : i32
      %get3A_218 = arith.index_cast %get3A_217 : i32 to index
      %get3A_219 = arith.constant 112 : index
      %get3A_220 = tpu.vector_load %arg11[%get3A_218, %get3A_219] {strides = array<i32>} : memref<2x240xi32, #tpu.memory_space<vmem>>, vector<1x16xi32>,
      %get3A_221 = vector.shape_cast %get3A_220 : vector<1x16xi32> to vector<16xi32>
      %swap3A_222 = arith.constant 0 : i32
      %swap3A_223 = arith.index_cast %swap3A_222 : i32 to index
      %swap3A_224 = arith.constant 112 : index
      %swap3A_225 = tpu.vector_load %arg13[%swap3A_223, %swap3A_224] {strides = array<i32>} : memref<1x480xi32, #tpu.memory_space<vmem>>, vector<1x16xi32>,
      %swap3A_226 = vector.shape_cast %swap3A_225 : vector<1x16xi32> to vector<16xi32>
      %swap3A_227 = vector.shape_cast %get3A_221 : vector<16xi32> to vector<1x16xi32>
      tpu.vector_store %arg13[%swap3A_223, %swap3A_224], %swap3A_227 {strides = array<i32>} : memref<1x480xi32, #tpu.memory_space<vmem>>, vector<1x16xi32>,
      %get3A_228 = arith.constant 1 : i32
      %get3A_229 = arith.index_cast %get3A_228 : i32 to index
      %get3A_230 = arith.constant 112 : index
      %get3A_231 = tpu.vector_load %arg11[%get3A_229, %get3A_230] {strides = array<i32>} : memref<2x240xi32, #tpu.memory_space<vmem>>, vector<1x16xi32>,
      %get3A_232 = vector.shape_cast %get3A_231 : vector<1x16xi32> to vector<16xi32>
      %add3A_233 = arith.constant 10008 : i32
      %add3A_234 = vector.broadcast %add3A_233 : i32 to vector<16xi32>
      %add3A_235 = arith.addi %get3A_232, %add3A_234 : vector<16xi32>
      %swap3A_236 = arith.constant 0 : i32
      %swap3A_237 = arith.index_cast %swap3A_236 : i32 to index
      %swap3A_238 = arith.constant 352 : index
      %swap3A_239 = tpu.vector_load %arg13[%swap3A_237, %swap3A_238] {strides = array<i32>} : memref<1x480xi32, #tpu.memory_space<vmem>>, vector<1x16xi32>,
      %swap3A_240 = vector.shape_cast %swap3A_239 : vector<1x16xi32> to vector<16xi32>
      %swap3A_241 = vector.shape_cast %add3A_235 : vector<16xi32> to vector<1x16xi32>
      tpu.vector_store %arg13[%swap3A_237, %swap3A_238], %swap3A_241 {strides = array<i32>} : memref<1x480xi32, #tpu.memory_space<vmem>>, vector<1x16xi32>,
      %get3A_242 = arith.constant 0 : i32
      %get3A_243 = arith.index_cast %get3A_242 : i32 to index
      %get3A_244 = arith.constant 128 : index
      %get3A_245 = tpu.vector_load %arg11[%get3A_243, %get3A_244] {strides = array<i32>} : memref<2x240xi32, #tpu.memory_space<vmem>>, vector<1x16xi32>,
      %get3A_246 = vector.shape_cast %get3A_245 : vector<1x16xi32> to vector<16xi32>
      %swap3A_247 = arith.constant 0 : i32
      %swap3A_248 = arith.index_cast %swap3A_247 : i32 to index
      %swap3A_249 = arith.constant 128 : index
      %swap3A_250 = tpu.vector_load %arg13[%swap3A_248, %swap3A_249] {strides = array<i32>} : memref<1x480xi32, #tpu.memory_space<vmem>>, vector<1x16xi32>,
      %swap3A_251 = vector.shape_cast %swap3A_250 : vector<1x16xi32> to vector<16xi32>
      %swap3A_252 = vector.shape_cast %get3A_246 : vector<16xi32> to vector<1x16xi32>
      tpu.vector_store %arg13[%swap3A_248, %swap3A_249], %swap3A_252 {strides = array<i32>} : memref<1x480xi32, #tpu.memory_space<vmem>>, vector<1x16xi32>,
      %get3A_253 = arith.constant 1 : i32
      %get3A_254 = arith.index_cast %get3A_253 : i32 to index
      %get3A_255 = arith.constant 128 : index
      %get3A_256 = tpu.vector_load %arg11[%get3A_254, %get3A_255] {strides = array<i32>} : memref<2x240xi32, #tpu.memory_space<vmem>>, vector<1x16xi32>,
      %get3A_257 = vector.shape_cast %get3A_256 : vector<1x16xi32> to vector<16xi32>
      %add3A_258 = arith.constant 10008 : i32
      %add3A_259 = vector.broadcast %add3A_258 : i32 to vector<16xi32>
      %add3A_260 = arith.addi %get3A_257, %add3A_259 : vector<16xi32>
      %swap3A_261 = arith.constant 0 : i32
      %swap3A_262 = arith.index_cast %swap3A_261 : i32 to index
      %swap3A_263 = arith.constant 368 : index
      %swap3A_264 = tpu.vector_load %arg13[%swap3A_262, %swap3A_263] {strides = array<i32>} : memref<1x480xi32, #tpu.memory_space<vmem>>, vector<1x16xi32>,
      %swap3A_265 = vector.shape_cast %swap3A_264 : vector<1x16xi32> to vector<16xi32>
      %swap3A_266 = vector.shape_cast %add3A_260 : vector<16xi32> to vector<1x16xi32>
      tpu.vector_store %arg13[%swap3A_262, %swap3A_263], %swap3A_266 {strides = array<i32>} : memref<1x480xi32, #tpu.memory_space<vmem>>, vector<1x16xi32>,
      %get3A_267 = arith.constant 0 : i32
      %get3A_268 = arith.index_cast %get3A_267 : i32 to index
      %get3A_269 = arith.constant 144 : index
      %get3A_270 = tpu.vector_load %arg11[%get3A_268, %get3A_269] {strides = array<i32>} : memref<2x240xi32, #tpu.memory_space<vmem>>, vector<1x16xi32>,
      %get3A_271 = vector.shape_cast %get3A_270 : vector<1x16xi32> to vector<16xi32>
      %swap3A_272 = arith.constant 0 : i32
      %swap3A_273 = arith.index_cast %swap3A_272 : i32 to index
      %swap3A_274 = arith.constant 144 : index
      %swap3A_275 = tpu.vector_load %arg13[%swap3A_273, %swap3A_274] {strides = array<i32>} : memref<1x480xi32, #tpu.memory_space<vmem>>, vector<1x16xi32>,
      %swap3A_276 = vector.shape_cast %swap3A_275 : vector<1x16xi32> to vector<16xi32>
      %swap3A_277 = vector.shape_cast %get3A_271 : vector<16xi32> to vector<1x16xi32>
      tpu.vector_store %arg13[%swap3A_273, %swap3A_274], %swap3A_277 {strides = array<i32>} : memref<1x480xi32, #tpu.memory_space<vmem>>, vector<1x16xi32>,
      %get3A_278 = arith.constant 1 : i32
      %get3A_279 = arith.index_cast %get3A_278 : i32 to index
      %get3A_280 = arith.constant 144 : index
      %get3A_281 = tpu.vector_load %arg11[%get3A_279, %get3A_280] {strides = array<i32>} : memref<2x240xi32, #tpu.memory_space<vmem>>, vector<1x16xi32>,
      %get3A_282 = vector.shape_cast %get3A_281 : vector<1x16xi32> to vector<16xi32>
      %add3A_283 = arith.constant 10008 : i32
      %add3A_284 = vector.broadcast %add3A_283 : i32 to vector<16xi32>
      %add3A_285 = arith.addi %get3A_282, %add3A_284 : vector<16xi32>
      %swap3A_286 = arith.constant 0 : i32
      %swap3A_287 = arith.index_cast %swap3A_286 : i32 to index
      %swap3A_288 = arith.constant 384 : index
      %swap3A_289 = tpu.vector_load %arg13[%swap3A_287, %swap3A_288] {strides = array<i32>} : memref<1x480xi32, #tpu.memory_space<vmem>>, vector<1x16xi32>,
      %swap3A_290 = vector.shape_cast %swap3A_289 : vector<1x16xi32> to vector<16xi32>
      %swap3A_291 = vector.shape_cast %add3A_285 : vector<16xi32> to vector<1x16xi32>
      tpu.vector_store %arg13[%swap3A_287, %swap3A_288], %swap3A_291 {strides = array<i32>} : memref<1x480xi32, #tpu.memory_space<vmem>>, vector<1x16xi32>,
      %get3A_292 = arith.constant 0 : i32
      %get3A_293 = arith.index_cast %get3A_292 : i32 to index
      %get3A_294 = arith.constant 160 : index
      %get3A_295 = tpu.vector_load %arg11[%get3A_293, %get3A_294] {strides = array<i32>} : memref<2x240xi32, #tpu.memory_space<vmem>>, vector<1x16xi32>,
      %get3A_296 = vector.shape_cast %get3A_295 : vector<1x16xi32> to vector<16xi32>
      %swap3A_297 = arith.constant 0 : i32
      %swap3A_298 = arith.index_cast %swap3A_297 : i32 to index
      %swap3A_299 = arith.constant 160 : index
      %swap3A_300 = tpu.vector_load %arg13[%swap3A_298, %swap3A_299] {strides = array<i32>} : memref<1x480xi32, #tpu.memory_space<vmem>>, vector<1x16xi32>,
      %swap3A_301 = vector.shape_cast %swap3A_300 : vector<1x16xi32> to vector<16xi32>
      %swap3A_302 = vector.shape_cast %get3A_296 : vector<16xi32> to vector<1x16xi32>
      tpu.vector_store %arg13[%swap3A_298, %swap3A_299], %swap3A_302 {strides = array<i32>} : memref<1x480xi32, #tpu.memory_space<vmem>>, vector<1x16xi32>,
      %get3A_303 = arith.constant 1 : i32
      %get3A_304 = arith.index_cast %get3A_303 : i32 to index
      %get3A_305 = arith.constant 160 : index
      %get3A_306 = tpu.vector_load %arg11[%get3A_304, %get3A_305] {strides = array<i32>} : memref<2x240xi32, #tpu.memory_space<vmem>>, vector<1x16xi32>,
      %get3A_307 = vector.shape_cast %get3A_306 : vector<1x16xi32> to vector<16xi32>
      %add3A_308 = arith.constant 10008 : i32
      %add3A_309 = vector.broadcast %add3A_308 : i32 to vector<16xi32>
      %add3A_310 = arith.addi %get3A_307, %add3A_309 : vector<16xi32>
      %swap3A_311 = arith.constant 0 : i32
      %swap3A_312 = arith.index_cast %swap3A_311 : i32 to index
      %swap3A_313 = arith.constant 400 : index
      %swap3A_314 = tpu.vector_load %arg13[%swap3A_312, %swap3A_313] {strides = array<i32>} : memref<1x480xi32, #tpu.memory_space<vmem>>, vector<1x16xi32>,
      %swap3A_315 = vector.shape_cast %swap3A_314 : vector<1x16xi32> to vector<16xi32>
      %swap3A_316 = vector.shape_cast %add3A_310 : vector<16xi32> to vector<1x16xi32>
      tpu.vector_store %arg13[%swap3A_312, %swap3A_313], %swap3A_316 {strides = array<i32>} : memref<1x480xi32, #tpu.memory_space<vmem>>, vector<1x16xi32>,
      %get3A_317 = arith.constant 0 : i32
      %get3A_318 = arith.index_cast %get3A_317 : i32 to index
      %get3A_319 = arith.constant 176 : index
      %get3A_320 = tpu.vector_load %arg11[%get3A_318, %get3A_319] {strides = array<i32>} : memref<2x240xi32, #tpu.memory_space<vmem>>, vector<1x16xi32>,
      %get3A_321 = vector.shape_cast %get3A_320 : vector<1x16xi32> to vector<16xi32>
      %swap3A_322 = arith.constant 0 : i32
      %swap3A_323 = arith.index_cast %swap3A_322 : i32 to index
      %swap3A_324 = arith.constant 176 : index
      %swap3A_325 = tpu.vector_load %arg13[%swap3A_323, %swap3A_324] {strides = array<i32>} : memref<1x480xi32, #tpu.memory_space<vmem>>, vector<1x16xi32>,
      %swap3A_326 = vector.shape_cast %swap3A_325 : vector<1x16xi32> to vector<16xi32>
      %swap3A_327 = vector.shape_cast %get3A_321 : vector<16xi32> to vector<1x16xi32>
      tpu.vector_store %arg13[%swap3A_323, %swap3A_324], %swap3A_327 {strides = array<i32>} : memref<1x480xi32, #tpu.memory_space<vmem>>, vector<1x16xi32>,
      %get3A_328 = arith.constant 1 : i32
      %get3A_329 = arith.index_cast %get3A_328 : i32 to index
      %get3A_330 = arith.constant 176 : index
      %get3A_331 = tpu.vector_load %arg11[%get3A_329, %get3A_330] {strides = array<i32>} : memref<2x240xi32, #tpu.memory_space<vmem>>, vector<1x16xi32>,
      %get3A_332 = vector.shape_cast %get3A_331 : vector<1x16xi32> to vector<16xi32>
      %add3A_333 = arith.constant 10008 : i32
      %add3A_334 = vector.broadcast %add3A_333 : i32 to vector<16xi32>
      %add3A_335 = arith.addi %get3A_332, %add3A_334 : vector<16xi32>
      %swap3A_336 = arith.constant 0 : i32
      %swap3A_337 = arith.index_cast %swap3A_336 : i32 to index
      %swap3A_338 = arith.constant 416 : index
      %swap3A_339 = tpu.vector_load %arg13[%swap3A_337, %swap3A_338] {strides = array<i32>} : memref<1x480xi32, #tpu.memory_space<vmem>>, vector<1x16xi32>,
      %swap3A_340 = vector.shape_cast %swap3A_339 : vector<1x16xi32> to vector<16xi32>
      %swap3A_341 = vector.shape_cast %add3A_335 : vector<16xi32> to vector<1x16xi32>
      tpu.vector_store %arg13[%swap3A_337, %swap3A_338], %swap3A_341 {strides = array<i32>} : memref<1x480xi32, #tpu.memory_space<vmem>>, vector<1x16xi32>,
      %get3A_342 = arith.constant 0 : i32
      %get3A_343 = arith.index_cast %get3A_342 : i32 to index
      %get3A_344 = arith.constant 192 : index
      %get3A_345 = tpu.vector_load %arg11[%get3A_343, %get3A_344] {strides = array<i32>} : memref<2x240xi32, #tpu.memory_space<vmem>>, vector<1x16xi32>,
      %get3A_346 = vector.shape_cast %get3A_345 : vector<1x16xi32> to vector<16xi32>
      %swap3A_347 = arith.constant 0 : i32
      %swap3A_348 = arith.index_cast %swap3A_347 : i32 to index
      %swap3A_349 = arith.constant 192 : index
      %swap3A_350 = tpu.vector_load %arg13[%swap3A_348, %swap3A_349] {strides = array<i32>} : memref<1x480xi32, #tpu.memory_space<vmem>>, vector<1x16xi32>,
      %swap3A_351 = vector.shape_cast %swap3A_350 : vector<1x16xi32> to vector<16xi32>
      %swap3A_352 = vector.shape_cast %get3A_346 : vector<16xi32> to vector<1x16xi32>
      tpu.vector_store %arg13[%swap3A_348, %swap3A_349], %swap3A_352 {strides = array<i32>} : memref<1x480xi32, #tpu.memory_space<vmem>>, vector<1x16xi32>,
      %get3A_353 = arith.constant 1 : i32
      %get3A_354 = arith.index_cast %get3A_353 : i32 to index
      %get3A_355 = arith.constant 192 : index
      %get3A_356 = tpu.vector_load %arg11[%get3A_354, %get3A_355] {strides = array<i32>} : memref<2x240xi32, #tpu.memory_space<vmem>>, vector<1x16xi32>,
      %get3A_357 = vector.shape_cast %get3A_356 : vector<1x16xi32> to vector<16xi32>
      %add3A_358 = arith.constant 10008 : i32
      %add3A_359 = vector.broadcast %add3A_358 : i32 to vector<16xi32>
      %add3A_360 = arith.addi %get3A_357, %add3A_359 : vector<16xi32>
      %swap3A_361 = arith.constant 0 : i32
      %swap3A_362 = arith.index_cast %swap3A_361 : i32 to index
      %swap3A_363 = arith.constant 432 : index
      %swap3A_364 = tpu.vector_load %arg13[%swap3A_362, %swap3A_363] {strides = array<i32>} : memref<1x480xi32, #tpu.memory_space<vmem>>, vector<1x16xi32>,
      %swap3A_365 = vector.shape_cast %swap3A_364 : vector<1x16xi32> to vector<16xi32>
      %swap3A_366 = vector.shape_cast %add3A_360 : vector<16xi32> to vector<1x16xi32>
      tpu.vector_store %arg13[%swap3A_362, %swap3A_363], %swap3A_366 {strides = array<i32>} : memref<1x480xi32, #tpu.memory_space<vmem>>, vector<1x16xi32>,
      %get3A_367 = arith.constant 0 : i32
      %get3A_368 = arith.index_cast %get3A_367 : i32 to index
      %get3A_369 = arith.constant 208 : index
      %get3A_370 = tpu.vector_load %arg11[%get3A_368, %get3A_369] {strides = array<i32>} : memref<2x240xi32, #tpu.memory_space<vmem>>, vector<1x16xi32>,
      %get3A_371 = vector.shape_cast %get3A_370 : vector<1x16xi32> to vector<16xi32>
      %swap3A_372 = arith.constant 0 : i32
      %swap3A_373 = arith.index_cast %swap3A_372 : i32 to index
      %swap3A_374 = arith.constant 208 : index
      %swap3A_375 = tpu.vector_load %arg13[%swap3A_373, %swap3A_374] {strides = array<i32>} : memref<1x480xi32, #tpu.memory_space<vmem>>, vector<1x16xi32>,
      %swap3A_376 = vector.shape_cast %swap3A_375 : vector<1x16xi32> to vector<16xi32>
      %swap3A_377 = vector.shape_cast %get3A_371 : vector<16xi32> to vector<1x16xi32>
      tpu.vector_store %arg13[%swap3A_373, %swap3A_374], %swap3A_377 {strides = array<i32>} : memref<1x480xi32, #tpu.memory_space<vmem>>, vector<1x16xi32>,
      %get3A_378 = arith.constant 1 : i32
      %get3A_379 = arith.index_cast %get3A_378 : i32 to index
      %get3A_380 = arith.constant 208 : index
      %get3A_381 = tpu.vector_load %arg11[%get3A_379, %get3A_380] {strides = array<i32>} : memref<2x240xi32, #tpu.memory_space<vmem>>, vector<1x16xi32>,
      %get3A_382 = vector.shape_cast %get3A_381 : vector<1x16xi32> to vector<16xi32>
      %add3A_383 = arith.constant 10008 : i32
      %add3A_384 = vector.broadcast %add3A_383 : i32 to vector<16xi32>
      %add3A_385 = arith.addi %get3A_382, %add3A_384 : vector<16xi32>
      %swap3A_386 = arith.constant 0 : i32
      %swap3A_387 = arith.index_cast %swap3A_386 : i32 to index
      %swap3A_388 = arith.constant 448 : index
      %swap3A_389 = tpu.vector_load %arg13[%swap3A_387, %swap3A_388] {strides = array<i32>} : memref<1x480xi32, #tpu.memory_space<vmem>>, vector<1x16xi32>,
      %swap3A_390 = vector.shape_cast %swap3A_389 : vector<1x16xi32> to vector<16xi32>
      %swap3A_391 = vector.shape_cast %add3A_385 : vector<16xi32> to vector<1x16xi32>
      tpu.vector_store %arg13[%swap3A_387, %swap3A_388], %swap3A_391 {strides = array<i32>} : memref<1x480xi32, #tpu.memory_space<vmem>>, vector<1x16xi32>,
      %get3A_392 = arith.constant 0 : i32
      %get3A_393 = arith.index_cast %get3A_392 : i32 to index
      %get3A_394 = arith.constant 224 : index
      %get3A_395 = tpu.vector_load %arg11[%get3A_393, %get3A_394] {strides = array<i32>} : memref<2x240xi32, #tpu.memory_space<vmem>>, vector<1x16xi32>,
      %get3A_396 = vector.shape_cast %get3A_395 : vector<1x16xi32> to vector<16xi32>
      %swap3A_397 = arith.constant 0 : i32
      %swap3A_398 = arith.index_cast %swap3A_397 : i32 to index
      %swap3A_399 = arith.constant 224 : index
      %swap3A_400 = tpu.vector_load %arg13[%swap3A_398, %swap3A_399] {strides = array<i32>} : memref<1x480xi32, #tpu.memory_space<vmem>>, vector<1x16xi32>,
      %swap3A_401 = vector.shape_cast %swap3A_400 : vector<1x16xi32> to vector<16xi32>
      %swap3A_402 = vector.shape_cast %get3A_396 : vector<16xi32> to vector<1x16xi32>
      tpu.vector_store %arg13[%swap3A_398, %swap3A_399], %swap3A_402 {strides = array<i32>} : memref<1x480xi32, #tpu.memory_space<vmem>>, vector<1x16xi32>,
      %get3A_403 = arith.constant 1 : i32
      %get3A_404 = arith.index_cast %get3A_403 : i32 to index
      %get3A_405 = arith.constant 224 : index
      %get3A_406 = tpu.vector_load %arg11[%get3A_404, %get3A_405] {strides = array<i32>} : memref<2x240xi32, #tpu.memory_space<vmem>>, vector<1x16xi32>,
      %get3A_407 = vector.shape_cast %get3A_406 : vector<1x16xi32> to vector<16xi32>
      %add3A_408 = arith.constant 10008 : i32
      %add3A_409 = vector.broadcast %add3A_408 : i32 to vector<16xi32>
      %add3A_410 = arith.addi %get3A_407, %add3A_409 : vector<16xi32>
      %swap3A_411 = arith.constant 0 : i32
      %swap3A_412 = arith.index_cast %swap3A_411 : i32 to index
      %swap3A_413 = arith.constant 464 : index
      %swap3A_414 = tpu.vector_load %arg13[%swap3A_412, %swap3A_413] {strides = array<i32>} : memref<1x480xi32, #tpu.memory_space<vmem>>, vector<1x16xi32>,
      %swap3A_415 = vector.shape_cast %swap3A_414 : vector<1x16xi32> to vector<16xi32>
      %swap3A_416 = vector.shape_cast %add3A_410 : vector<16xi32> to vector<1x16xi32>
      tpu.vector_store %arg13[%swap3A_412, %swap3A_413], %swap3A_416 {strides = array<i32>} : memref<1x480xi32, #tpu.memory_space<vmem>>, vector<1x16xi32>,
      %dma_start3A_417 = arith.constant 0 : i32
      %dma_start3A_418 = arith.constant 0 : i32
      %dma_start3A_419 = tpu.memref_slice %arg13[%dma_start3A_417, %dma_start3A_418] : memref<1x480xi32, #tpu.memory_space<vmem>> -> memref<1x480xi32, #tpu.memory_space<vmem>>
      %dma_start3A_420 = tpu.memref_squeeze %dma_start3A_419 : memref<1x480xi32, #tpu.memory_space<vmem>> -> memref<480xi32, #tpu.memory_space<vmem>>
      %dma_start3A_421 = arith.constant 0 : i32
      %dma_start3A_422 = arith.constant 0 : i32
      %dma_start3A_423 = tpu.memref_slice %arg3[%dma_start3A_421, %dma_start3A_422] : memref<20016x16xf32, #tpu.memory_space<hbm>> -> memref<20016x16xf32, #tpu.memory_space<hbm>>
      tpu.enqueue_indirect_dma source(%dma_start3A_423 : memref<20016x16xf32, #tpu.memory_space<hbm>>) target(%arg14 : memref<480x16xf32, #tpu.memory_space<vmem>>) offsets(%dma_start3A_420 : memref<480xi32, #tpu.memory_space<vmem>>) semaphore(%arg16 : memref<!tpu.dma_semaphore, #tpu.memory_space<semaphore_mem>>)
      %dma_start3A_424 = arith.constant 0 : i32
      %dma_start3A_425 = arith.constant 0 : i32
      %dma_start3A_426 = tpu.memref_slice %arg11[%dma_start3A_424, %dma_start3A_425] : memref<2x240xi32, #tpu.memory_space<vmem>> -> memref<1x240xi32, #tpu.memory_space<vmem>>
      %dma_start3A_427 = tpu.memref_squeeze %dma_start3A_426 : memref<1x240xi32, #tpu.memory_space<vmem>> -> memref<240xi32, #tpu.memory_space<vmem>>
      %dma_start3A_428 = arith.constant 0 : i32
      %dma_start3A_429 = arith.constant 0 : i32
      %dma_start3A_430 = tpu.memref_slice %arg2[%dma_start3A_428, %dma_start3A_429] : memref<10000x128xf32, #tpu.memory_space<hbm>> -> memref<10000x128xf32, #tpu.memory_space<hbm>>
      tpu.enqueue_indirect_dma source(%dma_start3A_430 : memref<10000x128xf32, #tpu.memory_space<hbm>>) target(%arg15 : memref<240x128xf32, #tpu.memory_space<vmem>>) offsets(%dma_start3A_427 : memref<240xi32, #tpu.memory_space<vmem>>) semaphore(%arg16 : memref<!tpu.dma_semaphore, #tpu.memory_space<semaphore_mem>>)
      %dma_wait3A_431 = arith.constant 0 : i32
      %dma_wait3A_432 = arith.constant 0 : i32
      %dma_wait3A_433 = tpu.memref_slice %arg13[%dma_wait3A_431, %dma_wait3A_432] : memref<1x480xi32, #tpu.memory_space<vmem>> -> memref<1x480xi32, #tpu.memory_space<vmem>>
      %dma_wait3A_434 = tpu.memref_squeeze %dma_wait3A_433 : memref<1x480xi32, #tpu.memory_space<vmem>> -> memref<480xi32, #tpu.memory_space<vmem>>
      %dma_wait3A_435 = arith.constant 0 : i32
      %dma_wait3A_436 = arith.constant 0 : i32
      %dma_wait3A_437 = tpu.memref_slice %arg3[%dma_wait3A_435, %dma_wait3A_436] : memref<20016x16xf32, #tpu.memory_space<hbm>> -> memref<20016x16xf32, #tpu.memory_space<hbm>>
      tpu.wait_indirect_dma semaphore(%arg16 : memref<!tpu.dma_semaphore, #tpu.memory_space<semaphore_mem>>) src(%dma_wait3A_437 : memref<20016x16xf32, #tpu.memory_space<hbm>>) dst(%arg14 : memref<480x16xf32, #tpu.memory_space<vmem>>)
      %scan3A_438 = arith.constant 0 : i32
      %scan3A_439 = arith.constant 240 : i32
      %scan3A_440 = arith.addi %scan3A_438, %scan3A_439 : i32
      %scan3A_441 = arith.constant 4 : i32
      scf.for %scan3A_963 = %scan3A_438 to %scan3A_440 step %scan3A_441  : i32 {
        %get3A_964 = arith.index_cast %scan3A_963 : i32 to index
        %get3A_965 = arith.constant 0 : index
        %get3A_966 = tpu.vector_load %arg14[%get3A_964, %get3A_965] {strides = array<i32>} : memref<480x16xf32, #tpu.memory_space<vmem>>, vector<1x16xf32>,
        %get3A_967 = vector.shape_cast %get3A_966 : vector<1x16xf32> to vector<16xf32>
        %add3A_968 = arith.constant 240 : i32
        %add3A_969 = arith.addi %add3A_968, %scan3A_963 : i32
        %get3A_970 = arith.index_cast %add3A_969 : i32 to index
        %get3A_971 = arith.constant 0 : index
        %get3A_972 = tpu.vector_load %arg14[%get3A_970, %get3A_971] {strides = array<i32>} : memref<480x16xf32, #tpu.memory_space<vmem>>, vector<1x16xf32>,
        %get3A_973 = vector.shape_cast %get3A_972 : vector<1x16xf32> to vector<16xf32>
        %add3A_974 = arith.addf %get3A_967, %get3A_973 : vector<16xf32>
        %ge3A = arith.constant 0.000000e+00 : f32
        %ge3A_975 = vector.broadcast %ge3A : f32 to vector<16xf32>
        %ge3A_976 = arith.cmpf oge, %add3A_974, %ge3A_975 : vector<16xf32>
        %mul3A_977 = arith.constant 2.000000e-01 : f32
        %mul3A_978 = vector.broadcast %mul3A_977 : f32 to vector<16xf32>
        %mul3A_979 = arith.mulf %mul3A_978, %add3A_974 : vector<16xf32>
        %select_n3A = arith.select %ge3A_976, %add3A_974, %mul3A_979 : vector<16xi1>, vector<16xf32>
        %exp3A = math.exp %select_n3A : vector<16xf32>
        %swap3A_980 = arith.index_cast %scan3A_963 : i32 to index
        %swap3A_981 = arith.constant 0 : index
        %swap3A_982 = tpu.vector_load %arg14[%swap3A_980, %swap3A_981] {strides = array<i32>} : memref<480x16xf32, #tpu.memory_space<vmem>>, vector<1x16xf32>,
        %swap3A_983 = vector.shape_cast %swap3A_982 : vector<1x16xf32> to vector<16xf32>
        %swap3A_984 = vector.shape_cast %exp3A : vector<16xf32> to vector<1x16xf32>
        tpu.vector_store %arg14[%swap3A_980, %swap3A_981], %swap3A_984 {strides = array<i32>} : memref<480x16xf32, #tpu.memory_space<vmem>>, vector<1x16xf32>,
        %scan3A_985 = arith.constant 1 : i32
        %scan3A_986 = arith.addi %scan3A_963, %scan3A_985 : i32
        %get3A_987 = arith.index_cast %scan3A_986 : i32 to index
        %get3A_988 = arith.constant 0 : index
        %get3A_989 = tpu.vector_load %arg14[%get3A_987, %get3A_988] {strides = array<i32>} : memref<480x16xf32, #tpu.memory_space<vmem>>, vector<1x16xf32>,
        %get3A_990 = vector.shape_cast %get3A_989 : vector<1x16xf32> to vector<16xf32>
        %add3A_991 = arith.constant 240 : i32
        %add3A_992 = arith.addi %add3A_991, %scan3A_986 : i32
        %get3A_993 = arith.index_cast %add3A_992 : i32 to index
        %get3A_994 = arith.constant 0 : index
        %get3A_995 = tpu.vector_load %arg14[%get3A_993, %get3A_994] {strides = array<i32>} : memref<480x16xf32, #tpu.memory_space<vmem>>, vector<1x16xf32>,
        %get3A_996 = vector.shape_cast %get3A_995 : vector<1x16xf32> to vector<16xf32>
        %add3A_997 = arith.addf %get3A_990, %get3A_996 : vector<16xf32>
        %ge3A_998 = arith.constant 0.000000e+00 : f32
        %ge3A_999 = vector.broadcast %ge3A_998 : f32 to vector<16xf32>
        %ge3A_1000 = arith.cmpf oge, %add3A_997, %ge3A_999 : vector<16xf32>
        %mul3A_1001 = arith.constant 2.000000e-01 : f32
        %mul3A_1002 = vector.broadcast %mul3A_1001 : f32 to vector<16xf32>
        %mul3A_1003 = arith.mulf %mul3A_1002, %add3A_997 : vector<16xf32>
        %select_n3A_1004 = arith.select %ge3A_1000, %add3A_997, %mul3A_1003 : vector<16xi1>, vector<16xf32>
        %exp3A_1005 = math.exp %select_n3A_1004 : vector<16xf32>
        %swap3A_1006 = arith.index_cast %scan3A_986 : i32 to index
        %swap3A_1007 = arith.constant 0 : index
        %swap3A_1008 = tpu.vector_load %arg14[%swap3A_1006, %swap3A_1007] {strides = array<i32>} : memref<480x16xf32, #tpu.memory_space<vmem>>, vector<1x16xf32>,
        %swap3A_1009 = vector.shape_cast %swap3A_1008 : vector<1x16xf32> to vector<16xf32>
        %swap3A_1010 = vector.shape_cast %exp3A_1005 : vector<16xf32> to vector<1x16xf32>
        tpu.vector_store %arg14[%swap3A_1006, %swap3A_1007], %swap3A_1010 {strides = array<i32>} : memref<480x16xf32, #tpu.memory_space<vmem>>, vector<1x16xf32>,
        %scan3A_1011 = arith.constant 2 : i32
        %scan3A_1012 = arith.addi %scan3A_963, %scan3A_1011 : i32
        %get3A_1013 = arith.index_cast %scan3A_1012 : i32 to index
        %get3A_1014 = arith.constant 0 : index
        %get3A_1015 = tpu.vector_load %arg14[%get3A_1013, %get3A_1014] {strides = array<i32>} : memref<480x16xf32, #tpu.memory_space<vmem>>, vector<1x16xf32>,
        %get3A_1016 = vector.shape_cast %get3A_1015 : vector<1x16xf32> to vector<16xf32>
        %add3A_1017 = arith.constant 240 : i32
        %add3A_1018 = arith.addi %add3A_1017, %scan3A_1012 : i32
        %get3A_1019 = arith.index_cast %add3A_1018 : i32 to index
        %get3A_1020 = arith.constant 0 : index
        %get3A_1021 = tpu.vector_load %arg14[%get3A_1019, %get3A_1020] {strides = array<i32>} : memref<480x16xf32, #tpu.memory_space<vmem>>, vector<1x16xf32>,
        %get3A_1022 = vector.shape_cast %get3A_1021 : vector<1x16xf32> to vector<16xf32>
        %add3A_1023 = arith.addf %get3A_1016, %get3A_1022 : vector<16xf32>
        %ge3A_1024 = arith.constant 0.000000e+00 : f32
        %ge3A_1025 = vector.broadcast %ge3A_1024 : f32 to vector<16xf32>
        %ge3A_1026 = arith.cmpf oge, %add3A_1023, %ge3A_1025 : vector<16xf32>
        %mul3A_1027 = arith.constant 2.000000e-01 : f32
        %mul3A_1028 = vector.broadcast %mul3A_1027 : f32 to vector<16xf32>
        %mul3A_1029 = arith.mulf %mul3A_1028, %add3A_1023 : vector<16xf32>
        %select_n3A_1030 = arith.select %ge3A_1026, %add3A_1023, %mul3A_1029 : vector<16xi1>, vector<16xf32>
        %exp3A_1031 = math.exp %select_n3A_1030 : vector<16xf32>
        %swap3A_1032 = arith.index_cast %scan3A_1012 : i32 to index
        %swap3A_1033 = arith.constant 0 : index
        %swap3A_1034 = tpu.vector_load %arg14[%swap3A_1032, %swap3A_1033] {strides = array<i32>} : memref<480x16xf32, #tpu.memory_space<vmem>>, vector<1x16xf32>,
        %swap3A_1035 = vector.shape_cast %swap3A_1034 : vector<1x16xf32> to vector<16xf32>
        %swap3A_1036 = vector.shape_cast %exp3A_1031 : vector<16xf32> to vector<1x16xf32>
        tpu.vector_store %arg14[%swap3A_1032, %swap3A_1033], %swap3A_1036 {strides = array<i32>} : memref<480x16xf32, #tpu.memory_space<vmem>>, vector<1x16xf32>,
        %scan3A_1037 = arith.constant 3 : i32
        %scan3A_1038 = arith.addi %scan3A_963, %scan3A_1037 : i32
        %get3A_1039 = arith.index_cast %scan3A_1038 : i32 to index
        %get3A_1040 = arith.constant 0 : index
        %get3A_1041 = tpu.vector_load %arg14[%get3A_1039, %get3A_1040] {strides = array<i32>} : memref<480x16xf32, #tpu.memory_space<vmem>>, vector<1x16xf32>,
        %get3A_1042 = vector.shape_cast %get3A_1041 : vector<1x16xf32> to vector<16xf32>
        %add3A_1043 = arith.constant 240 : i32
        %add3A_1044 = arith.addi %add3A_1043, %scan3A_1038 : i32
        %get3A_1045 = arith.index_cast %add3A_1044 : i32 to index
        %get3A_1046 = arith.constant 0 : index
        %get3A_1047 = tpu.vector_load %arg14[%get3A_1045, %get3A_1046] {strides = array<i32>} : memref<480x16xf32, #tpu.memory_space<vmem>>, vector<1x16xf32>,
        %get3A_1048 = vector.shape_cast %get3A_1047 : vector<1x16xf32> to vector<16xf32>
        %add3A_1049 = arith.addf %get3A_1042, %get3A_1048 : vector<16xf32>
        %ge3A_1050 = arith.constant 0.000000e+00 : f32
        %ge3A_1051 = vector.broadcast %ge3A_1050 : f32 to vector<16xf32>
        %ge3A_1052 = arith.cmpf oge, %add3A_1049, %ge3A_1051 : vector<16xf32>
        %mul3A_1053 = arith.constant 2.000000e-01 : f32
        %mul3A_1054 = vector.broadcast %mul3A_1053 : f32 to vector<16xf32>
        %mul3A_1055 = arith.mulf %mul3A_1054, %add3A_1049 : vector<16xf32>
        %select_n3A_1056 = arith.select %ge3A_1052, %add3A_1049, %mul3A_1055 : vector<16xi1>, vector<16xf32>
        %exp3A_1057 = math.exp %select_n3A_1056 : vector<16xf32>
        %swap3A_1058 = arith.index_cast %scan3A_1038 : i32 to index
        %swap3A_1059 = arith.constant 0 : index
        %swap3A_1060 = tpu.vector_load %arg14[%swap3A_1058, %swap3A_1059] {strides = array<i32>} : memref<480x16xf32, #tpu.memory_space<vmem>>, vector<1x16xf32>,
        %swap3A_1061 = vector.shape_cast %swap3A_1060 : vector<1x16xf32> to vector<16xf32>
        %swap3A_1062 = vector.shape_cast %exp3A_1057 : vector<16xf32> to vector<1x16xf32>
        tpu.vector_store %arg14[%swap3A_1058, %swap3A_1059], %swap3A_1062 {strides = array<i32>} : memref<480x16xf32, #tpu.memory_space<vmem>>, vector<1x16xf32>,
      }
      %scan3A_442 = arith.constant 240 : i32
      %dma_wait3A_443 = arith.constant 0 : i32
      %dma_wait3A_444 = arith.constant 0 : i32
      %dma_wait3A_445 = tpu.memref_slice %arg11[%dma_wait3A_443, %dma_wait3A_444] : memref<2x240xi32, #tpu.memory_space<vmem>> -> memref<1x240xi32, #tpu.memory_space<vmem>>
      %dma_wait3A_446 = tpu.memref_squeeze %dma_wait3A_445 : memref<1x240xi32, #tpu.memory_space<vmem>> -> memref<240xi32, #tpu.memory_space<vmem>>
      %dma_wait3A_447 = arith.constant 0 : i32
      %dma_wait3A_448 = arith.constant 0 : i32
      %dma_wait3A_449 = tpu.memref_slice %arg2[%dma_wait3A_447, %dma_wait3A_448] : memref<10000x128xf32, #tpu.memory_space<hbm>> -> memref<10000x128xf32, #tpu.memory_space<hbm>>
      tpu.wait_indirect_dma semaphore(%arg16 : memref<!tpu.dma_semaphore, #tpu.memory_space<semaphore_mem>>) src(%dma_wait3A_449 : memref<10000x128xf32, #tpu.memory_space<hbm>>) dst(%arg15 : memref<240x128xf32, #tpu.memory_space<vmem>>)
      %scan3A_450 = arith.constant 0 : i32
      %scan3A_451 = arith.constant 240 : i32
      %scan3A_452 = arith.addi %scan3A_450, %scan3A_451 : i32
      %scan3A_453 = arith.constant 2 : i32
      scf.for %scan3A_963 = %scan3A_450 to %scan3A_452 step %scan3A_453  : i32 {
        %get3A_964 = arith.index_cast %scan3A_963 : i32 to index
        %get3A_965 = arith.constant 0 : index
        %get3A_966 = tpu.vector_load %arg14[%get3A_964, %get3A_965] {strides = array<i32>} : memref<480x16xf32, #tpu.memory_space<vmem>>, vector<1x16xf32>,
        %get3A_967 = vector.shape_cast %get3A_966 : vector<1x16xf32> to vector<16xf32>
        %get3A_968 = arith.index_cast %scan3A_963 : i32 to index
        %get3A_969 = arith.constant 0 : index
        %get3A_970 = tpu.vector_load %arg15[%get3A_968, %get3A_969] {strides = array<i32>} : memref<240x128xf32, #tpu.memory_space<vmem>>, vector<1x16xf32>,
        %get3A_971 = vector.shape_cast %get3A_970 : vector<1x16xf32> to vector<16xf32>
        %slice3A = vector.extract_strided_slice %get3A_967 {offsets = [0], sizes = [1], strides = [1]} : vector<16xf32> to vector<1xf32>
        %squeeze3A = vector.extract %slice3A[0] : f32 from vector<1xf32>
        %mul3A_972 = vector.broadcast %squeeze3A : f32 to vector<16xf32>
        %mul3A_973 = arith.mulf %get3A_971, %mul3A_972 : vector<16xf32>
        %swap3A_974 = arith.index_cast %scan3A_963 : i32 to index
        %swap3A_975 = arith.constant 0 : index
        %swap3A_976 = tpu.vector_load %arg15[%swap3A_974, %swap3A_975] {strides = array<i32>} : memref<240x128xf32, #tpu.memory_space<vmem>>, vector<1x16xf32>,
        %swap3A_977 = vector.shape_cast %swap3A_976 : vector<1x16xf32> to vector<16xf32>
        %swap3A_978 = vector.shape_cast %mul3A_973 : vector<16xf32> to vector<1x16xf32>
        tpu.vector_store %arg15[%swap3A_974, %swap3A_975], %swap3A_978 {strides = array<i32>} : memref<240x128xf32, #tpu.memory_space<vmem>>, vector<1x16xf32>,
        %get3A_979 = arith.index_cast %scan3A_963 : i32 to index
        %get3A_980 = arith.constant 16 : index
        %get3A_981 = tpu.vector_load %arg15[%get3A_979, %get3A_980] {strides = array<i32>} : memref<240x128xf32, #tpu.memory_space<vmem>>, vector<1x16xf32>,
        %get3A_982 = vector.shape_cast %get3A_981 : vector<1x16xf32> to vector<16xf32>
        %slice3A_983 = vector.extract_strided_slice %get3A_967 {offsets = [1], sizes = [1], strides = [1]} : vector<16xf32> to vector<1xf32>
        %squeeze3A_984 = vector.extract %slice3A_983[0] : f32 from vector<1xf32>
        %mul3A_985 = vector.broadcast %squeeze3A_984 : f32 to vector<16xf32>
        %mul3A_986 = arith.mulf %get3A_982, %mul3A_985 : vector<16xf32>
        %swap3A_987 = arith.index_cast %scan3A_963 : i32 to index
        %swap3A_988 = arith.constant 16 : index
        %swap3A_989 = tpu.vector_load %arg15[%swap3A_987, %swap3A_988] {strides = array<i32>} : memref<240x128xf32, #tpu.memory_space<vmem>>, vector<1x16xf32>,
        %swap3A_990 = vector.shape_cast %swap3A_989 : vector<1x16xf32> to vector<16xf32>
        %swap3A_991 = vector.shape_cast %mul3A_986 : vector<16xf32> to vector<1x16xf32>
        tpu.vector_store %arg15[%swap3A_987, %swap3A_988], %swap3A_991 {strides = array<i32>} : memref<240x128xf32, #tpu.memory_space<vmem>>, vector<1x16xf32>,
        %get3A_992 = arith.index_cast %scan3A_963 : i32 to index
        %get3A_993 = arith.constant 32 : index
        %get3A_994 = tpu.vector_load %arg15[%get3A_992, %get3A_993] {strides = array<i32>} : memref<240x128xf32, #tpu.memory_space<vmem>>, vector<1x16xf32>,
        %get3A_995 = vector.shape_cast %get3A_994 : vector<1x16xf32> to vector<16xf32>
        %slice3A_996 = vector.extract_strided_slice %get3A_967 {offsets = [2], sizes = [1], strides = [1]} : vector<16xf32> to vector<1xf32>
        %squeeze3A_997 = vector.extract %slice3A_996[0] : f32 from vector<1xf32>
        %mul3A_998 = vector.broadcast %squeeze3A_997 : f32 to vector<16xf32>
        %mul3A_999 = arith.mulf %get3A_995, %mul3A_998 : vector<16xf32>
        %swap3A_1000 = arith.index_cast %scan3A_963 : i32 to index
        %swap3A_1001 = arith.constant 32 : index
        %swap3A_1002 = tpu.vector_load %arg15[%swap3A_1000, %swap3A_1001] {strides = array<i32>} : memref<240x128xf32, #tpu.memory_space<vmem>>, vector<1x16xf32>,
        %swap3A_1003 = vector.shape_cast %swap3A_1002 : vector<1x16xf32> to vector<16xf32>
        %swap3A_1004 = vector.shape_cast %mul3A_999 : vector<16xf32> to vector<1x16xf32>
        tpu.vector_store %arg15[%swap3A_1000, %swap3A_1001], %swap3A_1004 {strides = array<i32>} : memref<240x128xf32, #tpu.memory_space<vmem>>, vector<1x16xf32>,
        %get3A_1005 = arith.index_cast %scan3A_963 : i32 to index
        %get3A_1006 = arith.constant 48 : index
        %get3A_1007 = tpu.vector_load %arg15[%get3A_1005, %get3A_1006] {strides = array<i32>} : memref<240x128xf32, #tpu.memory_space<vmem>>, vector<1x16xf32>,
        %get3A_1008 = vector.shape_cast %get3A_1007 : vector<1x16xf32> to vector<16xf32>
        %slice3A_1009 = vector.extract_strided_slice %get3A_967 {offsets = [3], sizes = [1], strides = [1]} : vector<16xf32> to vector<1xf32>
        %squeeze3A_1010 = vector.extract %slice3A_1009[0] : f32 from vector<1xf32>
        %mul3A_1011 = vector.broadcast %squeeze3A_1010 : f32 to vector<16xf32>
        %mul3A_1012 = arith.mulf %get3A_1008, %mul3A_1011 : vector<16xf32>
        %swap3A_1013 = arith.index_cast %scan3A_963 : i32 to index
        %swap3A_1014 = arith.constant 48 : index
        %swap3A_1015 = tpu.vector_load %arg15[%swap3A_1013, %swap3A_1014] {strides = array<i32>} : memref<240x128xf32, #tpu.memory_space<vmem>>, vector<1x16xf32>,
        %swap3A_1016 = vector.shape_cast %swap3A_1015 : vector<1x16xf32> to vector<16xf32>
        %swap3A_1017 = vector.shape_cast %mul3A_1012 : vector<16xf32> to vector<1x16xf32>
        tpu.vector_store %arg15[%swap3A_1013, %swap3A_1014], %swap3A_1017 {strides = array<i32>} : memref<240x128xf32, #tpu.memory_space<vmem>>, vector<1x16xf32>,
        %get3A_1018 = arith.index_cast %scan3A_963 : i32 to index
        %get3A_1019 = arith.constant 64 : index
        %get3A_1020 = tpu.vector_load %arg15[%get3A_1018, %get3A_1019] {strides = array<i32>} : memref<240x128xf32, #tpu.memory_space<vmem>>, vector<1x16xf32>,
        %get3A_1021 = vector.shape_cast %get3A_1020 : vector<1x16xf32> to vector<16xf32>
        %slice3A_1022 = vector.extract_strided_slice %get3A_967 {offsets = [4], sizes = [1], strides = [1]} : vector<16xf32> to vector<1xf32>
        %squeeze3A_1023 = vector.extract %slice3A_1022[0] : f32 from vector<1xf32>
        %mul3A_1024 = vector.broadcast %squeeze3A_1023 : f32 to vector<16xf32>
        %mul3A_1025 = arith.mulf %get3A_1021, %mul3A_1024 : vector<16xf32>
        %swap3A_1026 = arith.index_cast %scan3A_963 : i32 to index
        %swap3A_1027 = arith.constant 64 : index
        %swap3A_1028 = tpu.vector_load %arg15[%swap3A_1026, %swap3A_1027] {strides = array<i32>} : memref<240x128xf32, #tpu.memory_space<vmem>>, vector<1x16xf32>,
        %swap3A_1029 = vector.shape_cast %swap3A_1028 : vector<1x16xf32> to vector<16xf32>
        %swap3A_1030 = vector.shape_cast %mul3A_1025 : vector<16xf32> to vector<1x16xf32>
        tpu.vector_store %arg15[%swap3A_1026, %swap3A_1027], %swap3A_1030 {strides = array<i32>} : memref<240x128xf32, #tpu.memory_space<vmem>>, vector<1x16xf32>,
        %get3A_1031 = arith.index_cast %scan3A_963 : i32 to index
        %get3A_1032 = arith.constant 80 : index
        %get3A_1033 = tpu.vector_load %arg15[%get3A_1031, %get3A_1032] {strides = array<i32>} : memref<240x128xf32, #tpu.memory_space<vmem>>, vector<1x16xf32>,
        %get3A_1034 = vector.shape_cast %get3A_1033 : vector<1x16xf32> to vector<16xf32>
        %slice3A_1035 = vector.extract_strided_slice %get3A_967 {offsets = [5], sizes = [1], strides = [1]} : vector<16xf32> to vector<1xf32>
        %squeeze3A_1036 = vector.extract %slice3A_1035[0] : f32 from vector<1xf32>
        %mul3A_1037 = vector.broadcast %squeeze3A_1036 : f32 to vector<16xf32>
        %mul3A_1038 = arith.mulf %get3A_1034, %mul3A_1037 : vector<16xf32>
        %swap3A_1039 = arith.index_cast %scan3A_963 : i32 to index
        %swap3A_1040 = arith.constant 80 : index
        %swap3A_1041 = tpu.vector_load %arg15[%swap3A_1039, %swap3A_1040] {strides = array<i32>} : memref<240x128xf32, #tpu.memory_space<vmem>>, vector<1x16xf32>,
        %swap3A_1042 = vector.shape_cast %swap3A_1041 : vector<1x16xf32> to vector<16xf32>
        %swap3A_1043 = vector.shape_cast %mul3A_1038 : vector<16xf32> to vector<1x16xf32>
        tpu.vector_store %arg15[%swap3A_1039, %swap3A_1040], %swap3A_1043 {strides = array<i32>} : memref<240x128xf32, #tpu.memory_space<vmem>>, vector<1x16xf32>,
        %get3A_1044 = arith.index_cast %scan3A_963 : i32 to index
        %get3A_1045 = arith.constant 96 : index
        %get3A_1046 = tpu.vector_load %arg15[%get3A_1044, %get3A_1045] {strides = array<i32>} : memref<240x128xf32, #tpu.memory_space<vmem>>, vector<1x16xf32>,
        %get3A_1047 = vector.shape_cast %get3A_1046 : vector<1x16xf32> to vector<16xf32>
        %slice3A_1048 = vector.extract_strided_slice %get3A_967 {offsets = [6], sizes = [1], strides = [1]} : vector<16xf32> to vector<1xf32>
        %squeeze3A_1049 = vector.extract %slice3A_1048[0] : f32 from vector<1xf32>
        %mul3A_1050 = vector.broadcast %squeeze3A_1049 : f32 to vector<16xf32>
        %mul3A_1051 = arith.mulf %get3A_1047, %mul3A_1050 : vector<16xf32>
        %swap3A_1052 = arith.index_cast %scan3A_963 : i32 to index
        %swap3A_1053 = arith.constant 96 : index
        %swap3A_1054 = tpu.vector_load %arg15[%swap3A_1052, %swap3A_1053] {strides = array<i32>} : memref<240x128xf32, #tpu.memory_space<vmem>>, vector<1x16xf32>,
        %swap3A_1055 = vector.shape_cast %swap3A_1054 : vector<1x16xf32> to vector<16xf32>
        %swap3A_1056 = vector.shape_cast %mul3A_1051 : vector<16xf32> to vector<1x16xf32>
        tpu.vector_store %arg15[%swap3A_1052, %swap3A_1053], %swap3A_1056 {strides = array<i32>} : memref<240x128xf32, #tpu.memory_space<vmem>>, vector<1x16xf32>,
        %get3A_1057 = arith.index_cast %scan3A_963 : i32 to index
        %get3A_1058 = arith.constant 112 : index
        %get3A_1059 = tpu.vector_load %arg15[%get3A_1057, %get3A_1058] {strides = array<i32>} : memref<240x128xf32, #tpu.memory_space<vmem>>, vector<1x16xf32>,
        %get3A_1060 = vector.shape_cast %get3A_1059 : vector<1x16xf32> to vector<16xf32>
        %slice3A_1061 = vector.extract_strided_slice %get3A_967 {offsets = [7], sizes = [1], strides = [1]} : vector<16xf32> to vector<1xf32>
        %squeeze3A_1062 = vector.extract %slice3A_1061[0] : f32 from vector<1xf32>
        %mul3A_1063 = vector.broadcast %squeeze3A_1062 : f32 to vector<16xf32>
        %mul3A_1064 = arith.mulf %get3A_1060, %mul3A_1063 : vector<16xf32>
        %swap3A_1065 = arith.index_cast %scan3A_963 : i32 to index
        %swap3A_1066 = arith.constant 112 : index
        %swap3A_1067 = tpu.vector_load %arg15[%swap3A_1065, %swap3A_1066] {strides = array<i32>} : memref<240x128xf32, #tpu.memory_space<vmem>>, vector<1x16xf32>,
        %swap3A_1068 = vector.shape_cast %swap3A_1067 : vector<1x16xf32> to vector<16xf32>
        %swap3A_1069 = vector.shape_cast %mul3A_1064 : vector<16xf32> to vector<1x16xf32>
        tpu.vector_store %arg15[%swap3A_1065, %swap3A_1066], %swap3A_1069 {strides = array<i32>} : memref<240x128xf32, #tpu.memory_space<vmem>>, vector<1x16xf32>,
        %scan3A_1070 = arith.constant 1 : i32
        %scan3A_1071 = arith.addi %scan3A_963, %scan3A_1070 : i32
        %get3A_1072 = arith.index_cast %scan3A_1071 : i32 to index
        %get3A_1073 = arith.constant 0 : index
        %get3A_1074 = tpu.vector_load %arg14[%get3A_1072, %get3A_1073] {strides = array<i32>} : memref<480x16xf32, #tpu.memory_space<vmem>>, vector<1x16xf32>,
        %get3A_1075 = vector.shape_cast %get3A_1074 : vector<1x16xf32> to vector<16xf32>
        %get3A_1076 = arith.index_cast %scan3A_1071 : i32 to index
        %get3A_1077 = arith.constant 0 : index
        %get3A_1078 = tpu.vector_load %arg15[%get3A_1076, %get3A_1077] {strides = array<i32>} : memref<240x128xf32, #tpu.memory_space<vmem>>, vector<1x16xf32>,
        %get3A_1079 = vector.shape_cast %get3A_1078 : vector<1x16xf32> to vector<16xf32>
        %slice3A_1080 = vector.extract_strided_slice %get3A_1075 {offsets = [0], sizes = [1], strides = [1]} : vector<16xf32> to vector<1xf32>
        %squeeze3A_1081 = vector.extract %slice3A_1080[0] : f32 from vector<1xf32>
        %mul3A_1082 = vector.broadcast %squeeze3A_1081 : f32 to vector<16xf32>
        %mul3A_1083 = arith.mulf %get3A_1079, %mul3A_1082 : vector<16xf32>
        %swap3A_1084 = arith.index_cast %scan3A_1071 : i32 to index
        %swap3A_1085 = arith.constant 0 : index
        %swap3A_1086 = tpu.vector_load %arg15[%swap3A_1084, %swap3A_1085] {strides = array<i32>} : memref<240x128xf32, #tpu.memory_space<vmem>>, vector<1x16xf32>,
        %swap3A_1087 = vector.shape_cast %swap3A_1086 : vector<1x16xf32> to vector<16xf32>
        %swap3A_1088 = vector.shape_cast %mul3A_1083 : vector<16xf32> to vector<1x16xf32>
        tpu.vector_store %arg15[%swap3A_1084, %swap3A_1085], %swap3A_1088 {strides = array<i32>} : memref<240x128xf32, #tpu.memory_space<vmem>>, vector<1x16xf32>,
        %get3A_1089 = arith.index_cast %scan3A_1071 : i32 to index
        %get3A_1090 = arith.constant 16 : index
        %get3A_1091 = tpu.vector_load %arg15[%get3A_1089, %get3A_1090] {strides = array<i32>} : memref<240x128xf32, #tpu.memory_space<vmem>>, vector<1x16xf32>,
        %get3A_1092 = vector.shape_cast %get3A_1091 : vector<1x16xf32> to vector<16xf32>
        %slice3A_1093 = vector.extract_strided_slice %get3A_1075 {offsets = [1], sizes = [1], strides = [1]} : vector<16xf32> to vector<1xf32>
        %squeeze3A_1094 = vector.extract %slice3A_1093[0] : f32 from vector<1xf32>
        %mul3A_1095 = vector.broadcast %squeeze3A_1094 : f32 to vector<16xf32>
        %mul3A_1096 = arith.mulf %get3A_1092, %mul3A_1095 : vector<16xf32>
        %swap3A_1097 = arith.index_cast %scan3A_1071 : i32 to index
        %swap3A_1098 = arith.constant 16 : index
        %swap3A_1099 = tpu.vector_load %arg15[%swap3A_1097, %swap3A_1098] {strides = array<i32>} : memref<240x128xf32, #tpu.memory_space<vmem>>, vector<1x16xf32>,
        %swap3A_1100 = vector.shape_cast %swap3A_1099 : vector<1x16xf32> to vector<16xf32>
        %swap3A_1101 = vector.shape_cast %mul3A_1096 : vector<16xf32> to vector<1x16xf32>
        tpu.vector_store %arg15[%swap3A_1097, %swap3A_1098], %swap3A_1101 {strides = array<i32>} : memref<240x128xf32, #tpu.memory_space<vmem>>, vector<1x16xf32>,
        %get3A_1102 = arith.index_cast %scan3A_1071 : i32 to index
        %get3A_1103 = arith.constant 32 : index
        %get3A_1104 = tpu.vector_load %arg15[%get3A_1102, %get3A_1103] {strides = array<i32>} : memref<240x128xf32, #tpu.memory_space<vmem>>, vector<1x16xf32>,
        %get3A_1105 = vector.shape_cast %get3A_1104 : vector<1x16xf32> to vector<16xf32>
        %slice3A_1106 = vector.extract_strided_slice %get3A_1075 {offsets = [2], sizes = [1], strides = [1]} : vector<16xf32> to vector<1xf32>
        %squeeze3A_1107 = vector.extract %slice3A_1106[0] : f32 from vector<1xf32>
        %mul3A_1108 = vector.broadcast %squeeze3A_1107 : f32 to vector<16xf32>
        %mul3A_1109 = arith.mulf %get3A_1105, %mul3A_1108 : vector<16xf32>
        %swap3A_1110 = arith.index_cast %scan3A_1071 : i32 to index
        %swap3A_1111 = arith.constant 32 : index
        %swap3A_1112 = tpu.vector_load %arg15[%swap3A_1110, %swap3A_1111] {strides = array<i32>} : memref<240x128xf32, #tpu.memory_space<vmem>>, vector<1x16xf32>,
        %swap3A_1113 = vector.shape_cast %swap3A_1112 : vector<1x16xf32> to vector<16xf32>
        %swap3A_1114 = vector.shape_cast %mul3A_1109 : vector<16xf32> to vector<1x16xf32>
        tpu.vector_store %arg15[%swap3A_1110, %swap3A_1111], %swap3A_1114 {strides = array<i32>} : memref<240x128xf32, #tpu.memory_space<vmem>>, vector<1x16xf32>,
        %get3A_1115 = arith.index_cast %scan3A_1071 : i32 to index
        %get3A_1116 = arith.constant 48 : index
        %get3A_1117 = tpu.vector_load %arg15[%get3A_1115, %get3A_1116] {strides = array<i32>} : memref<240x128xf32, #tpu.memory_space<vmem>>, vector<1x16xf32>,
        %get3A_1118 = vector.shape_cast %get3A_1117 : vector<1x16xf32> to vector<16xf32>
        %slice3A_1119 = vector.extract_strided_slice %get3A_1075 {offsets = [3], sizes = [1], strides = [1]} : vector<16xf32> to vector<1xf32>
        %squeeze3A_1120 = vector.extract %slice3A_1119[0] : f32 from vector<1xf32>
        %mul3A_1121 = vector.broadcast %squeeze3A_1120 : f32 to vector<16xf32>
        %mul3A_1122 = arith.mulf %get3A_1118, %mul3A_1121 : vector<16xf32>
        %swap3A_1123 = arith.index_cast %scan3A_1071 : i32 to index
        %swap3A_1124 = arith.constant 48 : index
        %swap3A_1125 = tpu.vector_load %arg15[%swap3A_1123, %swap3A_1124] {strides = array<i32>} : memref<240x128xf32, #tpu.memory_space<vmem>>, vector<1x16xf32>,
        %swap3A_1126 = vector.shape_cast %swap3A_1125 : vector<1x16xf32> to vector<16xf32>
        %swap3A_1127 = vector.shape_cast %mul3A_1122 : vector<16xf32> to vector<1x16xf32>
        tpu.vector_store %arg15[%swap3A_1123, %swap3A_1124], %swap3A_1127 {strides = array<i32>} : memref<240x128xf32, #tpu.memory_space<vmem>>, vector<1x16xf32>,
        %get3A_1128 = arith.index_cast %scan3A_1071 : i32 to index
        %get3A_1129 = arith.constant 64 : index
        %get3A_1130 = tpu.vector_load %arg15[%get3A_1128, %get3A_1129] {strides = array<i32>} : memref<240x128xf32, #tpu.memory_space<vmem>>, vector<1x16xf32>,
        %get3A_1131 = vector.shape_cast %get3A_1130 : vector<1x16xf32> to vector<16xf32>
        %slice3A_1132 = vector.extract_strided_slice %get3A_1075 {offsets = [4], sizes = [1], strides = [1]} : vector<16xf32> to vector<1xf32>
        %squeeze3A_1133 = vector.extract %slice3A_1132[0] : f32 from vector<1xf32>
        %mul3A_1134 = vector.broadcast %squeeze3A_1133 : f32 to vector<16xf32>
        %mul3A_1135 = arith.mulf %get3A_1131, %mul3A_1134 : vector<16xf32>
        %swap3A_1136 = arith.index_cast %scan3A_1071 : i32 to index
        %swap3A_1137 = arith.constant 64 : index
        %swap3A_1138 = tpu.vector_load %arg15[%swap3A_1136, %swap3A_1137] {strides = array<i32>} : memref<240x128xf32, #tpu.memory_space<vmem>>, vector<1x16xf32>,
        %swap3A_1139 = vector.shape_cast %swap3A_1138 : vector<1x16xf32> to vector<16xf32>
        %swap3A_1140 = vector.shape_cast %mul3A_1135 : vector<16xf32> to vector<1x16xf32>
        tpu.vector_store %arg15[%swap3A_1136, %swap3A_1137], %swap3A_1140 {strides = array<i32>} : memref<240x128xf32, #tpu.memory_space<vmem>>, vector<1x16xf32>,
        %get3A_1141 = arith.index_cast %scan3A_1071 : i32 to index
        %get3A_1142 = arith.constant 80 : index
        %get3A_1143 = tpu.vector_load %arg15[%get3A_1141, %get3A_1142] {strides = array<i32>} : memref<240x128xf32, #tpu.memory_space<vmem>>, vector<1x16xf32>,
        %get3A_1144 = vector.shape_cast %get3A_1143 : vector<1x16xf32> to vector<16xf32>
        %slice3A_1145 = vector.extract_strided_slice %get3A_1075 {offsets = [5], sizes = [1], strides = [1]} : vector<16xf32> to vector<1xf32>
        %squeeze3A_1146 = vector.extract %slice3A_1145[0] : f32 from vector<1xf32>
        %mul3A_1147 = vector.broadcast %squeeze3A_1146 : f32 to vector<16xf32>
        %mul3A_1148 = arith.mulf %get3A_1144, %mul3A_1147 : vector<16xf32>
        %swap3A_1149 = arith.index_cast %scan3A_1071 : i32 to index
        %swap3A_1150 = arith.constant 80 : index
        %swap3A_1151 = tpu.vector_load %arg15[%swap3A_1149, %swap3A_1150] {strides = array<i32>} : memref<240x128xf32, #tpu.memory_space<vmem>>, vector<1x16xf32>,
        %swap3A_1152 = vector.shape_cast %swap3A_1151 : vector<1x16xf32> to vector<16xf32>
        %swap3A_1153 = vector.shape_cast %mul3A_1148 : vector<16xf32> to vector<1x16xf32>
        tpu.vector_store %arg15[%swap3A_1149, %swap3A_1150], %swap3A_1153 {strides = array<i32>} : memref<240x128xf32, #tpu.memory_space<vmem>>, vector<1x16xf32>,
        %get3A_1154 = arith.index_cast %scan3A_1071 : i32 to index
        %get3A_1155 = arith.constant 96 : index
        %get3A_1156 = tpu.vector_load %arg15[%get3A_1154, %get3A_1155] {strides = array<i32>} : memref<240x128xf32, #tpu.memory_space<vmem>>, vector<1x16xf32>,
        %get3A_1157 = vector.shape_cast %get3A_1156 : vector<1x16xf32> to vector<16xf32>
        %slice3A_1158 = vector.extract_strided_slice %get3A_1075 {offsets = [6], sizes = [1], strides = [1]} : vector<16xf32> to vector<1xf32>
        %squeeze3A_1159 = vector.extract %slice3A_1158[0] : f32 from vector<1xf32>
        %mul3A_1160 = vector.broadcast %squeeze3A_1159 : f32 to vector<16xf32>
        %mul3A_1161 = arith.mulf %get3A_1157, %mul3A_1160 : vector<16xf32>
        %swap3A_1162 = arith.index_cast %scan3A_1071 : i32 to index
        %swap3A_1163 = arith.constant 96 : index
        %swap3A_1164 = tpu.vector_load %arg15[%swap3A_1162, %swap3A_1163] {strides = array<i32>} : memref<240x128xf32, #tpu.memory_space<vmem>>, vector<1x16xf32>,
        %swap3A_1165 = vector.shape_cast %swap3A_1164 : vector<1x16xf32> to vector<16xf32>
        %swap3A_1166 = vector.shape_cast %mul3A_1161 : vector<16xf32> to vector<1x16xf32>
        tpu.vector_store %arg15[%swap3A_1162, %swap3A_1163], %swap3A_1166 {strides = array<i32>} : memref<240x128xf32, #tpu.memory_space<vmem>>, vector<1x16xf32>,
        %get3A_1167 = arith.index_cast %scan3A_1071 : i32 to index
        %get3A_1168 = arith.constant 112 : index
        %get3A_1169 = tpu.vector_load %arg15[%get3A_1167, %get3A_1168] {strides = array<i32>} : memref<240x128xf32, #tpu.memory_space<vmem>>, vector<1x16xf32>,
        %get3A_1170 = vector.shape_cast %get3A_1169 : vector<1x16xf32> to vector<16xf32>
        %slice3A_1171 = vector.extract_strided_slice %get3A_1075 {offsets = [7], sizes = [1], strides = [1]} : vector<16xf32> to vector<1xf32>
        %squeeze3A_1172 = vector.extract %slice3A_1171[0] : f32 from vector<1xf32>
        %mul3A_1173 = vector.broadcast %squeeze3A_1172 : f32 to vector<16xf32>
        %mul3A_1174 = arith.mulf %get3A_1170, %mul3A_1173 : vector<16xf32>
        %swap3A_1175 = arith.index_cast %scan3A_1071 : i32 to index
        %swap3A_1176 = arith.constant 112 : index
        %swap3A_1177 = tpu.vector_load %arg15[%swap3A_1175, %swap3A_1176] {strides = array<i32>} : memref<240x128xf32, #tpu.memory_space<vmem>>, vector<1x16xf32>,
        %swap3A_1178 = vector.shape_cast %swap3A_1177 : vector<1x16xf32> to vector<16xf32>
        %swap3A_1179 = vector.shape_cast %mul3A_1174 : vector<16xf32> to vector<1x16xf32>
        tpu.vector_store %arg15[%swap3A_1175, %swap3A_1176], %swap3A_1179 {strides = array<i32>} : memref<240x128xf32, #tpu.memory_space<vmem>>, vector<1x16xf32>,
      }
      %scan3A_454 = arith.constant 240 : i32
      %dma_start3A_455 = arith.constant 1 : i32
      %dma_start3A_456 = arith.constant 0 : i32
      %dma_start3A_457 = arith.constant 0 : i32
      %dma_start3A_458 = tpu.memref_slice %arg14[%dma_start3A_456, %dma_start3A_457] : memref<480x16xf32, #tpu.memory_space<vmem>> -> memref<240x16xf32, #tpu.memory_space<vmem>>
      %dma_start3A_459 = arith.constant 0 : i32
      %dma_start3A_460 = tpu.memref_slice %arg11[%dma_start3A_455, %dma_start3A_459] : memref<2x240xi32, #tpu.memory_space<vmem>> -> memref<1x240xi32, #tpu.memory_space<vmem>>
      %dma_start3A_461 = tpu.memref_squeeze %dma_start3A_460 : memref<1x240xi32, #tpu.memory_space<vmem>> -> memref<240xi32, #tpu.memory_space<vmem>>
      %dma_start3A_462 = arith.constant 0 : i32
      %dma_start3A_463 = arith.constant 0 : i32
      %dma_start3A_464 = tpu.memref_slice %arg10[%dma_start3A_462, %dma_start3A_463] : memref<10008x16xf32, #tpu.memory_space<vmem_shared>> -> memref<10008x16xf32, #tpu.memory_space<vmem_shared>>
      tpu.enqueue_indirect_dma source(%dma_start3A_458 : memref<240x16xf32, #tpu.memory_space<vmem>>) target(%dma_start3A_464 : memref<10008x16xf32, #tpu.memory_space<vmem_shared>>) offsets(%dma_start3A_461 : memref<240xi32, #tpu.memory_space<vmem>>) semaphore(%arg18 : memref<!tpu.dma_semaphore, #tpu.memory_space<semaphore_mem>>) {add = true}
      %dma_start3A_465 = arith.constant 1 : i32
      %dma_start3A_466 = arith.constant 0 : i32
      %dma_start3A_467 = tpu.memref_slice %arg11[%dma_start3A_465, %dma_start3A_466] : memref<2x240xi32, #tpu.memory_space<vmem>> -> memref<1x240xi32, #tpu.memory_space<vmem>>
      %dma_start3A_468 = tpu.memref_squeeze %dma_start3A_467 : memref<1x240xi32, #tpu.memory_space<vmem>> -> memref<240xi32, #tpu.memory_space<vmem>>
      %dma_start3A_469 = arith.constant 0 : i32
      %dma_start3A_470 = arith.constant 0 : i32
      %dma_start3A_471 = tpu.memref_slice %arg9[%dma_start3A_469, %dma_start3A_470] : memref<10008x128xf32, #tpu.memory_space<vmem_shared>> -> memref<10008x128xf32, #tpu.memory_space<vmem_shared>>
      tpu.enqueue_indirect_dma source(%arg15 : memref<240x128xf32, #tpu.memory_space<vmem>>) target(%dma_start3A_471 : memref<10008x128xf32, #tpu.memory_space<vmem_shared>>) offsets(%dma_start3A_468 : memref<240xi32, #tpu.memory_space<vmem>>) semaphore(%arg18 : memref<!tpu.dma_semaphore, #tpu.memory_space<semaphore_mem>>) {add = true}
      %add3A_472 = arith.constant 1 : i32
      %add3A_473 = arith.addi %add3A_35, %add3A_472 : i32
      %lt3A_474 = arith.constant 42 : i32
      %lt3A_475 = arith.cmpi slt, %add3A_473, %lt3A_474 : i32
      %convert_element_type3A_476 = arith.extui %lt3A_475 : i1 to i32
      %cond3A_477 = arith.constant 0 : i32
      %cond3A_478 = arith.cmpi ne, %convert_element_type3A_476, %cond3A_477 : i32
      scf.if %cond3A_478 {
        %add3A_963 = arith.constant 1 : i32
        %add3A_964 = arith.addi %add3A_35, %add3A_963 : i32
        %mul3A_965 = arith.constant 32 : i32
        %mul3A_966 = arith.muli %mul3A_965, %add3A_964 : i32
        %add3A_967 = arith.addi %add3A, %mul3A_966 : i32
        %dma_start3A_968 = arith.constant 0 : i32
        %dma_start3A_969 = arith.constant 0 : i32
        %dma_start3A_970 = tpu.memref_slice %arg4[%add3A_967, %dma_start3A_968, %dma_start3A_969] : memref<1344x2x240xi32, #tpu.memory_space<hbm>> -> memref<1x2x240xi32, #tpu.memory_space<hbm>>
        %dma_start3A_971 = tpu.memref_squeeze %dma_start3A_970 : memref<1x2x240xi32, #tpu.memory_space<hbm>> -> memref<2x240xi32, #tpu.memory_space<hbm>>
        %dma_start3A_972 = arith.constant 0 : i32
        %dma_start3A_973 = arith.constant 0 : i32
        %dma_start3A_974 = tpu.memref_slice %arg4[%add3A_967, %dma_start3A_972, %dma_start3A_973] : memref<1344x2x240xi32, #tpu.memory_space<hbm>> -> memref<1x2x240xi32, #tpu.memory_space<hbm>>
        %dma_start3A_975 = tpu.memref_squeeze %dma_start3A_974 : memref<1x2x240xi32, #tpu.memory_space<hbm>> -> memref<2x240xi32, #tpu.memory_space<hbm>>
        tpu.enqueue_dma source(%dma_start3A_975 : memref<2x240xi32, #tpu.memory_space<hbm>>) target(%arg12 : memref<2x240xi32, #tpu.memory_space<vmem>>) target_semaphore(%arg17 : memref<!tpu.dma_semaphore, #tpu.memory_space<semaphore_mem>>)
      } else {
      }
      %dma_wait3A_479 = arith.constant 1 : i32
      %dma_wait3A_480 = arith.constant 0 : i32
      %dma_wait3A_481 = arith.constant 0 : i32
      %dma_wait3A_482 = tpu.memref_slice %arg14[%dma_wait3A_480, %dma_wait3A_481] : memref<480x16xf32, #tpu.memory_space<vmem>> -> memref<240x16xf32, #tpu.memory_space<vmem>>
      %dma_wait3A_483 = arith.constant 0 : i32
      %dma_wait3A_484 = tpu.memref_slice %arg11[%dma_wait3A_479, %dma_wait3A_483] : memref<2x240xi32, #tpu.memory_space<vmem>> -> memref<1x240xi32, #tpu.memory_space<vmem>>
      %dma_wait3A_485 = tpu.memref_squeeze %dma_wait3A_484 : memref<1x240xi32, #tpu.memory_space<vmem>> -> memref<240xi32, #tpu.memory_space<vmem>>
      %dma_wait3A_486 = arith.constant 0 : i32
      %dma_wait3A_487 = arith.constant 0 : i32
      %dma_wait3A_488 = tpu.memref_slice %arg10[%dma_wait3A_486, %dma_wait3A_487] : memref<10008x16xf32, #tpu.memory_space<vmem_shared>> -> memref<10008x16xf32, #tpu.memory_space<vmem_shared>>
      tpu.wait_indirect_dma semaphore(%arg18 : memref<!tpu.dma_semaphore, #tpu.memory_space<semaphore_mem>>) src(%dma_wait3A_482 : memref<240x16xf32, #tpu.memory_space<vmem>>) dst(%dma_wait3A_488 : memref<10008x16xf32, #tpu.memory_space<vmem_shared>>)
      %dma_wait3A_489 = arith.constant 1 : i32
      %dma_wait3A_490 = arith.constant 0 : i32
      %dma_wait3A_491 = tpu.memref_slice %arg11[%dma_wait3A_489, %dma_wait3A_490] : memref<2x240xi32, #tpu.memory_space<vmem>> -> memref<1x240xi32, #tpu.memory_space<vmem>>
      %dma_wait3A_492 = tpu.memref_squeeze %dma_wait3A_491 : memref<1x240xi32, #tpu.memory_space<vmem>> -> memref<240xi32, #tpu.memory_space<vmem>>
      %dma_wait3A_493 = arith.constant 0 : i32
      %dma_wait3A_494 = arith.constant 0 : i32
      %dma_wait3A_495 = tpu.memref_slice %arg9[%dma_wait3A_493, %dma_wait3A_494] : memref<10008x128xf32, #tpu.memory_space<vmem_shared>> -> memref<10008x128xf32, #tpu.memory_space<vmem_shared>>
      tpu.wait_indirect_dma semaphore(%arg18 : memref<!tpu.dma_semaphore, #tpu.memory_space<semaphore_mem>>) src(%arg15 : memref<240x128xf32, #tpu.memory_space<vmem>>) dst(%dma_wait3A_495 : memref<10008x128xf32, #tpu.memory_space<vmem_shared>>)
      %mul3A_496 = arith.constant 2 : i32
      %mul3A_497 = arith.muli %mul3A_496, %scan3A_31 : i32
      %add3A_498 = arith.constant 1 : i32
      %add3A_499 = arith.addi %mul3A_497, %add3A_498 : i32
      %dma_wait3A_500 = arith.constant 0 : i32
      %dma_wait3A_501 = arith.constant 0 : i32
      %dma_wait3A_502 = arith.constant 0 : i32
      %dma_wait3A_503 = tpu.memref_slice %arg4[%dma_wait3A_500, %dma_wait3A_501, %dma_wait3A_502] : memref<1344x2x240xi32, #tpu.memory_space<hbm>> -> memref<1x2x240xi32, #tpu.memory_space<hbm>>
      %dma_wait3A_504 = tpu.memref_squeeze %dma_wait3A_503 : memref<1x2x240xi32, #tpu.memory_space<hbm>> -> memref<2x240xi32, #tpu.memory_space<hbm>>
      %dma_wait3A_505 = arith.constant 0 : i32
      %dma_wait3A_506 = arith.constant 0 : i32
      %dma_wait3A_507 = tpu.memref_slice %arg4[%dma_wait3A_500, %dma_wait3A_505, %dma_wait3A_506] : memref<1344x2x240xi32, #tpu.memory_space<hbm>> -> memref<1x2x240xi32, #tpu.memory_space<hbm>>
      %dma_wait3A_508 = tpu.memref_squeeze %dma_wait3A_507 : memref<1x2x240xi32, #tpu.memory_space<hbm>> -> memref<2x240xi32, #tpu.memory_space<hbm>>
      tpu.wait_dma2 semaphore(%arg17 : memref<!tpu.dma_semaphore, #tpu.memory_space<semaphore_mem>>) src(%dma_wait3A_508 : memref<2x240xi32, #tpu.memory_space<hbm>>) dst(%arg12 : memref<2x240xi32, #tpu.memory_space<vmem>>)
      %get3A_509 = arith.constant 0 : i32
      %get3A_510 = arith.index_cast %get3A_509 : i32 to index
      %get3A_511 = arith.constant 0 : index
      %get3A_512 = tpu.vector_load %arg12[%get3A_510, %get3A_511] {strides = array<i32>} : memref<2x240xi32, #tpu.memory_space<vmem>>, vector<1x16xi32>,
      %get3A_513 = vector.shape_cast %get3A_512 : vector<1x16xi32> to vector<16xi32>
      %swap3A_514 = arith.constant 0 : i32
      %swap3A_515 = arith.index_cast %swap3A_514 : i32 to index
      %swap3A_516 = arith.constant 0 : index
      %swap3A_517 = tpu.vector_load %arg13[%swap3A_515, %swap3A_516] {strides = array<i32>} : memref<1x480xi32, #tpu.memory_space<vmem>>, vector<1x16xi32>,
      %swap3A_518 = vector.shape_cast %swap3A_517 : vector<1x16xi32> to vector<16xi32>
      %swap3A_519 = vector.shape_cast %get3A_513 : vector<16xi32> to vector<1x16xi32>
      tpu.vector_store %arg13[%swap3A_515, %swap3A_516], %swap3A_519 {strides = array<i32>} : memref<1x480xi32, #tpu.memory_space<vmem>>, vector<1x16xi32>,
      %get3A_520 = arith.constant 1 : i32
      %get3A_521 = arith.index_cast %get3A_520 : i32 to index
      %get3A_522 = arith.constant 0 : index
      %get3A_523 = tpu.vector_load %arg12[%get3A_521, %get3A_522] {strides = array<i32>} : memref<2x240xi32, #tpu.memory_space<vmem>>, vector<1x16xi32>,
      %get3A_524 = vector.shape_cast %get3A_523 : vector<1x16xi32> to vector<16xi32>
      %add3A_525 = arith.constant 10008 : i32
      %add3A_526 = vector.broadcast %add3A_525 : i32 to vector<16xi32>
      %add3A_527 = arith.addi %get3A_524, %add3A_526 : vector<16xi32>
      %swap3A_528 = arith.constant 0 : i32
      %swap3A_529 = arith.index_cast %swap3A_528 : i32 to index
      %swap3A_530 = arith.constant 240 : index
      %swap3A_531 = tpu.vector_load %arg13[%swap3A_529, %swap3A_530] {strides = array<i32>} : memref<1x480xi32, #tpu.memory_space<vmem>>, vector<1x16xi32>,
      %swap3A_532 = vector.shape_cast %swap3A_531 : vector<1x16xi32> to vector<16xi32>
      %swap3A_533 = vector.shape_cast %add3A_527 : vector<16xi32> to vector<1x16xi32>
      tpu.vector_store %arg13[%swap3A_529, %swap3A_530], %swap3A_533 {strides = array<i32>} : memref<1x480xi32, #tpu.memory_space<vmem>>, vector<1x16xi32>,
      %get3A_534 = arith.constant 0 : i32
      %get3A_535 = arith.index_cast %get3A_534 : i32 to index
      %get3A_536 = arith.constant 16 : index
      %get3A_537 = tpu.vector_load %arg12[%get3A_535, %get3A_536] {strides = array<i32>} : memref<2x240xi32, #tpu.memory_space<vmem>>, vector<1x16xi32>,
      %get3A_538 = vector.shape_cast %get3A_537 : vector<1x16xi32> to vector<16xi32>
      %swap3A_539 = arith.constant 0 : i32
      %swap3A_540 = arith.index_cast %swap3A_539 : i32 to index
      %swap3A_541 = arith.constant 16 : index
      %swap3A_542 = tpu.vector_load %arg13[%swap3A_540, %swap3A_541] {strides = array<i32>} : memref<1x480xi32, #tpu.memory_space<vmem>>, vector<1x16xi32>,
      %swap3A_543 = vector.shape_cast %swap3A_542 : vector<1x16xi32> to vector<16xi32>
      %swap3A_544 = vector.shape_cast %get3A_538 : vector<16xi32> to vector<1x16xi32>
      tpu.vector_store %arg13[%swap3A_540, %swap3A_541], %swap3A_544 {strides = array<i32>} : memref<1x480xi32, #tpu.memory_space<vmem>>, vector<1x16xi32>,
      %get3A_545 = arith.constant 1 : i32
      %get3A_546 = arith.index_cast %get3A_545 : i32 to index
      %get3A_547 = arith.constant 16 : index
      %get3A_548 = tpu.vector_load %arg12[%get3A_546, %get3A_547] {strides = array<i32>} : memref<2x240xi32, #tpu.memory_space<vmem>>, vector<1x16xi32>,
      %get3A_549 = vector.shape_cast %get3A_548 : vector<1x16xi32> to vector<16xi32>
      %add3A_550 = arith.constant 10008 : i32
      %add3A_551 = vector.broadcast %add3A_550 : i32 to vector<16xi32>
      %add3A_552 = arith.addi %get3A_549, %add3A_551 : vector<16xi32>
      %swap3A_553 = arith.constant 0 : i32
      %swap3A_554 = arith.index_cast %swap3A_553 : i32 to index
      %swap3A_555 = arith.constant 256 : index
      %swap3A_556 = tpu.vector_load %arg13[%swap3A_554, %swap3A_555] {strides = array<i32>} : memref<1x480xi32, #tpu.memory_space<vmem>>, vector<1x16xi32>,
      %swap3A_557 = vector.shape_cast %swap3A_556 : vector<1x16xi32> to vector<16xi32>
      %swap3A_558 = vector.shape_cast %add3A_552 : vector<16xi32> to vector<1x16xi32>
      tpu.vector_store %arg13[%swap3A_554, %swap3A_555], %swap3A_558 {strides = array<i32>} : memref<1x480xi32, #tpu.memory_space<vmem>>, vector<1x16xi32>,
      %get3A_559 = arith.constant 0 : i32
      %get3A_560 = arith.index_cast %get3A_559 : i32 to index
      %get3A_561 = arith.constant 32 : index
      %get3A_562 = tpu.vector_load %arg12[%get3A_560, %get3A_561] {strides = array<i32>} : memref<2x240xi32, #tpu.memory_space<vmem>>, vector<1x16xi32>,
      %get3A_563 = vector.shape_cast %get3A_562 : vector<1x16xi32> to vector<16xi32>
      %swap3A_564 = arith.constant 0 : i32
      %swap3A_565 = arith.index_cast %swap3A_564 : i32 to index
      %swap3A_566 = arith.constant 32 : index
      %swap3A_567 = tpu.vector_load %arg13[%swap3A_565, %swap3A_566] {strides = array<i32>} : memref<1x480xi32, #tpu.memory_space<vmem>>, vector<1x16xi32>,
      %swap3A_568 = vector.shape_cast %swap3A_567 : vector<1x16xi32> to vector<16xi32>
      %swap3A_569 = vector.shape_cast %get3A_563 : vector<16xi32> to vector<1x16xi32>
      tpu.vector_store %arg13[%swap3A_565, %swap3A_566], %swap3A_569 {strides = array<i32>} : memref<1x480xi32, #tpu.memory_space<vmem>>, vector<1x16xi32>,
      %get3A_570 = arith.constant 1 : i32
      %get3A_571 = arith.index_cast %get3A_570 : i32 to index
      %get3A_572 = arith.constant 32 : index
      %get3A_573 = tpu.vector_load %arg12[%get3A_571, %get3A_572] {strides = array<i32>} : memref<2x240xi32, #tpu.memory_space<vmem>>, vector<1x16xi32>,
      %get3A_574 = vector.shape_cast %get3A_573 : vector<1x16xi32> to vector<16xi32>
      %add3A_575 = arith.constant 10008 : i32
      %add3A_576 = vector.broadcast %add3A_575 : i32 to vector<16xi32>
      %add3A_577 = arith.addi %get3A_574, %add3A_576 : vector<16xi32>
      %swap3A_578 = arith.constant 0 : i32
      %swap3A_579 = arith.index_cast %swap3A_578 : i32 to index
      %swap3A_580 = arith.constant 272 : index
      %swap3A_581 = tpu.vector_load %arg13[%swap3A_579, %swap3A_580] {strides = array<i32>} : memref<1x480xi32, #tpu.memory_space<vmem>>, vector<1x16xi32>,
      %swap3A_582 = vector.shape_cast %swap3A_581 : vector<1x16xi32> to vector<16xi32>
      %swap3A_583 = vector.shape_cast %add3A_577 : vector<16xi32> to vector<1x16xi32>
      tpu.vector_store %arg13[%swap3A_579, %swap3A_580], %swap3A_583 {strides = array<i32>} : memref<1x480xi32, #tpu.memory_space<vmem>>, vector<1x16xi32>,
      %get3A_584 = arith.constant 0 : i32
      %get3A_585 = arith.index_cast %get3A_584 : i32 to index
      %get3A_586 = arith.constant 48 : index
      %get3A_587 = tpu.vector_load %arg12[%get3A_585, %get3A_586] {strides = array<i32>} : memref<2x240xi32, #tpu.memory_space<vmem>>, vector<1x16xi32>,
      %get3A_588 = vector.shape_cast %get3A_587 : vector<1x16xi32> to vector<16xi32>
      %swap3A_589 = arith.constant 0 : i32
      %swap3A_590 = arith.index_cast %swap3A_589 : i32 to index
      %swap3A_591 = arith.constant 48 : index
      %swap3A_592 = tpu.vector_load %arg13[%swap3A_590, %swap3A_591] {strides = array<i32>} : memref<1x480xi32, #tpu.memory_space<vmem>>, vector<1x16xi32>,
      %swap3A_593 = vector.shape_cast %swap3A_592 : vector<1x16xi32> to vector<16xi32>
      %swap3A_594 = vector.shape_cast %get3A_588 : vector<16xi32> to vector<1x16xi32>
      tpu.vector_store %arg13[%swap3A_590, %swap3A_591], %swap3A_594 {strides = array<i32>} : memref<1x480xi32, #tpu.memory_space<vmem>>, vector<1x16xi32>,
      %get3A_595 = arith.constant 1 : i32
      %get3A_596 = arith.index_cast %get3A_595 : i32 to index
      %get3A_597 = arith.constant 48 : index
      %get3A_598 = tpu.vector_load %arg12[%get3A_596, %get3A_597] {strides = array<i32>} : memref<2x240xi32, #tpu.memory_space<vmem>>, vector<1x16xi32>,
      %get3A_599 = vector.shape_cast %get3A_598 : vector<1x16xi32> to vector<16xi32>
      %add3A_600 = arith.constant 10008 : i32
      %add3A_601 = vector.broadcast %add3A_600 : i32 to vector<16xi32>
      %add3A_602 = arith.addi %get3A_599, %add3A_601 : vector<16xi32>
      %swap3A_603 = arith.constant 0 : i32
      %swap3A_604 = arith.index_cast %swap3A_603 : i32 to index
      %swap3A_605 = arith.constant 288 : index
      %swap3A_606 = tpu.vector_load %arg13[%swap3A_604, %swap3A_605] {strides = array<i32>} : memref<1x480xi32, #tpu.memory_space<vmem>>, vector<1x16xi32>,
      %swap3A_607 = vector.shape_cast %swap3A_606 : vector<1x16xi32> to vector<16xi32>
      %swap3A_608 = vector.shape_cast %add3A_602 : vector<16xi32> to vector<1x16xi32>
      tpu.vector_store %arg13[%swap3A_604, %swap3A_605], %swap3A_608 {strides = array<i32>} : memref<1x480xi32, #tpu.memory_space<vmem>>, vector<1x16xi32>,
      %get3A_609 = arith.constant 0 : i32
      %get3A_610 = arith.index_cast %get3A_609 : i32 to index
      %get3A_611 = arith.constant 64 : index
      %get3A_612 = tpu.vector_load %arg12[%get3A_610, %get3A_611] {strides = array<i32>} : memref<2x240xi32, #tpu.memory_space<vmem>>, vector<1x16xi32>,
      %get3A_613 = vector.shape_cast %get3A_612 : vector<1x16xi32> to vector<16xi32>
      %swap3A_614 = arith.constant 0 : i32
      %swap3A_615 = arith.index_cast %swap3A_614 : i32 to index
      %swap3A_616 = arith.constant 64 : index
      %swap3A_617 = tpu.vector_load %arg13[%swap3A_615, %swap3A_616] {strides = array<i32>} : memref<1x480xi32, #tpu.memory_space<vmem>>, vector<1x16xi32>,
      %swap3A_618 = vector.shape_cast %swap3A_617 : vector<1x16xi32> to vector<16xi32>
      %swap3A_619 = vector.shape_cast %get3A_613 : vector<16xi32> to vector<1x16xi32>
      tpu.vector_store %arg13[%swap3A_615, %swap3A_616], %swap3A_619 {strides = array<i32>} : memref<1x480xi32, #tpu.memory_space<vmem>>, vector<1x16xi32>,
      %get3A_620 = arith.constant 1 : i32
      %get3A_621 = arith.index_cast %get3A_620 : i32 to index
      %get3A_622 = arith.constant 64 : index
      %get3A_623 = tpu.vector_load %arg12[%get3A_621, %get3A_622] {strides = array<i32>} : memref<2x240xi32, #tpu.memory_space<vmem>>, vector<1x16xi32>,
      %get3A_624 = vector.shape_cast %get3A_623 : vector<1x16xi32> to vector<16xi32>
      %add3A_625 = arith.constant 10008 : i32
      %add3A_626 = vector.broadcast %add3A_625 : i32 to vector<16xi32>
      %add3A_627 = arith.addi %get3A_624, %add3A_626 : vector<16xi32>
      %swap3A_628 = arith.constant 0 : i32
      %swap3A_629 = arith.index_cast %swap3A_628 : i32 to index
      %swap3A_630 = arith.constant 304 : index
      %swap3A_631 = tpu.vector_load %arg13[%swap3A_629, %swap3A_630] {strides = array<i32>} : memref<1x480xi32, #tpu.memory_space<vmem>>, vector<1x16xi32>,
      %swap3A_632 = vector.shape_cast %swap3A_631 : vector<1x16xi32> to vector<16xi32>
      %swap3A_633 = vector.shape_cast %add3A_627 : vector<16xi32> to vector<1x16xi32>
      tpu.vector_store %arg13[%swap3A_629, %swap3A_630], %swap3A_633 {strides = array<i32>} : memref<1x480xi32, #tpu.memory_space<vmem>>, vector<1x16xi32>,
      %get3A_634 = arith.constant 0 : i32
      %get3A_635 = arith.index_cast %get3A_634 : i32 to index
      %get3A_636 = arith.constant 80 : index
      %get3A_637 = tpu.vector_load %arg12[%get3A_635, %get3A_636] {strides = array<i32>} : memref<2x240xi32, #tpu.memory_space<vmem>>, vector<1x16xi32>,
      %get3A_638 = vector.shape_cast %get3A_637 : vector<1x16xi32> to vector<16xi32>
      %swap3A_639 = arith.constant 0 : i32
      %swap3A_640 = arith.index_cast %swap3A_639 : i32 to index
      %swap3A_641 = arith.constant 80 : index
      %swap3A_642 = tpu.vector_load %arg13[%swap3A_640, %swap3A_641] {strides = array<i32>} : memref<1x480xi32, #tpu.memory_space<vmem>>, vector<1x16xi32>,
      %swap3A_643 = vector.shape_cast %swap3A_642 : vector<1x16xi32> to vector<16xi32>
      %swap3A_644 = vector.shape_cast %get3A_638 : vector<16xi32> to vector<1x16xi32>
      tpu.vector_store %arg13[%swap3A_640, %swap3A_641], %swap3A_644 {strides = array<i32>} : memref<1x480xi32, #tpu.memory_space<vmem>>, vector<1x16xi32>,
      %get3A_645 = arith.constant 1 : i32
      %get3A_646 = arith.index_cast %get3A_645 : i32 to index
      %get3A_647 = arith.constant 80 : index
      %get3A_648 = tpu.vector_load %arg12[%get3A_646, %get3A_647] {strides = array<i32>} : memref<2x240xi32, #tpu.memory_space<vmem>>, vector<1x16xi32>,
      %get3A_649 = vector.shape_cast %get3A_648 : vector<1x16xi32> to vector<16xi32>
      %add3A_650 = arith.constant 10008 : i32
      %add3A_651 = vector.broadcast %add3A_650 : i32 to vector<16xi32>
      %add3A_652 = arith.addi %get3A_649, %add3A_651 : vector<16xi32>
      %swap3A_653 = arith.constant 0 : i32
      %swap3A_654 = arith.index_cast %swap3A_653 : i32 to index
      %swap3A_655 = arith.constant 320 : index
      %swap3A_656 = tpu.vector_load %arg13[%swap3A_654, %swap3A_655] {strides = array<i32>} : memref<1x480xi32, #tpu.memory_space<vmem>>, vector<1x16xi32>,
      %swap3A_657 = vector.shape_cast %swap3A_656 : vector<1x16xi32> to vector<16xi32>
      %swap3A_658 = vector.shape_cast %add3A_652 : vector<16xi32> to vector<1x16xi32>
      tpu.vector_store %arg13[%swap3A_654, %swap3A_655], %swap3A_658 {strides = array<i32>} : memref<1x480xi32, #tpu.memory_space<vmem>>, vector<1x16xi32>,
      %get3A_659 = arith.constant 0 : i32
      %get3A_660 = arith.index_cast %get3A_659 : i32 to index
      %get3A_661 = arith.constant 96 : index
      %get3A_662 = tpu.vector_load %arg12[%get3A_660, %get3A_661] {strides = array<i32>} : memref<2x240xi32, #tpu.memory_space<vmem>>, vector<1x16xi32>,
      %get3A_663 = vector.shape_cast %get3A_662 : vector<1x16xi32> to vector<16xi32>
      %swap3A_664 = arith.constant 0 : i32
      %swap3A_665 = arith.index_cast %swap3A_664 : i32 to index
      %swap3A_666 = arith.constant 96 : index
      %swap3A_667 = tpu.vector_load %arg13[%swap3A_665, %swap3A_666] {strides = array<i32>} : memref<1x480xi32, #tpu.memory_space<vmem>>, vector<1x16xi32>,
      %swap3A_668 = vector.shape_cast %swap3A_667 : vector<1x16xi32> to vector<16xi32>
      %swap3A_669 = vector.shape_cast %get3A_663 : vector<16xi32> to vector<1x16xi32>
      tpu.vector_store %arg13[%swap3A_665, %swap3A_666], %swap3A_669 {strides = array<i32>} : memref<1x480xi32, #tpu.memory_space<vmem>>, vector<1x16xi32>,
      %get3A_670 = arith.constant 1 : i32
      %get3A_671 = arith.index_cast %get3A_670 : i32 to index
      %get3A_672 = arith.constant 96 : index
      %get3A_673 = tpu.vector_load %arg12[%get3A_671, %get3A_672] {strides = array<i32>} : memref<2x240xi32, #tpu.memory_space<vmem>>, vector<1x16xi32>,
      %get3A_674 = vector.shape_cast %get3A_673 : vector<1x16xi32> to vector<16xi32>
      %add3A_675 = arith.constant 10008 : i32
      %add3A_676 = vector.broadcast %add3A_675 : i32 to vector<16xi32>
      %add3A_677 = arith.addi %get3A_674, %add3A_676 : vector<16xi32>
      %swap3A_678 = arith.constant 0 : i32
      %swap3A_679 = arith.index_cast %swap3A_678 : i32 to index
      %swap3A_680 = arith.constant 336 : index
      %swap3A_681 = tpu.vector_load %arg13[%swap3A_679, %swap3A_680] {strides = array<i32>} : memref<1x480xi32, #tpu.memory_space<vmem>>, vector<1x16xi32>,
      %swap3A_682 = vector.shape_cast %swap3A_681 : vector<1x16xi32> to vector<16xi32>
      %swap3A_683 = vector.shape_cast %add3A_677 : vector<16xi32> to vector<1x16xi32>
      tpu.vector_store %arg13[%swap3A_679, %swap3A_680], %swap3A_683 {strides = array<i32>} : memref<1x480xi32, #tpu.memory_space<vmem>>, vector<1x16xi32>,
      %get3A_684 = arith.constant 0 : i32
      %get3A_685 = arith.index_cast %get3A_684 : i32 to index
      %get3A_686 = arith.constant 112 : index
      %get3A_687 = tpu.vector_load %arg12[%get3A_685, %get3A_686] {strides = array<i32>} : memref<2x240xi32, #tpu.memory_space<vmem>>, vector<1x16xi32>,
      %get3A_688 = vector.shape_cast %get3A_687 : vector<1x16xi32> to vector<16xi32>
      %swap3A_689 = arith.constant 0 : i32
      %swap3A_690 = arith.index_cast %swap3A_689 : i32 to index
      %swap3A_691 = arith.constant 112 : index
      %swap3A_692 = tpu.vector_load %arg13[%swap3A_690, %swap3A_691] {strides = array<i32>} : memref<1x480xi32, #tpu.memory_space<vmem>>, vector<1x16xi32>,
      %swap3A_693 = vector.shape_cast %swap3A_692 : vector<1x16xi32> to vector<16xi32>
      %swap3A_694 = vector.shape_cast %get3A_688 : vector<16xi32> to vector<1x16xi32>
      tpu.vector_store %arg13[%swap3A_690, %swap3A_691], %swap3A_694 {strides = array<i32>} : memref<1x480xi32, #tpu.memory_space<vmem>>, vector<1x16xi32>,
      %get3A_695 = arith.constant 1 : i32
      %get3A_696 = arith.index_cast %get3A_695 : i32 to index
      %get3A_697 = arith.constant 112 : index
      %get3A_698 = tpu.vector_load %arg12[%get3A_696, %get3A_697] {strides = array<i32>} : memref<2x240xi32, #tpu.memory_space<vmem>>, vector<1x16xi32>,
      %get3A_699 = vector.shape_cast %get3A_698 : vector<1x16xi32> to vector<16xi32>
      %add3A_700 = arith.constant 10008 : i32
      %add3A_701 = vector.broadcast %add3A_700 : i32 to vector<16xi32>
      %add3A_702 = arith.addi %get3A_699, %add3A_701 : vector<16xi32>
      %swap3A_703 = arith.constant 0 : i32
      %swap3A_704 = arith.index_cast %swap3A_703 : i32 to index
      %swap3A_705 = arith.constant 352 : index
      %swap3A_706 = tpu.vector_load %arg13[%swap3A_704, %swap3A_705] {strides = array<i32>} : memref<1x480xi32, #tpu.memory_space<vmem>>, vector<1x16xi32>,
      %swap3A_707 = vector.shape_cast %swap3A_706 : vector<1x16xi32> to vector<16xi32>
      %swap3A_708 = vector.shape_cast %add3A_702 : vector<16xi32> to vector<1x16xi32>
      tpu.vector_store %arg13[%swap3A_704, %swap3A_705], %swap3A_708 {strides = array<i32>} : memref<1x480xi32, #tpu.memory_space<vmem>>, vector<1x16xi32>,
      %get3A_709 = arith.constant 0 : i32
      %get3A_710 = arith.index_cast %get3A_709 : i32 to index
      %get3A_711 = arith.constant 128 : index
      %get3A_712 = tpu.vector_load %arg12[%get3A_710, %get3A_711] {strides = array<i32>} : memref<2x240xi32, #tpu.memory_space<vmem>>, vector<1x16xi32>,
      %get3A_713 = vector.shape_cast %get3A_712 : vector<1x16xi32> to vector<16xi32>
      %swap3A_714 = arith.constant 0 : i32
      %swap3A_715 = arith.index_cast %swap3A_714 : i32 to index
      %swap3A_716 = arith.constant 128 : index
      %swap3A_717 = tpu.vector_load %arg13[%swap3A_715, %swap3A_716] {strides = array<i32>} : memref<1x480xi32, #tpu.memory_space<vmem>>, vector<1x16xi32>,
      %swap3A_718 = vector.shape_cast %swap3A_717 : vector<1x16xi32> to vector<16xi32>
      %swap3A_719 = vector.shape_cast %get3A_713 : vector<16xi32> to vector<1x16xi32>
      tpu.vector_store %arg13[%swap3A_715, %swap3A_716], %swap3A_719 {strides = array<i32>} : memref<1x480xi32, #tpu.memory_space<vmem>>, vector<1x16xi32>,
      %get3A_720 = arith.constant 1 : i32
      %get3A_721 = arith.index_cast %get3A_720 : i32 to index
      %get3A_722 = arith.constant 128 : index
      %get3A_723 = tpu.vector_load %arg12[%get3A_721, %get3A_722] {strides = array<i32>} : memref<2x240xi32, #tpu.memory_space<vmem>>, vector<1x16xi32>,
      %get3A_724 = vector.shape_cast %get3A_723 : vector<1x16xi32> to vector<16xi32>
      %add3A_725 = arith.constant 10008 : i32
      %add3A_726 = vector.broadcast %add3A_725 : i32 to vector<16xi32>
      %add3A_727 = arith.addi %get3A_724, %add3A_726 : vector<16xi32>
      %swap3A_728 = arith.constant 0 : i32
      %swap3A_729 = arith.index_cast %swap3A_728 : i32 to index
      %swap3A_730 = arith.constant 368 : index
      %swap3A_731 = tpu.vector_load %arg13[%swap3A_729, %swap3A_730] {strides = array<i32>} : memref<1x480xi32, #tpu.memory_space<vmem>>, vector<1x16xi32>,
      %swap3A_732 = vector.shape_cast %swap3A_731 : vector<1x16xi32> to vector<16xi32>
      %swap3A_733 = vector.shape_cast %add3A_727 : vector<16xi32> to vector<1x16xi32>
      tpu.vector_store %arg13[%swap3A_729, %swap3A_730], %swap3A_733 {strides = array<i32>} : memref<1x480xi32, #tpu.memory_space<vmem>>, vector<1x16xi32>,
      %get3A_734 = arith.constant 0 : i32
      %get3A_735 = arith.index_cast %get3A_734 : i32 to index
      %get3A_736 = arith.constant 144 : index
      %get3A_737 = tpu.vector_load %arg12[%get3A_735, %get3A_736] {strides = array<i32>} : memref<2x240xi32, #tpu.memory_space<vmem>>, vector<1x16xi32>,
      %get3A_738 = vector.shape_cast %get3A_737 : vector<1x16xi32> to vector<16xi32>
      %swap3A_739 = arith.constant 0 : i32
      %swap3A_740 = arith.index_cast %swap3A_739 : i32 to index
      %swap3A_741 = arith.constant 144 : index
      %swap3A_742 = tpu.vector_load %arg13[%swap3A_740, %swap3A_741] {strides = array<i32>} : memref<1x480xi32, #tpu.memory_space<vmem>>, vector<1x16xi32>,
      %swap3A_743 = vector.shape_cast %swap3A_742 : vector<1x16xi32> to vector<16xi32>
      %swap3A_744 = vector.shape_cast %get3A_738 : vector<16xi32> to vector<1x16xi32>
      tpu.vector_store %arg13[%swap3A_740, %swap3A_741], %swap3A_744 {strides = array<i32>} : memref<1x480xi32, #tpu.memory_space<vmem>>, vector<1x16xi32>,
      %get3A_745 = arith.constant 1 : i32
      %get3A_746 = arith.index_cast %get3A_745 : i32 to index
      %get3A_747 = arith.constant 144 : index
      %get3A_748 = tpu.vector_load %arg12[%get3A_746, %get3A_747] {strides = array<i32>} : memref<2x240xi32, #tpu.memory_space<vmem>>, vector<1x16xi32>,
      %get3A_749 = vector.shape_cast %get3A_748 : vector<1x16xi32> to vector<16xi32>
      %add3A_750 = arith.constant 10008 : i32
      %add3A_751 = vector.broadcast %add3A_750 : i32 to vector<16xi32>
      %add3A_752 = arith.addi %get3A_749, %add3A_751 : vector<16xi32>
      %swap3A_753 = arith.constant 0 : i32
      %swap3A_754 = arith.index_cast %swap3A_753 : i32 to index
      %swap3A_755 = arith.constant 384 : index
      %swap3A_756 = tpu.vector_load %arg13[%swap3A_754, %swap3A_755] {strides = array<i32>} : memref<1x480xi32, #tpu.memory_space<vmem>>, vector<1x16xi32>,
      %swap3A_757 = vector.shape_cast %swap3A_756 : vector<1x16xi32> to vector<16xi32>
      %swap3A_758 = vector.shape_cast %add3A_752 : vector<16xi32> to vector<1x16xi32>
      tpu.vector_store %arg13[%swap3A_754, %swap3A_755], %swap3A_758 {strides = array<i32>} : memref<1x480xi32, #tpu.memory_space<vmem>>, vector<1x16xi32>,
      %get3A_759 = arith.constant 0 : i32
      %get3A_760 = arith.index_cast %get3A_759 : i32 to index
      %get3A_761 = arith.constant 160 : index
      %get3A_762 = tpu.vector_load %arg12[%get3A_760, %get3A_761] {strides = array<i32>} : memref<2x240xi32, #tpu.memory_space<vmem>>, vector<1x16xi32>,
      %get3A_763 = vector.shape_cast %get3A_762 : vector<1x16xi32> to vector<16xi32>
      %swap3A_764 = arith.constant 0 : i32
      %swap3A_765 = arith.index_cast %swap3A_764 : i32 to index
      %swap3A_766 = arith.constant 160 : index
      %swap3A_767 = tpu.vector_load %arg13[%swap3A_765, %swap3A_766] {strides = array<i32>} : memref<1x480xi32, #tpu.memory_space<vmem>>, vector<1x16xi32>,
      %swap3A_768 = vector.shape_cast %swap3A_767 : vector<1x16xi32> to vector<16xi32>
      %swap3A_769 = vector.shape_cast %get3A_763 : vector<16xi32> to vector<1x16xi32>
      tpu.vector_store %arg13[%swap3A_765, %swap3A_766], %swap3A_769 {strides = array<i32>} : memref<1x480xi32, #tpu.memory_space<vmem>>, vector<1x16xi32>,
      %get3A_770 = arith.constant 1 : i32
      %get3A_771 = arith.index_cast %get3A_770 : i32 to index
      %get3A_772 = arith.constant 160 : index
      %get3A_773 = tpu.vector_load %arg12[%get3A_771, %get3A_772] {strides = array<i32>} : memref<2x240xi32, #tpu.memory_space<vmem>>, vector<1x16xi32>,
      %get3A_774 = vector.shape_cast %get3A_773 : vector<1x16xi32> to vector<16xi32>
      %add3A_775 = arith.constant 10008 : i32
      %add3A_776 = vector.broadcast %add3A_775 : i32 to vector<16xi32>
      %add3A_777 = arith.addi %get3A_774, %add3A_776 : vector<16xi32>
      %swap3A_778 = arith.constant 0 : i32
      %swap3A_779 = arith.index_cast %swap3A_778 : i32 to index
      %swap3A_780 = arith.constant 400 : index
      %swap3A_781 = tpu.vector_load %arg13[%swap3A_779, %swap3A_780] {strides = array<i32>} : memref<1x480xi32, #tpu.memory_space<vmem>>, vector<1x16xi32>,
      %swap3A_782 = vector.shape_cast %swap3A_781 : vector<1x16xi32> to vector<16xi32>
      %swap3A_783 = vector.shape_cast %add3A_777 : vector<16xi32> to vector<1x16xi32>
      tpu.vector_store %arg13[%swap3A_779, %swap3A_780], %swap3A_783 {strides = array<i32>} : memref<1x480xi32, #tpu.memory_space<vmem>>, vector<1x16xi32>,
      %get3A_784 = arith.constant 0 : i32
      %get3A_785 = arith.index_cast %get3A_784 : i32 to index
      %get3A_786 = arith.constant 176 : index
      %get3A_787 = tpu.vector_load %arg12[%get3A_785, %get3A_786] {strides = array<i32>} : memref<2x240xi32, #tpu.memory_space<vmem>>, vector<1x16xi32>,
      %get3A_788 = vector.shape_cast %get3A_787 : vector<1x16xi32> to vector<16xi32>
      %swap3A_789 = arith.constant 0 : i32
      %swap3A_790 = arith.index_cast %swap3A_789 : i32 to index
      %swap3A_791 = arith.constant 176 : index
      %swap3A_792 = tpu.vector_load %arg13[%swap3A_790, %swap3A_791] {strides = array<i32>} : memref<1x480xi32, #tpu.memory_space<vmem>>, vector<1x16xi32>,
      %swap3A_793 = vector.shape_cast %swap3A_792 : vector<1x16xi32> to vector<16xi32>
      %swap3A_794 = vector.shape_cast %get3A_788 : vector<16xi32> to vector<1x16xi32>
      tpu.vector_store %arg13[%swap3A_790, %swap3A_791], %swap3A_794 {strides = array<i32>} : memref<1x480xi32, #tpu.memory_space<vmem>>, vector<1x16xi32>,
      %get3A_795 = arith.constant 1 : i32
      %get3A_796 = arith.index_cast %get3A_795 : i32 to index
      %get3A_797 = arith.constant 176 : index
      %get3A_798 = tpu.vector_load %arg12[%get3A_796, %get3A_797] {strides = array<i32>} : memref<2x240xi32, #tpu.memory_space<vmem>>, vector<1x16xi32>,
      %get3A_799 = vector.shape_cast %get3A_798 : vector<1x16xi32> to vector<16xi32>
      %add3A_800 = arith.constant 10008 : i32
      %add3A_801 = vector.broadcast %add3A_800 : i32 to vector<16xi32>
      %add3A_802 = arith.addi %get3A_799, %add3A_801 : vector<16xi32>
      %swap3A_803 = arith.constant 0 : i32
      %swap3A_804 = arith.index_cast %swap3A_803 : i32 to index
      %swap3A_805 = arith.constant 416 : index
      %swap3A_806 = tpu.vector_load %arg13[%swap3A_804, %swap3A_805] {strides = array<i32>} : memref<1x480xi32, #tpu.memory_space<vmem>>, vector<1x16xi32>,
      %swap3A_807 = vector.shape_cast %swap3A_806 : vector<1x16xi32> to vector<16xi32>
      %swap3A_808 = vector.shape_cast %add3A_802 : vector<16xi32> to vector<1x16xi32>
      tpu.vector_store %arg13[%swap3A_804, %swap3A_805], %swap3A_808 {strides = array<i32>} : memref<1x480xi32, #tpu.memory_space<vmem>>, vector<1x16xi32>,
      %get3A_809 = arith.constant 0 : i32
      %get3A_810 = arith.index_cast %get3A_809 : i32 to index
      %get3A_811 = arith.constant 192 : index
      %get3A_812 = tpu.vector_load %arg12[%get3A_810, %get3A_811] {strides = array<i32>} : memref<2x240xi32, #tpu.memory_space<vmem>>, vector<1x16xi32>,
      %get3A_813 = vector.shape_cast %get3A_812 : vector<1x16xi32> to vector<16xi32>
      %swap3A_814 = arith.constant 0 : i32
      %swap3A_815 = arith.index_cast %swap3A_814 : i32 to index
      %swap3A_816 = arith.constant 192 : index
      %swap3A_817 = tpu.vector_load %arg13[%swap3A_815, %swap3A_816] {strides = array<i32>} : memref<1x480xi32, #tpu.memory_space<vmem>>, vector<1x16xi32>,
      %swap3A_818 = vector.shape_cast %swap3A_817 : vector<1x16xi32> to vector<16xi32>
      %swap3A_819 = vector.shape_cast %get3A_813 : vector<16xi32> to vector<1x16xi32>
      tpu.vector_store %arg13[%swap3A_815, %swap3A_816], %swap3A_819 {strides = array<i32>} : memref<1x480xi32, #tpu.memory_space<vmem>>, vector<1x16xi32>,
      %get3A_820 = arith.constant 1 : i32
      %get3A_821 = arith.index_cast %get3A_820 : i32 to index
      %get3A_822 = arith.constant 192 : index
      %get3A_823 = tpu.vector_load %arg12[%get3A_821, %get3A_822] {strides = array<i32>} : memref<2x240xi32, #tpu.memory_space<vmem>>, vector<1x16xi32>,
      %get3A_824 = vector.shape_cast %get3A_823 : vector<1x16xi32> to vector<16xi32>
      %add3A_825 = arith.constant 10008 : i32
      %add3A_826 = vector.broadcast %add3A_825 : i32 to vector<16xi32>
      %add3A_827 = arith.addi %get3A_824, %add3A_826 : vector<16xi32>
      %swap3A_828 = arith.constant 0 : i32
      %swap3A_829 = arith.index_cast %swap3A_828 : i32 to index
      %swap3A_830 = arith.constant 432 : index
      %swap3A_831 = tpu.vector_load %arg13[%swap3A_829, %swap3A_830] {strides = array<i32>} : memref<1x480xi32, #tpu.memory_space<vmem>>, vector<1x16xi32>,
      %swap3A_832 = vector.shape_cast %swap3A_831 : vector<1x16xi32> to vector<16xi32>
      %swap3A_833 = vector.shape_cast %add3A_827 : vector<16xi32> to vector<1x16xi32>
      tpu.vector_store %arg13[%swap3A_829, %swap3A_830], %swap3A_833 {strides = array<i32>} : memref<1x480xi32, #tpu.memory_space<vmem>>, vector<1x16xi32>,
      %get3A_834 = arith.constant 0 : i32
      %get3A_835 = arith.index_cast %get3A_834 : i32 to index
      %get3A_836 = arith.constant 208 : index
      %get3A_837 = tpu.vector_load %arg12[%get3A_835, %get3A_836] {strides = array<i32>} : memref<2x240xi32, #tpu.memory_space<vmem>>, vector<1x16xi32>,
      %get3A_838 = vector.shape_cast %get3A_837 : vector<1x16xi32> to vector<16xi32>
      %swap3A_839 = arith.constant 0 : i32
      %swap3A_840 = arith.index_cast %swap3A_839 : i32 to index
      %swap3A_841 = arith.constant 208 : index
      %swap3A_842 = tpu.vector_load %arg13[%swap3A_840, %swap3A_841] {strides = array<i32>} : memref<1x480xi32, #tpu.memory_space<vmem>>, vector<1x16xi32>,
      %swap3A_843 = vector.shape_cast %swap3A_842 : vector<1x16xi32> to vector<16xi32>
      %swap3A_844 = vector.shape_cast %get3A_838 : vector<16xi32> to vector<1x16xi32>
      tpu.vector_store %arg13[%swap3A_840, %swap3A_841], %swap3A_844 {strides = array<i32>} : memref<1x480xi32, #tpu.memory_space<vmem>>, vector<1x16xi32>,
      %get3A_845 = arith.constant 1 : i32
      %get3A_846 = arith.index_cast %get3A_845 : i32 to index
      %get3A_847 = arith.constant 208 : index
      %get3A_848 = tpu.vector_load %arg12[%get3A_846, %get3A_847] {strides = array<i32>} : memref<2x240xi32, #tpu.memory_space<vmem>>, vector<1x16xi32>,
      %get3A_849 = vector.shape_cast %get3A_848 : vector<1x16xi32> to vector<16xi32>
      %add3A_850 = arith.constant 10008 : i32
      %add3A_851 = vector.broadcast %add3A_850 : i32 to vector<16xi32>
      %add3A_852 = arith.addi %get3A_849, %add3A_851 : vector<16xi32>
      %swap3A_853 = arith.constant 0 : i32
      %swap3A_854 = arith.index_cast %swap3A_853 : i32 to index
      %swap3A_855 = arith.constant 448 : index
      %swap3A_856 = tpu.vector_load %arg13[%swap3A_854, %swap3A_855] {strides = array<i32>} : memref<1x480xi32, #tpu.memory_space<vmem>>, vector<1x16xi32>,
      %swap3A_857 = vector.shape_cast %swap3A_856 : vector<1x16xi32> to vector<16xi32>
      %swap3A_858 = vector.shape_cast %add3A_852 : vector<16xi32> to vector<1x16xi32>
      tpu.vector_store %arg13[%swap3A_854, %swap3A_855], %swap3A_858 {strides = array<i32>} : memref<1x480xi32, #tpu.memory_space<vmem>>, vector<1x16xi32>,
      %get3A_859 = arith.constant 0 : i32
      %get3A_860 = arith.index_cast %get3A_859 : i32 to index
      %get3A_861 = arith.constant 224 : index
      %get3A_862 = tpu.vector_load %arg12[%get3A_860, %get3A_861] {strides = array<i32>} : memref<2x240xi32, #tpu.memory_space<vmem>>, vector<1x16xi32>,
      %get3A_863 = vector.shape_cast %get3A_862 : vector<1x16xi32> to vector<16xi32>
      %swap3A_864 = arith.constant 0 : i32
      %swap3A_865 = arith.index_cast %swap3A_864 : i32 to index
      %swap3A_866 = arith.constant 224 : index
      %swap3A_867 = tpu.vector_load %arg13[%swap3A_865, %swap3A_866] {strides = array<i32>} : memref<1x480xi32, #tpu.memory_space<vmem>>, vector<1x16xi32>,
      %swap3A_868 = vector.shape_cast %swap3A_867 : vector<1x16xi32> to vector<16xi32>
      %swap3A_869 = vector.shape_cast %get3A_863 : vector<16xi32> to vector<1x16xi32>
      tpu.vector_store %arg13[%swap3A_865, %swap3A_866], %swap3A_869 {strides = array<i32>} : memref<1x480xi32, #tpu.memory_space<vmem>>, vector<1x16xi32>,
      %get3A_870 = arith.constant 1 : i32
      %get3A_871 = arith.index_cast %get3A_870 : i32 to index
      %get3A_872 = arith.constant 224 : index
      %get3A_873 = tpu.vector_load %arg12[%get3A_871, %get3A_872] {strides = array<i32>} : memref<2x240xi32, #tpu.memory_space<vmem>>, vector<1x16xi32>,
      %get3A_874 = vector.shape_cast %get3A_873 : vector<1x16xi32> to vector<16xi32>
      %add3A_875 = arith.constant 10008 : i32
      %add3A_876 = vector.broadcast %add3A_875 : i32 to vector<16xi32>
      %add3A_877 = arith.addi %get3A_874, %add3A_876 : vector<16xi32>
      %swap3A_878 = arith.constant 0 : i32
      %swap3A_879 = arith.index_cast %swap3A_878 : i32 to index
      %swap3A_880 = arith.constant 464 : index
      %swap3A_881 = tpu.vector_load %arg13[%swap3A_879, %swap3A_880] {strides = array<i32>} : memref<1x480xi32, #tpu.memory_space<vmem>>, vector<1x16xi32>,
      %swap3A_882 = vector.shape_cast %swap3A_881 : vector<1x16xi32> to vector<16xi32>
      %swap3A_883 = vector.shape_cast %add3A_877 : vector<16xi32> to vector<1x16xi32>
      tpu.vector_store %arg13[%swap3A_879, %swap3A_880], %swap3A_883 {strides = array<i32>} : memref<1x480xi32, #tpu.memory_space<vmem>>, vector<1x16xi32>,
      %dma_start3A_884 = arith.constant 0 : i32
      %dma_start3A_885 = arith.constant 0 : i32
      %dma_start3A_886 = tpu.memref_slice %arg13[%dma_start3A_884, %dma_start3A_885] : memref<1x480xi32, #tpu.memory_space<vmem>> -> memref<1x480xi32, #tpu.memory_space<vmem>>
      %dma_start3A_887 = tpu.memref_squeeze %dma_start3A_886 : memref<1x480xi32, #tpu.memory_space<vmem>> -> memref<480xi32, #tpu.memory_space<vmem>>
      %dma_start3A_888 = arith.constant 0 : i32
      %dma_start3A_889 = arith.constant 0 : i32
      %dma_start3A_890 = tpu.memref_slice %arg3[%dma_start3A_888, %dma_start3A_889] : memref<20016x16xf32, #tpu.memory_space<hbm>> -> memref<20016x16xf32, #tpu.memory_space<hbm>>
      tpu.enqueue_indirect_dma source(%dma_start3A_890 : memref<20016x16xf32, #tpu.memory_space<hbm>>) target(%arg14 : memref<480x16xf32, #tpu.memory_space<vmem>>) offsets(%dma_start3A_887 : memref<480xi32, #tpu.memory_space<vmem>>) semaphore(%arg16 : memref<!tpu.dma_semaphore, #tpu.memory_space<semaphore_mem>>)
      %dma_start3A_891 = arith.constant 0 : i32
      %dma_start3A_892 = arith.constant 0 : i32
      %dma_start3A_893 = tpu.memref_slice %arg12[%dma_start3A_891, %dma_start3A_892] : memref<2x240xi32, #tpu.memory_space<vmem>> -> memref<1x240xi32, #tpu.memory_space<vmem>>
      %dma_start3A_894 = tpu.memref_squeeze %dma_start3A_893 : memref<1x240xi32, #tpu.memory_space<vmem>> -> memref<240xi32, #tpu.memory_space<vmem>>
      %dma_start3A_895 = arith.constant 0 : i32
      %dma_start3A_896 = arith.constant 0 : i32
      %dma_start3A_897 = tpu.memref_slice %arg2[%dma_start3A_895, %dma_start3A_896] : memref<10000x128xf32, #tpu.memory_space<hbm>> -> memref<10000x128xf32, #tpu.memory_space<hbm>>
      tpu.enqueue_indirect_dma source(%dma_start3A_897 : memref<10000x128xf32, #tpu.memory_space<hbm>>) target(%arg15 : memref<240x128xf32, #tpu.memory_space<vmem>>) offsets(%dma_start3A_894 : memref<240xi32, #tpu.memory_space<vmem>>) semaphore(%arg16 : memref<!tpu.dma_semaphore, #tpu.memory_space<semaphore_mem>>)
      %dma_wait3A_898 = arith.constant 0 : i32
      %dma_wait3A_899 = arith.constant 0 : i32
      %dma_wait3A_900 = tpu.memref_slice %arg13[%dma_wait3A_898, %dma_wait3A_899] : memref<1x480xi32, #tpu.memory_space<vmem>> -> memref<1x480xi32, #tpu.memory_space<vmem>>
      %dma_wait3A_901 = tpu.memref_squeeze %dma_wait3A_900 : memref<1x480xi32, #tpu.memory_space<vmem>> -> memref<480xi32, #tpu.memory_space<vmem>>
      %dma_wait3A_902 = arith.constant 0 : i32
      %dma_wait3A_903 = arith.constant 0 : i32
      %dma_wait3A_904 = tpu.memref_slice %arg3[%dma_wait3A_902, %dma_wait3A_903] : memref<20016x16xf32, #tpu.memory_space<hbm>> -> memref<20016x16xf32, #tpu.memory_space<hbm>>
      tpu.wait_indirect_dma semaphore(%arg16 : memref<!tpu.dma_semaphore, #tpu.memory_space<semaphore_mem>>) src(%dma_wait3A_904 : memref<20016x16xf32, #tpu.memory_space<hbm>>) dst(%arg14 : memref<480x16xf32, #tpu.memory_space<vmem>>)
      %scan3A_905 = arith.constant 0 : i32
      %scan3A_906 = arith.constant 240 : i32
      %scan3A_907 = arith.addi %scan3A_905, %scan3A_906 : i32
      %scan3A_908 = arith.constant 4 : i32
      scf.for %scan3A_963 = %scan3A_905 to %scan3A_907 step %scan3A_908  : i32 {
        %get3A_964 = arith.index_cast %scan3A_963 : i32 to index
        %get3A_965 = arith.constant 0 : index
        %get3A_966 = tpu.vector_load %arg14[%get3A_964, %get3A_965] {strides = array<i32>} : memref<480x16xf32, #tpu.memory_space<vmem>>, vector<1x16xf32>,
        %get3A_967 = vector.shape_cast %get3A_966 : vector<1x16xf32> to vector<16xf32>
        %add3A_968 = arith.constant 240 : i32
        %add3A_969 = arith.addi %add3A_968, %scan3A_963 : i32
        %get3A_970 = arith.index_cast %add3A_969 : i32 to index
        %get3A_971 = arith.constant 0 : index
        %get3A_972 = tpu.vector_load %arg14[%get3A_970, %get3A_971] {strides = array<i32>} : memref<480x16xf32, #tpu.memory_space<vmem>>, vector<1x16xf32>,
        %get3A_973 = vector.shape_cast %get3A_972 : vector<1x16xf32> to vector<16xf32>
        %add3A_974 = arith.addf %get3A_967, %get3A_973 : vector<16xf32>
        %ge3A = arith.constant 0.000000e+00 : f32
        %ge3A_975 = vector.broadcast %ge3A : f32 to vector<16xf32>
        %ge3A_976 = arith.cmpf oge, %add3A_974, %ge3A_975 : vector<16xf32>
        %mul3A_977 = arith.constant 2.000000e-01 : f32
        %mul3A_978 = vector.broadcast %mul3A_977 : f32 to vector<16xf32>
        %mul3A_979 = arith.mulf %mul3A_978, %add3A_974 : vector<16xf32>
        %select_n3A = arith.select %ge3A_976, %add3A_974, %mul3A_979 : vector<16xi1>, vector<16xf32>
        %exp3A = math.exp %select_n3A : vector<16xf32>
        %swap3A_980 = arith.index_cast %scan3A_963 : i32 to index
        %swap3A_981 = arith.constant 0 : index
        %swap3A_982 = tpu.vector_load %arg14[%swap3A_980, %swap3A_981] {strides = array<i32>} : memref<480x16xf32, #tpu.memory_space<vmem>>, vector<1x16xf32>,
        %swap3A_983 = vector.shape_cast %swap3A_982 : vector<1x16xf32> to vector<16xf32>
        %swap3A_984 = vector.shape_cast %exp3A : vector<16xf32> to vector<1x16xf32>
        tpu.vector_store %arg14[%swap3A_980, %swap3A_981], %swap3A_984 {strides = array<i32>} : memref<480x16xf32, #tpu.memory_space<vmem>>, vector<1x16xf32>,
        %scan3A_985 = arith.constant 1 : i32
        %scan3A_986 = arith.addi %scan3A_963, %scan3A_985 : i32
        %get3A_987 = arith.index_cast %scan3A_986 : i32 to index
        %get3A_988 = arith.constant 0 : index
        %get3A_989 = tpu.vector_load %arg14[%get3A_987, %get3A_988] {strides = array<i32>} : memref<480x16xf32, #tpu.memory_space<vmem>>, vector<1x16xf32>,
        %get3A_990 = vector.shape_cast %get3A_989 : vector<1x16xf32> to vector<16xf32>
        %add3A_991 = arith.constant 240 : i32
        %add3A_992 = arith.addi %add3A_991, %scan3A_986 : i32
        %get3A_993 = arith.index_cast %add3A_992 : i32 to index
        %get3A_994 = arith.constant 0 : index
        %get3A_995 = tpu.vector_load %arg14[%get3A_993, %get3A_994] {strides = array<i32>} : memref<480x16xf32, #tpu.memory_space<vmem>>, vector<1x16xf32>,
        %get3A_996 = vector.shape_cast %get3A_995 : vector<1x16xf32> to vector<16xf32>
        %add3A_997 = arith.addf %get3A_990, %get3A_996 : vector<16xf32>
        %ge3A_998 = arith.constant 0.000000e+00 : f32
        %ge3A_999 = vector.broadcast %ge3A_998 : f32 to vector<16xf32>
        %ge3A_1000 = arith.cmpf oge, %add3A_997, %ge3A_999 : vector<16xf32>
        %mul3A_1001 = arith.constant 2.000000e-01 : f32
        %mul3A_1002 = vector.broadcast %mul3A_1001 : f32 to vector<16xf32>
        %mul3A_1003 = arith.mulf %mul3A_1002, %add3A_997 : vector<16xf32>
        %select_n3A_1004 = arith.select %ge3A_1000, %add3A_997, %mul3A_1003 : vector<16xi1>, vector<16xf32>
        %exp3A_1005 = math.exp %select_n3A_1004 : vector<16xf32>
        %swap3A_1006 = arith.index_cast %scan3A_986 : i32 to index
        %swap3A_1007 = arith.constant 0 : index
        %swap3A_1008 = tpu.vector_load %arg14[%swap3A_1006, %swap3A_1007] {strides = array<i32>} : memref<480x16xf32, #tpu.memory_space<vmem>>, vector<1x16xf32>,
        %swap3A_1009 = vector.shape_cast %swap3A_1008 : vector<1x16xf32> to vector<16xf32>
        %swap3A_1010 = vector.shape_cast %exp3A_1005 : vector<16xf32> to vector<1x16xf32>
        tpu.vector_store %arg14[%swap3A_1006, %swap3A_1007], %swap3A_1010 {strides = array<i32>} : memref<480x16xf32, #tpu.memory_space<vmem>>, vector<1x16xf32>,
        %scan3A_1011 = arith.constant 2 : i32
        %scan3A_1012 = arith.addi %scan3A_963, %scan3A_1011 : i32
        %get3A_1013 = arith.index_cast %scan3A_1012 : i32 to index
        %get3A_1014 = arith.constant 0 : index
        %get3A_1015 = tpu.vector_load %arg14[%get3A_1013, %get3A_1014] {strides = array<i32>} : memref<480x16xf32, #tpu.memory_space<vmem>>, vector<1x16xf32>,
        %get3A_1016 = vector.shape_cast %get3A_1015 : vector<1x16xf32> to vector<16xf32>
        %add3A_1017 = arith.constant 240 : i32
        %add3A_1018 = arith.addi %add3A_1017, %scan3A_1012 : i32
        %get3A_1019 = arith.index_cast %add3A_1018 : i32 to index
        %get3A_1020 = arith.constant 0 : index
        %get3A_1021 = tpu.vector_load %arg14[%get3A_1019, %get3A_1020] {strides = array<i32>} : memref<480x16xf32, #tpu.memory_space<vmem>>, vector<1x16xf32>,
        %get3A_1022 = vector.shape_cast %get3A_1021 : vector<1x16xf32> to vector<16xf32>
        %add3A_1023 = arith.addf %get3A_1016, %get3A_1022 : vector<16xf32>
        %ge3A_1024 = arith.constant 0.000000e+00 : f32
        %ge3A_1025 = vector.broadcast %ge3A_1024 : f32 to vector<16xf32>
        %ge3A_1026 = arith.cmpf oge, %add3A_1023, %ge3A_1025 : vector<16xf32>
        %mul3A_1027 = arith.constant 2.000000e-01 : f32
        %mul3A_1028 = vector.broadcast %mul3A_1027 : f32 to vector<16xf32>
        %mul3A_1029 = arith.mulf %mul3A_1028, %add3A_1023 : vector<16xf32>
        %select_n3A_1030 = arith.select %ge3A_1026, %add3A_1023, %mul3A_1029 : vector<16xi1>, vector<16xf32>
        %exp3A_1031 = math.exp %select_n3A_1030 : vector<16xf32>
        %swap3A_1032 = arith.index_cast %scan3A_1012 : i32 to index
        %swap3A_1033 = arith.constant 0 : index
        %swap3A_1034 = tpu.vector_load %arg14[%swap3A_1032, %swap3A_1033] {strides = array<i32>} : memref<480x16xf32, #tpu.memory_space<vmem>>, vector<1x16xf32>,
        %swap3A_1035 = vector.shape_cast %swap3A_1034 : vector<1x16xf32> to vector<16xf32>
        %swap3A_1036 = vector.shape_cast %exp3A_1031 : vector<16xf32> to vector<1x16xf32>
        tpu.vector_store %arg14[%swap3A_1032, %swap3A_1033], %swap3A_1036 {strides = array<i32>} : memref<480x16xf32, #tpu.memory_space<vmem>>, vector<1x16xf32>,
        %scan3A_1037 = arith.constant 3 : i32
        %scan3A_1038 = arith.addi %scan3A_963, %scan3A_1037 : i32
        %get3A_1039 = arith.index_cast %scan3A_1038 : i32 to index
        %get3A_1040 = arith.constant 0 : index
        %get3A_1041 = tpu.vector_load %arg14[%get3A_1039, %get3A_1040] {strides = array<i32>} : memref<480x16xf32, #tpu.memory_space<vmem>>, vector<1x16xf32>,
        %get3A_1042 = vector.shape_cast %get3A_1041 : vector<1x16xf32> to vector<16xf32>
        %add3A_1043 = arith.constant 240 : i32
        %add3A_1044 = arith.addi %add3A_1043, %scan3A_1038 : i32
        %get3A_1045 = arith.index_cast %add3A_1044 : i32 to index
        %get3A_1046 = arith.constant 0 : index
        %get3A_1047 = tpu.vector_load %arg14[%get3A_1045, %get3A_1046] {strides = array<i32>} : memref<480x16xf32, #tpu.memory_space<vmem>>, vector<1x16xf32>,
        %get3A_1048 = vector.shape_cast %get3A_1047 : vector<1x16xf32> to vector<16xf32>
        %add3A_1049 = arith.addf %get3A_1042, %get3A_1048 : vector<16xf32>
        %ge3A_1050 = arith.constant 0.000000e+00 : f32
        %ge3A_1051 = vector.broadcast %ge3A_1050 : f32 to vector<16xf32>
        %ge3A_1052 = arith.cmpf oge, %add3A_1049, %ge3A_1051 : vector<16xf32>
        %mul3A_1053 = arith.constant 2.000000e-01 : f32
        %mul3A_1054 = vector.broadcast %mul3A_1053 : f32 to vector<16xf32>
        %mul3A_1055 = arith.mulf %mul3A_1054, %add3A_1049 : vector<16xf32>
        %select_n3A_1056 = arith.select %ge3A_1052, %add3A_1049, %mul3A_1055 : vector<16xi1>, vector<16xf32>
        %exp3A_1057 = math.exp %select_n3A_1056 : vector<16xf32>
        %swap3A_1058 = arith.index_cast %scan3A_1038 : i32 to index
        %swap3A_1059 = arith.constant 0 : index
        %swap3A_1060 = tpu.vector_load %arg14[%swap3A_1058, %swap3A_1059] {strides = array<i32>} : memref<480x16xf32, #tpu.memory_space<vmem>>, vector<1x16xf32>,
        %swap3A_1061 = vector.shape_cast %swap3A_1060 : vector<1x16xf32> to vector<16xf32>
        %swap3A_1062 = vector.shape_cast %exp3A_1057 : vector<16xf32> to vector<1x16xf32>
        tpu.vector_store %arg14[%swap3A_1058, %swap3A_1059], %swap3A_1062 {strides = array<i32>} : memref<480x16xf32, #tpu.memory_space<vmem>>, vector<1x16xf32>,
      }
      %scan3A_909 = arith.constant 240 : i32
      %dma_wait3A_910 = arith.constant 0 : i32
      %dma_wait3A_911 = arith.constant 0 : i32
      %dma_wait3A_912 = tpu.memref_slice %arg12[%dma_wait3A_910, %dma_wait3A_911] : memref<2x240xi32, #tpu.memory_space<vmem>> -> memref<1x240xi32, #tpu.memory_space<vmem>>
      %dma_wait3A_913 = tpu.memref_squeeze %dma_wait3A_912 : memref<1x240xi32, #tpu.memory_space<vmem>> -> memref<240xi32, #tpu.memory_space<vmem>>
      %dma_wait3A_914 = arith.constant 0 : i32
      %dma_wait3A_915 = arith.constant 0 : i32
      %dma_wait3A_916 = tpu.memref_slice %arg2[%dma_wait3A_914, %dma_wait3A_915] : memref<10000x128xf32, #tpu.memory_space<hbm>> -> memref<10000x128xf32, #tpu.memory_space<hbm>>
      tpu.wait_indirect_dma semaphore(%arg16 : memref<!tpu.dma_semaphore, #tpu.memory_space<semaphore_mem>>) src(%dma_wait3A_916 : memref<10000x128xf32, #tpu.memory_space<hbm>>) dst(%arg15 : memref<240x128xf32, #tpu.memory_space<vmem>>)
      %scan3A_917 = arith.constant 0 : i32
      %scan3A_918 = arith.constant 240 : i32
      %scan3A_919 = arith.addi %scan3A_917, %scan3A_918 : i32
      %scan3A_920 = arith.constant 2 : i32
      scf.for %scan3A_963 = %scan3A_917 to %scan3A_919 step %scan3A_920  : i32 {
        %get3A_964 = arith.index_cast %scan3A_963 : i32 to index
        %get3A_965 = arith.constant 0 : index
        %get3A_966 = tpu.vector_load %arg14[%get3A_964, %get3A_965] {strides = array<i32>} : memref<480x16xf32, #tpu.memory_space<vmem>>, vector<1x16xf32>,
        %get3A_967 = vector.shape_cast %get3A_966 : vector<1x16xf32> to vector<16xf32>
        %get3A_968 = arith.index_cast %scan3A_963 : i32 to index
        %get3A_969 = arith.constant 0 : index
        %get3A_970 = tpu.vector_load %arg15[%get3A_968, %get3A_969] {strides = array<i32>} : memref<240x128xf32, #tpu.memory_space<vmem>>, vector<1x16xf32>,
        %get3A_971 = vector.shape_cast %get3A_970 : vector<1x16xf32> to vector<16xf32>
        %slice3A = vector.extract_strided_slice %get3A_967 {offsets = [0], sizes = [1], strides = [1]} : vector<16xf32> to vector<1xf32>
        %squeeze3A = vector.extract %slice3A[0] : f32 from vector<1xf32>
        %mul3A_972 = vector.broadcast %squeeze3A : f32 to vector<16xf32>
        %mul3A_973 = arith.mulf %get3A_971, %mul3A_972 : vector<16xf32>
        %swap3A_974 = arith.index_cast %scan3A_963 : i32 to index
        %swap3A_975 = arith.constant 0 : index
        %swap3A_976 = tpu.vector_load %arg15[%swap3A_974, %swap3A_975] {strides = array<i32>} : memref<240x128xf32, #tpu.memory_space<vmem>>, vector<1x16xf32>,
        %swap3A_977 = vector.shape_cast %swap3A_976 : vector<1x16xf32> to vector<16xf32>
        %swap3A_978 = vector.shape_cast %mul3A_973 : vector<16xf32> to vector<1x16xf32>
        tpu.vector_store %arg15[%swap3A_974, %swap3A_975], %swap3A_978 {strides = array<i32>} : memref<240x128xf32, #tpu.memory_space<vmem>>, vector<1x16xf32>,
        %get3A_979 = arith.index_cast %scan3A_963 : i32 to index
        %get3A_980 = arith.constant 16 : index
        %get3A_981 = tpu.vector_load %arg15[%get3A_979, %get3A_980] {strides = array<i32>} : memref<240x128xf32, #tpu.memory_space<vmem>>, vector<1x16xf32>,
        %get3A_982 = vector.shape_cast %get3A_981 : vector<1x16xf32> to vector<16xf32>
        %slice3A_983 = vector.extract_strided_slice %get3A_967 {offsets = [1], sizes = [1], strides = [1]} : vector<16xf32> to vector<1xf32>
        %squeeze3A_984 = vector.extract %slice3A_983[0] : f32 from vector<1xf32>
        %mul3A_985 = vector.broadcast %squeeze3A_984 : f32 to vector<16xf32>
        %mul3A_986 = arith.mulf %get3A_982, %mul3A_985 : vector<16xf32>
        %swap3A_987 = arith.index_cast %scan3A_963 : i32 to index
        %swap3A_988 = arith.constant 16 : index
        %swap3A_989 = tpu.vector_load %arg15[%swap3A_987, %swap3A_988] {strides = array<i32>} : memref<240x128xf32, #tpu.memory_space<vmem>>, vector<1x16xf32>,
        %swap3A_990 = vector.shape_cast %swap3A_989 : vector<1x16xf32> to vector<16xf32>
        %swap3A_991 = vector.shape_cast %mul3A_986 : vector<16xf32> to vector<1x16xf32>
        tpu.vector_store %arg15[%swap3A_987, %swap3A_988], %swap3A_991 {strides = array<i32>} : memref<240x128xf32, #tpu.memory_space<vmem>>, vector<1x16xf32>,
        %get3A_992 = arith.index_cast %scan3A_963 : i32 to index
        %get3A_993 = arith.constant 32 : index
        %get3A_994 = tpu.vector_load %arg15[%get3A_992, %get3A_993] {strides = array<i32>} : memref<240x128xf32, #tpu.memory_space<vmem>>, vector<1x16xf32>,
        %get3A_995 = vector.shape_cast %get3A_994 : vector<1x16xf32> to vector<16xf32>
        %slice3A_996 = vector.extract_strided_slice %get3A_967 {offsets = [2], sizes = [1], strides = [1]} : vector<16xf32> to vector<1xf32>
        %squeeze3A_997 = vector.extract %slice3A_996[0] : f32 from vector<1xf32>
        %mul3A_998 = vector.broadcast %squeeze3A_997 : f32 to vector<16xf32>
        %mul3A_999 = arith.mulf %get3A_995, %mul3A_998 : vector<16xf32>
        %swap3A_1000 = arith.index_cast %scan3A_963 : i32 to index
        %swap3A_1001 = arith.constant 32 : index
        %swap3A_1002 = tpu.vector_load %arg15[%swap3A_1000, %swap3A_1001] {strides = array<i32>} : memref<240x128xf32, #tpu.memory_space<vmem>>, vector<1x16xf32>,
        %swap3A_1003 = vector.shape_cast %swap3A_1002 : vector<1x16xf32> to vector<16xf32>
        %swap3A_1004 = vector.shape_cast %mul3A_999 : vector<16xf32> to vector<1x16xf32>
        tpu.vector_store %arg15[%swap3A_1000, %swap3A_1001], %swap3A_1004 {strides = array<i32>} : memref<240x128xf32, #tpu.memory_space<vmem>>, vector<1x16xf32>,
        %get3A_1005 = arith.index_cast %scan3A_963 : i32 to index
        %get3A_1006 = arith.constant 48 : index
        %get3A_1007 = tpu.vector_load %arg15[%get3A_1005, %get3A_1006] {strides = array<i32>} : memref<240x128xf32, #tpu.memory_space<vmem>>, vector<1x16xf32>,
        %get3A_1008 = vector.shape_cast %get3A_1007 : vector<1x16xf32> to vector<16xf32>
        %slice3A_1009 = vector.extract_strided_slice %get3A_967 {offsets = [3], sizes = [1], strides = [1]} : vector<16xf32> to vector<1xf32>
        %squeeze3A_1010 = vector.extract %slice3A_1009[0] : f32 from vector<1xf32>
        %mul3A_1011 = vector.broadcast %squeeze3A_1010 : f32 to vector<16xf32>
        %mul3A_1012 = arith.mulf %get3A_1008, %mul3A_1011 : vector<16xf32>
        %swap3A_1013 = arith.index_cast %scan3A_963 : i32 to index
        %swap3A_1014 = arith.constant 48 : index
        %swap3A_1015 = tpu.vector_load %arg15[%swap3A_1013, %swap3A_1014] {strides = array<i32>} : memref<240x128xf32, #tpu.memory_space<vmem>>, vector<1x16xf32>,
        %swap3A_1016 = vector.shape_cast %swap3A_1015 : vector<1x16xf32> to vector<16xf32>
        %swap3A_1017 = vector.shape_cast %mul3A_1012 : vector<16xf32> to vector<1x16xf32>
        tpu.vector_store %arg15[%swap3A_1013, %swap3A_1014], %swap3A_1017 {strides = array<i32>} : memref<240x128xf32, #tpu.memory_space<vmem>>, vector<1x16xf32>,
        %get3A_1018 = arith.index_cast %scan3A_963 : i32 to index
        %get3A_1019 = arith.constant 64 : index
        %get3A_1020 = tpu.vector_load %arg15[%get3A_1018, %get3A_1019] {strides = array<i32>} : memref<240x128xf32, #tpu.memory_space<vmem>>, vector<1x16xf32>,
        %get3A_1021 = vector.shape_cast %get3A_1020 : vector<1x16xf32> to vector<16xf32>
        %slice3A_1022 = vector.extract_strided_slice %get3A_967 {offsets = [4], sizes = [1], strides = [1]} : vector<16xf32> to vector<1xf32>
        %squeeze3A_1023 = vector.extract %slice3A_1022[0] : f32 from vector<1xf32>
        %mul3A_1024 = vector.broadcast %squeeze3A_1023 : f32 to vector<16xf32>
        %mul3A_1025 = arith.mulf %get3A_1021, %mul3A_1024 : vector<16xf32>
        %swap3A_1026 = arith.index_cast %scan3A_963 : i32 to index
        %swap3A_1027 = arith.constant 64 : index
        %swap3A_1028 = tpu.vector_load %arg15[%swap3A_1026, %swap3A_1027] {strides = array<i32>} : memref<240x128xf32, #tpu.memory_space<vmem>>, vector<1x16xf32>,
        %swap3A_1029 = vector.shape_cast %swap3A_1028 : vector<1x16xf32> to vector<16xf32>
        %swap3A_1030 = vector.shape_cast %mul3A_1025 : vector<16xf32> to vector<1x16xf32>
        tpu.vector_store %arg15[%swap3A_1026, %swap3A_1027], %swap3A_1030 {strides = array<i32>} : memref<240x128xf32, #tpu.memory_space<vmem>>, vector<1x16xf32>,
        %get3A_1031 = arith.index_cast %scan3A_963 : i32 to index
        %get3A_1032 = arith.constant 80 : index
        %get3A_1033 = tpu.vector_load %arg15[%get3A_1031, %get3A_1032] {strides = array<i32>} : memref<240x128xf32, #tpu.memory_space<vmem>>, vector<1x16xf32>,
        %get3A_1034 = vector.shape_cast %get3A_1033 : vector<1x16xf32> to vector<16xf32>
        %slice3A_1035 = vector.extract_strided_slice %get3A_967 {offsets = [5], sizes = [1], strides = [1]} : vector<16xf32> to vector<1xf32>
        %squeeze3A_1036 = vector.extract %slice3A_1035[0] : f32 from vector<1xf32>
        %mul3A_1037 = vector.broadcast %squeeze3A_1036 : f32 to vector<16xf32>
        %mul3A_1038 = arith.mulf %get3A_1034, %mul3A_1037 : vector<16xf32>
        %swap3A_1039 = arith.index_cast %scan3A_963 : i32 to index
        %swap3A_1040 = arith.constant 80 : index
        %swap3A_1041 = tpu.vector_load %arg15[%swap3A_1039, %swap3A_1040] {strides = array<i32>} : memref<240x128xf32, #tpu.memory_space<vmem>>, vector<1x16xf32>,
        %swap3A_1042 = vector.shape_cast %swap3A_1041 : vector<1x16xf32> to vector<16xf32>
        %swap3A_1043 = vector.shape_cast %mul3A_1038 : vector<16xf32> to vector<1x16xf32>
        tpu.vector_store %arg15[%swap3A_1039, %swap3A_1040], %swap3A_1043 {strides = array<i32>} : memref<240x128xf32, #tpu.memory_space<vmem>>, vector<1x16xf32>,
        %get3A_1044 = arith.index_cast %scan3A_963 : i32 to index
        %get3A_1045 = arith.constant 96 : index
        %get3A_1046 = tpu.vector_load %arg15[%get3A_1044, %get3A_1045] {strides = array<i32>} : memref<240x128xf32, #tpu.memory_space<vmem>>, vector<1x16xf32>,
        %get3A_1047 = vector.shape_cast %get3A_1046 : vector<1x16xf32> to vector<16xf32>
        %slice3A_1048 = vector.extract_strided_slice %get3A_967 {offsets = [6], sizes = [1], strides = [1]} : vector<16xf32> to vector<1xf32>
        %squeeze3A_1049 = vector.extract %slice3A_1048[0] : f32 from vector<1xf32>
        %mul3A_1050 = vector.broadcast %squeeze3A_1049 : f32 to vector<16xf32>
        %mul3A_1051 = arith.mulf %get3A_1047, %mul3A_1050 : vector<16xf32>
        %swap3A_1052 = arith.index_cast %scan3A_963 : i32 to index
        %swap3A_1053 = arith.constant 96 : index
        %swap3A_1054 = tpu.vector_load %arg15[%swap3A_1052, %swap3A_1053] {strides = array<i32>} : memref<240x128xf32, #tpu.memory_space<vmem>>, vector<1x16xf32>,
        %swap3A_1055 = vector.shape_cast %swap3A_1054 : vector<1x16xf32> to vector<16xf32>
        %swap3A_1056 = vector.shape_cast %mul3A_1051 : vector<16xf32> to vector<1x16xf32>
        tpu.vector_store %arg15[%swap3A_1052, %swap3A_1053], %swap3A_1056 {strides = array<i32>} : memref<240x128xf32, #tpu.memory_space<vmem>>, vector<1x16xf32>,
        %get3A_1057 = arith.index_cast %scan3A_963 : i32 to index
        %get3A_1058 = arith.constant 112 : index
        %get3A_1059 = tpu.vector_load %arg15[%get3A_1057, %get3A_1058] {strides = array<i32>} : memref<240x128xf32, #tpu.memory_space<vmem>>, vector<1x16xf32>,
        %get3A_1060 = vector.shape_cast %get3A_1059 : vector<1x16xf32> to vector<16xf32>
        %slice3A_1061 = vector.extract_strided_slice %get3A_967 {offsets = [7], sizes = [1], strides = [1]} : vector<16xf32> to vector<1xf32>
        %squeeze3A_1062 = vector.extract %slice3A_1061[0] : f32 from vector<1xf32>
        %mul3A_1063 = vector.broadcast %squeeze3A_1062 : f32 to vector<16xf32>
        %mul3A_1064 = arith.mulf %get3A_1060, %mul3A_1063 : vector<16xf32>
        %swap3A_1065 = arith.index_cast %scan3A_963 : i32 to index
        %swap3A_1066 = arith.constant 112 : index
        %swap3A_1067 = tpu.vector_load %arg15[%swap3A_1065, %swap3A_1066] {strides = array<i32>} : memref<240x128xf32, #tpu.memory_space<vmem>>, vector<1x16xf32>,
        %swap3A_1068 = vector.shape_cast %swap3A_1067 : vector<1x16xf32> to vector<16xf32>
        %swap3A_1069 = vector.shape_cast %mul3A_1064 : vector<16xf32> to vector<1x16xf32>
        tpu.vector_store %arg15[%swap3A_1065, %swap3A_1066], %swap3A_1069 {strides = array<i32>} : memref<240x128xf32, #tpu.memory_space<vmem>>, vector<1x16xf32>,
        %scan3A_1070 = arith.constant 1 : i32
        %scan3A_1071 = arith.addi %scan3A_963, %scan3A_1070 : i32
        %get3A_1072 = arith.index_cast %scan3A_1071 : i32 to index
        %get3A_1073 = arith.constant 0 : index
        %get3A_1074 = tpu.vector_load %arg14[%get3A_1072, %get3A_1073] {strides = array<i32>} : memref<480x16xf32, #tpu.memory_space<vmem>>, vector<1x16xf32>,
        %get3A_1075 = vector.shape_cast %get3A_1074 : vector<1x16xf32> to vector<16xf32>
        %get3A_1076 = arith.index_cast %scan3A_1071 : i32 to index
        %get3A_1077 = arith.constant 0 : index
        %get3A_1078 = tpu.vector_load %arg15[%get3A_1076, %get3A_1077] {strides = array<i32>} : memref<240x128xf32, #tpu.memory_space<vmem>>, vector<1x16xf32>,
        %get3A_1079 = vector.shape_cast %get3A_1078 : vector<1x16xf32> to vector<16xf32>
        %slice3A_1080 = vector.extract_strided_slice %get3A_1075 {offsets = [0], sizes = [1], strides = [1]} : vector<16xf32> to vector<1xf32>
        %squeeze3A_1081 = vector.extract %slice3A_1080[0] : f32 from vector<1xf32>
        %mul3A_1082 = vector.broadcast %squeeze3A_1081 : f32 to vector<16xf32>
        %mul3A_1083 = arith.mulf %get3A_1079, %mul3A_1082 : vector<16xf32>
        %swap3A_1084 = arith.index_cast %scan3A_1071 : i32 to index
        %swap3A_1085 = arith.constant 0 : index
        %swap3A_1086 = tpu.vector_load %arg15[%swap3A_1084, %swap3A_1085] {strides = array<i32>} : memref<240x128xf32, #tpu.memory_space<vmem>>, vector<1x16xf32>,
        %swap3A_1087 = vector.shape_cast %swap3A_1086 : vector<1x16xf32> to vector<16xf32>
        %swap3A_1088 = vector.shape_cast %mul3A_1083 : vector<16xf32> to vector<1x16xf32>
        tpu.vector_store %arg15[%swap3A_1084, %swap3A_1085], %swap3A_1088 {strides = array<i32>} : memref<240x128xf32, #tpu.memory_space<vmem>>, vector<1x16xf32>,
        %get3A_1089 = arith.index_cast %scan3A_1071 : i32 to index
        %get3A_1090 = arith.constant 16 : index
        %get3A_1091 = tpu.vector_load %arg15[%get3A_1089, %get3A_1090] {strides = array<i32>} : memref<240x128xf32, #tpu.memory_space<vmem>>, vector<1x16xf32>,
        %get3A_1092 = vector.shape_cast %get3A_1091 : vector<1x16xf32> to vector<16xf32>
        %slice3A_1093 = vector.extract_strided_slice %get3A_1075 {offsets = [1], sizes = [1], strides = [1]} : vector<16xf32> to vector<1xf32>
        %squeeze3A_1094 = vector.extract %slice3A_1093[0] : f32 from vector<1xf32>
        %mul3A_1095 = vector.broadcast %squeeze3A_1094 : f32 to vector<16xf32>
        %mul3A_1096 = arith.mulf %get3A_1092, %mul3A_1095 : vector<16xf32>
        %swap3A_1097 = arith.index_cast %scan3A_1071 : i32 to index
        %swap3A_1098 = arith.constant 16 : index
        %swap3A_1099 = tpu.vector_load %arg15[%swap3A_1097, %swap3A_1098] {strides = array<i32>} : memref<240x128xf32, #tpu.memory_space<vmem>>, vector<1x16xf32>,
        %swap3A_1100 = vector.shape_cast %swap3A_1099 : vector<1x16xf32> to vector<16xf32>
        %swap3A_1101 = vector.shape_cast %mul3A_1096 : vector<16xf32> to vector<1x16xf32>
        tpu.vector_store %arg15[%swap3A_1097, %swap3A_1098], %swap3A_1101 {strides = array<i32>} : memref<240x128xf32, #tpu.memory_space<vmem>>, vector<1x16xf32>,
        %get3A_1102 = arith.index_cast %scan3A_1071 : i32 to index
        %get3A_1103 = arith.constant 32 : index
        %get3A_1104 = tpu.vector_load %arg15[%get3A_1102, %get3A_1103] {strides = array<i32>} : memref<240x128xf32, #tpu.memory_space<vmem>>, vector<1x16xf32>,
        %get3A_1105 = vector.shape_cast %get3A_1104 : vector<1x16xf32> to vector<16xf32>
        %slice3A_1106 = vector.extract_strided_slice %get3A_1075 {offsets = [2], sizes = [1], strides = [1]} : vector<16xf32> to vector<1xf32>
        %squeeze3A_1107 = vector.extract %slice3A_1106[0] : f32 from vector<1xf32>
        %mul3A_1108 = vector.broadcast %squeeze3A_1107 : f32 to vector<16xf32>
        %mul3A_1109 = arith.mulf %get3A_1105, %mul3A_1108 : vector<16xf32>
        %swap3A_1110 = arith.index_cast %scan3A_1071 : i32 to index
        %swap3A_1111 = arith.constant 32 : index
        %swap3A_1112 = tpu.vector_load %arg15[%swap3A_1110, %swap3A_1111] {strides = array<i32>} : memref<240x128xf32, #tpu.memory_space<vmem>>, vector<1x16xf32>,
        %swap3A_1113 = vector.shape_cast %swap3A_1112 : vector<1x16xf32> to vector<16xf32>
        %swap3A_1114 = vector.shape_cast %mul3A_1109 : vector<16xf32> to vector<1x16xf32>
        tpu.vector_store %arg15[%swap3A_1110, %swap3A_1111], %swap3A_1114 {strides = array<i32>} : memref<240x128xf32, #tpu.memory_space<vmem>>, vector<1x16xf32>,
        %get3A_1115 = arith.index_cast %scan3A_1071 : i32 to index
        %get3A_1116 = arith.constant 48 : index
        %get3A_1117 = tpu.vector_load %arg15[%get3A_1115, %get3A_1116] {strides = array<i32>} : memref<240x128xf32, #tpu.memory_space<vmem>>, vector<1x16xf32>,
        %get3A_1118 = vector.shape_cast %get3A_1117 : vector<1x16xf32> to vector<16xf32>
        %slice3A_1119 = vector.extract_strided_slice %get3A_1075 {offsets = [3], sizes = [1], strides = [1]} : vector<16xf32> to vector<1xf32>
        %squeeze3A_1120 = vector.extract %slice3A_1119[0] : f32 from vector<1xf32>
        %mul3A_1121 = vector.broadcast %squeeze3A_1120 : f32 to vector<16xf32>
        %mul3A_1122 = arith.mulf %get3A_1118, %mul3A_1121 : vector<16xf32>
        %swap3A_1123 = arith.index_cast %scan3A_1071 : i32 to index
        %swap3A_1124 = arith.constant 48 : index
        %swap3A_1125 = tpu.vector_load %arg15[%swap3A_1123, %swap3A_1124] {strides = array<i32>} : memref<240x128xf32, #tpu.memory_space<vmem>>, vector<1x16xf32>,
        %swap3A_1126 = vector.shape_cast %swap3A_1125 : vector<1x16xf32> to vector<16xf32>
        %swap3A_1127 = vector.shape_cast %mul3A_1122 : vector<16xf32> to vector<1x16xf32>
        tpu.vector_store %arg15[%swap3A_1123, %swap3A_1124], %swap3A_1127 {strides = array<i32>} : memref<240x128xf32, #tpu.memory_space<vmem>>, vector<1x16xf32>,
        %get3A_1128 = arith.index_cast %scan3A_1071 : i32 to index
        %get3A_1129 = arith.constant 64 : index
        %get3A_1130 = tpu.vector_load %arg15[%get3A_1128, %get3A_1129] {strides = array<i32>} : memref<240x128xf32, #tpu.memory_space<vmem>>, vector<1x16xf32>,
        %get3A_1131 = vector.shape_cast %get3A_1130 : vector<1x16xf32> to vector<16xf32>
        %slice3A_1132 = vector.extract_strided_slice %get3A_1075 {offsets = [4], sizes = [1], strides = [1]} : vector<16xf32> to vector<1xf32>
        %squeeze3A_1133 = vector.extract %slice3A_1132[0] : f32 from vector<1xf32>
        %mul3A_1134 = vector.broadcast %squeeze3A_1133 : f32 to vector<16xf32>
        %mul3A_1135 = arith.mulf %get3A_1131, %mul3A_1134 : vector<16xf32>
        %swap3A_1136 = arith.index_cast %scan3A_1071 : i32 to index
        %swap3A_1137 = arith.constant 64 : index
        %swap3A_1138 = tpu.vector_load %arg15[%swap3A_1136, %swap3A_1137] {strides = array<i32>} : memref<240x128xf32, #tpu.memory_space<vmem>>, vector<1x16xf32>,
        %swap3A_1139 = vector.shape_cast %swap3A_1138 : vector<1x16xf32> to vector<16xf32>
        %swap3A_1140 = vector.shape_cast %mul3A_1135 : vector<16xf32> to vector<1x16xf32>
        tpu.vector_store %arg15[%swap3A_1136, %swap3A_1137], %swap3A_1140 {strides = array<i32>} : memref<240x128xf32, #tpu.memory_space<vmem>>, vector<1x16xf32>,
        %get3A_1141 = arith.index_cast %scan3A_1071 : i32 to index
        %get3A_1142 = arith.constant 80 : index
        %get3A_1143 = tpu.vector_load %arg15[%get3A_1141, %get3A_1142] {strides = array<i32>} : memref<240x128xf32, #tpu.memory_space<vmem>>, vector<1x16xf32>,
        %get3A_1144 = vector.shape_cast %get3A_1143 : vector<1x16xf32> to vector<16xf32>
        %slice3A_1145 = vector.extract_strided_slice %get3A_1075 {offsets = [5], sizes = [1], strides = [1]} : vector<16xf32> to vector<1xf32>
        %squeeze3A_1146 = vector.extract %slice3A_1145[0] : f32 from vector<1xf32>
        %mul3A_1147 = vector.broadcast %squeeze3A_1146 : f32 to vector<16xf32>
        %mul3A_1148 = arith.mulf %get3A_1144, %mul3A_1147 : vector<16xf32>
        %swap3A_1149 = arith.index_cast %scan3A_1071 : i32 to index
        %swap3A_1150 = arith.constant 80 : index
        %swap3A_1151 = tpu.vector_load %arg15[%swap3A_1149, %swap3A_1150] {strides = array<i32>} : memref<240x128xf32, #tpu.memory_space<vmem>>, vector<1x16xf32>,
        %swap3A_1152 = vector.shape_cast %swap3A_1151 : vector<1x16xf32> to vector<16xf32>
        %swap3A_1153 = vector.shape_cast %mul3A_1148 : vector<16xf32> to vector<1x16xf32>
        tpu.vector_store %arg15[%swap3A_1149, %swap3A_1150], %swap3A_1153 {strides = array<i32>} : memref<240x128xf32, #tpu.memory_space<vmem>>, vector<1x16xf32>,
        %get3A_1154 = arith.index_cast %scan3A_1071 : i32 to index
        %get3A_1155 = arith.constant 96 : index
        %get3A_1156 = tpu.vector_load %arg15[%get3A_1154, %get3A_1155] {strides = array<i32>} : memref<240x128xf32, #tpu.memory_space<vmem>>, vector<1x16xf32>,
        %get3A_1157 = vector.shape_cast %get3A_1156 : vector<1x16xf32> to vector<16xf32>
        %slice3A_1158 = vector.extract_strided_slice %get3A_1075 {offsets = [6], sizes = [1], strides = [1]} : vector<16xf32> to vector<1xf32>
        %squeeze3A_1159 = vector.extract %slice3A_1158[0] : f32 from vector<1xf32>
        %mul3A_1160 = vector.broadcast %squeeze3A_1159 : f32 to vector<16xf32>
        %mul3A_1161 = arith.mulf %get3A_1157, %mul3A_1160 : vector<16xf32>
        %swap3A_1162 = arith.index_cast %scan3A_1071 : i32 to index
        %swap3A_1163 = arith.constant 96 : index
        %swap3A_1164 = tpu.vector_load %arg15[%swap3A_1162, %swap3A_1163] {strides = array<i32>} : memref<240x128xf32, #tpu.memory_space<vmem>>, vector<1x16xf32>,
        %swap3A_1165 = vector.shape_cast %swap3A_1164 : vector<1x16xf32> to vector<16xf32>
        %swap3A_1166 = vector.shape_cast %mul3A_1161 : vector<16xf32> to vector<1x16xf32>
        tpu.vector_store %arg15[%swap3A_1162, %swap3A_1163], %swap3A_1166 {strides = array<i32>} : memref<240x128xf32, #tpu.memory_space<vmem>>, vector<1x16xf32>,
        %get3A_1167 = arith.index_cast %scan3A_1071 : i32 to index
        %get3A_1168 = arith.constant 112 : index
        %get3A_1169 = tpu.vector_load %arg15[%get3A_1167, %get3A_1168] {strides = array<i32>} : memref<240x128xf32, #tpu.memory_space<vmem>>, vector<1x16xf32>,
        %get3A_1170 = vector.shape_cast %get3A_1169 : vector<1x16xf32> to vector<16xf32>
        %slice3A_1171 = vector.extract_strided_slice %get3A_1075 {offsets = [7], sizes = [1], strides = [1]} : vector<16xf32> to vector<1xf32>
        %squeeze3A_1172 = vector.extract %slice3A_1171[0] : f32 from vector<1xf32>
        %mul3A_1173 = vector.broadcast %squeeze3A_1172 : f32 to vector<16xf32>
        %mul3A_1174 = arith.mulf %get3A_1170, %mul3A_1173 : vector<16xf32>
        %swap3A_1175 = arith.index_cast %scan3A_1071 : i32 to index
        %swap3A_1176 = arith.constant 112 : index
        %swap3A_1177 = tpu.vector_load %arg15[%swap3A_1175, %swap3A_1176] {strides = array<i32>} : memref<240x128xf32, #tpu.memory_space<vmem>>, vector<1x16xf32>,
        %swap3A_1178 = vector.shape_cast %swap3A_1177 : vector<1x16xf32> to vector<16xf32>
        %swap3A_1179 = vector.shape_cast %mul3A_1174 : vector<16xf32> to vector<1x16xf32>
        tpu.vector_store %arg15[%swap3A_1175, %swap3A_1176], %swap3A_1179 {strides = array<i32>} : memref<240x128xf32, #tpu.memory_space<vmem>>, vector<1x16xf32>,
      }
      %scan3A_921 = arith.constant 240 : i32
      %dma_start3A_922 = arith.constant 1 : i32
      %dma_start3A_923 = arith.constant 0 : i32
      %dma_start3A_924 = arith.constant 0 : i32
      %dma_start3A_925 = tpu.memref_slice %arg14[%dma_start3A_923, %dma_start3A_924] : memref<480x16xf32, #tpu.memory_space<vmem>> -> memref<240x16xf32, #tpu.memory_space<vmem>>
      %dma_start3A_926 = arith.constant 0 : i32
      %dma_start3A_927 = tpu.memref_slice %arg12[%dma_start3A_922, %dma_start3A_926] : memref<2x240xi32, #tpu.memory_space<vmem>> -> memref<1x240xi32, #tpu.memory_space<vmem>>
      %dma_start3A_928 = tpu.memref_squeeze %dma_start3A_927 : memref<1x240xi32, #tpu.memory_space<vmem>> -> memref<240xi32, #tpu.memory_space<vmem>>
      %dma_start3A_929 = arith.constant 0 : i32
      %dma_start3A_930 = arith.constant 0 : i32
      %dma_start3A_931 = tpu.memref_slice %arg10[%dma_start3A_929, %dma_start3A_930] : memref<10008x16xf32, #tpu.memory_space<vmem_shared>> -> memref<10008x16xf32, #tpu.memory_space<vmem_shared>>
      tpu.enqueue_indirect_dma source(%dma_start3A_925 : memref<240x16xf32, #tpu.memory_space<vmem>>) target(%dma_start3A_931 : memref<10008x16xf32, #tpu.memory_space<vmem_shared>>) offsets(%dma_start3A_928 : memref<240xi32, #tpu.memory_space<vmem>>) semaphore(%arg18 : memref<!tpu.dma_semaphore, #tpu.memory_space<semaphore_mem>>) {add = true}
      %dma_start3A_932 = arith.constant 1 : i32
      %dma_start3A_933 = arith.constant 0 : i32
      %dma_start3A_934 = tpu.memref_slice %arg12[%dma_start3A_932, %dma_start3A_933] : memref<2x240xi32, #tpu.memory_space<vmem>> -> memref<1x240xi32, #tpu.memory_space<vmem>>
      %dma_start3A_935 = tpu.memref_squeeze %dma_start3A_934 : memref<1x240xi32, #tpu.memory_space<vmem>> -> memref<240xi32, #tpu.memory_space<vmem>>
      %dma_start3A_936 = arith.constant 0 : i32
      %dma_start3A_937 = arith.constant 0 : i32
      %dma_start3A_938 = tpu.memref_slice %arg9[%dma_start3A_936, %dma_start3A_937] : memref<10008x128xf32, #tpu.memory_space<vmem_shared>> -> memref<10008x128xf32, #tpu.memory_space<vmem_shared>>
      tpu.enqueue_indirect_dma source(%arg15 : memref<240x128xf32, #tpu.memory_space<vmem>>) target(%dma_start3A_938 : memref<10008x128xf32, #tpu.memory_space<vmem_shared>>) offsets(%dma_start3A_935 : memref<240xi32, #tpu.memory_space<vmem>>) semaphore(%arg18 : memref<!tpu.dma_semaphore, #tpu.memory_space<semaphore_mem>>) {add = true}
      %add3A_939 = arith.constant 1 : i32
      %add3A_940 = arith.addi %add3A_499, %add3A_939 : i32
      %lt3A_941 = arith.constant 42 : i32
      %lt3A_942 = arith.cmpi slt, %add3A_940, %lt3A_941 : i32
      %convert_element_type3A_943 = arith.extui %lt3A_942 : i1 to i32
      %cond3A_944 = arith.constant 0 : i32
      %cond3A_945 = arith.cmpi ne, %convert_element_type3A_943, %cond3A_944 : i32
      scf.if %cond3A_945 {
        %add3A_963 = arith.constant 1 : i32
        %add3A_964 = arith.addi %add3A_499, %add3A_963 : i32
        %mul3A_965 = arith.constant 32 : i32
        %mul3A_966 = arith.muli %mul3A_965, %add3A_964 : i32
        %add3A_967 = arith.addi %add3A, %mul3A_966 : i32
        %dma_start3A_968 = arith.constant 0 : i32
        %dma_start3A_969 = arith.constant 0 : i32
        %dma_start3A_970 = tpu.memref_slice %arg4[%add3A_967, %dma_start3A_968, %dma_start3A_969] : memref<1344x2x240xi32, #tpu.memory_space<hbm>> -> memref<1x2x240xi32, #tpu.memory_space<hbm>>
        %dma_start3A_971 = tpu.memref_squeeze %dma_start3A_970 : memref<1x2x240xi32, #tpu.memory_space<hbm>> -> memref<2x240xi32, #tpu.memory_space<hbm>>
        %dma_start3A_972 = arith.constant 0 : i32
        %dma_start3A_973 = arith.constant 0 : i32
        %dma_start3A_974 = tpu.memref_slice %arg4[%add3A_967, %dma_start3A_972, %dma_start3A_973] : memref<1344x2x240xi32, #tpu.memory_space<hbm>> -> memref<1x2x240xi32, #tpu.memory_space<hbm>>
        %dma_start3A_975 = tpu.memref_squeeze %dma_start3A_974 : memref<1x2x240xi32, #tpu.memory_space<hbm>> -> memref<2x240xi32, #tpu.memory_space<hbm>>
        tpu.enqueue_dma source(%dma_start3A_975 : memref<2x240xi32, #tpu.memory_space<hbm>>) target(%arg11 : memref<2x240xi32, #tpu.memory_space<vmem>>) target_semaphore(%arg17 : memref<!tpu.dma_semaphore, #tpu.memory_space<semaphore_mem>>)
      } else {
      }
      %dma_wait3A_946 = arith.constant 1 : i32
      %dma_wait3A_947 = arith.constant 0 : i32
      %dma_wait3A_948 = arith.constant 0 : i32
      %dma_wait3A_949 = tpu.memref_slice %arg14[%dma_wait3A_947, %dma_wait3A_948] : memref<480x16xf32, #tpu.memory_space<vmem>> -> memref<240x16xf32, #tpu.memory_space<vmem>>
      %dma_wait3A_950 = arith.constant 0 : i32
      %dma_wait3A_951 = tpu.memref_slice %arg12[%dma_wait3A_946, %dma_wait3A_950] : memref<2x240xi32, #tpu.memory_space<vmem>> -> memref<1x240xi32, #tpu.memory_space<vmem>>
      %dma_wait3A_952 = tpu.memref_squeeze %dma_wait3A_951 : memref<1x240xi32, #tpu.memory_space<vmem>> -> memref<240xi32, #tpu.memory_space<vmem>>
      %dma_wait3A_953 = arith.constant 0 : i32
      %dma_wait3A_954 = arith.constant 0 : i32
      %dma_wait3A_955 = tpu.memref_slice %arg10[%dma_wait3A_953, %dma_wait3A_954] : memref<10008x16xf32, #tpu.memory_space<vmem_shared>> -> memref<10008x16xf32, #tpu.memory_space<vmem_shared>>
      tpu.wait_indirect_dma semaphore(%arg18 : memref<!tpu.dma_semaphore, #tpu.memory_space<semaphore_mem>>) src(%dma_wait3A_949 : memref<240x16xf32, #tpu.memory_space<vmem>>) dst(%dma_wait3A_955 : memref<10008x16xf32, #tpu.memory_space<vmem_shared>>)
      %dma_wait3A_956 = arith.constant 1 : i32
      %dma_wait3A_957 = arith.constant 0 : i32
      %dma_wait3A_958 = tpu.memref_slice %arg12[%dma_wait3A_956, %dma_wait3A_957] : memref<2x240xi32, #tpu.memory_space<vmem>> -> memref<1x240xi32, #tpu.memory_space<vmem>>
      %dma_wait3A_959 = tpu.memref_squeeze %dma_wait3A_958 : memref<1x240xi32, #tpu.memory_space<vmem>> -> memref<240xi32, #tpu.memory_space<vmem>>
      %dma_wait3A_960 = arith.constant 0 : i32
      %dma_wait3A_961 = arith.constant 0 : i32
      %dma_wait3A_962 = tpu.memref_slice %arg9[%dma_wait3A_960, %dma_wait3A_961] : memref<10008x128xf32, #tpu.memory_space<vmem_shared>> -> memref<10008x128xf32, #tpu.memory_space<vmem_shared>>
      tpu.wait_indirect_dma semaphore(%arg18 : memref<!tpu.dma_semaphore, #tpu.memory_space<semaphore_mem>>) src(%arg15 : memref<240x128xf32, #tpu.memory_space<vmem>>) dst(%dma_wait3A_962 : memref<10008x128xf32, #tpu.memory_space<vmem_shared>>)
    }
    %scan3A_19 = arith.constant 21 : i32
    %barrier3A_20 = arith.constant 0 : index
    tpu.barrier barrier_id(%barrier3A_20)
    %lt3A_21 = arith.constant 15 : i32
    %lt3A_22 = arith.cmpi slt, %arg1, %lt3A_21 : i32
    %convert_element_type3A_23 = arith.extui %lt3A_22 : i1 to i32
    %cond3A_24 = arith.constant 0 : i32
    %cond3A_25 = arith.cmpi ne, %convert_element_type3A_23, %cond3A_24 : i32
    scf.if %cond3A_25 {
      "tpu.region"() ({
        %run_scoped3A = tpu.sem_alloc : memref<!tpu.dma_semaphore, #tpu.memory_space<semaphore_mem>>
        %dma_start3A_31 = arith.constant 0 : i32
        %dma_start3A_32 = tpu.memref_slice %arg7[%arg0, %mul3A_2, %dma_start3A_31] : memref<2x10000x128xf32, #tpu.memory_space<hbm>> -> memref<1x624x128xf32, #tpu.memory_space<hbm>>
        %dma_start3A_33 = tpu.memref_squeeze %dma_start3A_32 : memref<1x624x128xf32, #tpu.memory_space<hbm>> -> memref<624x128xf32, #tpu.memory_space<hbm>>
        %dma_start3A_34 = arith.constant 0 : i32
        %dma_start3A_35 = tpu.memref_slice %arg9[%mul3A_2, %dma_start3A_34] : memref<10008x128xf32, #tpu.memory_space<vmem_shared>> -> memref<624x128xf32, #tpu.memory_space<vmem_shared>>
        tpu.enqueue_dma source(%dma_start3A_35 : memref<624x128xf32, #tpu.memory_space<vmem_shared>>) target(%dma_start3A_33 : memref<624x128xf32, #tpu.memory_space<hbm>>) target_semaphore(%run_scoped3A : memref<!tpu.dma_semaphore, #tpu.memory_space<semaphore_mem>>)
        %dma_wait3A = arith.constant 0 : i32
        %dma_wait3A_36 = tpu.memref_slice %arg7[%arg0, %mul3A_2, %dma_wait3A] : memref<2x10000x128xf32, #tpu.memory_space<hbm>> -> memref<1x624x128xf32, #tpu.memory_space<hbm>>
        %dma_wait3A_37 = tpu.memref_squeeze %dma_wait3A_36 : memref<1x624x128xf32, #tpu.memory_space<hbm>> -> memref<624x128xf32, #tpu.memory_space<hbm>>
        %dma_wait3A_38 = arith.constant 0 : i32
        %dma_wait3A_39 = tpu.memref_slice %arg9[%mul3A_2, %dma_wait3A_38] : memref<10008x128xf32, #tpu.memory_space<vmem_shared>> -> memref<624x128xf32, #tpu.memory_space<vmem_shared>>
        tpu.wait_dma2 semaphore(%run_scoped3A : memref<!tpu.dma_semaphore, #tpu.memory_space<semaphore_mem>>) src(%dma_wait3A_39 : memref<624x128xf32, #tpu.memory_space<vmem_shared>>) dst(%dma_wait3A_37 : memref<624x128xf32, #tpu.memory_space<hbm>>)
        tpu.yield
      }) : () -> ()
      "tpu.region"() ({
        %run_scoped3A = tpu.sem_alloc : memref<!tpu.dma_semaphore, #tpu.memory_space<semaphore_mem>>
        %dma_start3A_31 = arith.constant 0 : i32
        %dma_start3A_32 = tpu.memref_slice %arg8[%arg0, %mul3A_2, %dma_start3A_31] : memref<2x10000x16xf32, #tpu.memory_space<hbm>> -> memref<1x624x16xf32, #tpu.memory_space<hbm>>
        %dma_start3A_33 = tpu.memref_squeeze %dma_start3A_32 : memref<1x624x16xf32, #tpu.memory_space<hbm>> -> memref<624x16xf32, #tpu.memory_space<hbm>>
        %dma_start3A_34 = arith.constant 0 : i32
        %dma_start3A_35 = tpu.memref_slice %arg10[%mul3A_2, %dma_start3A_34] : memref<10008x16xf32, #tpu.memory_space<vmem_shared>> -> memref<624x16xf32, #tpu.memory_space<vmem_shared>>
        tpu.enqueue_dma source(%dma_start3A_35 : memref<624x16xf32, #tpu.memory_space<vmem_shared>>) target(%dma_start3A_33 : memref<624x16xf32, #tpu.memory_space<hbm>>) target_semaphore(%run_scoped3A : memref<!tpu.dma_semaphore, #tpu.memory_space<semaphore_mem>>)
        %dma_wait3A = arith.constant 0 : i32
        %dma_wait3A_36 = tpu.memref_slice %arg8[%arg0, %mul3A_2, %dma_wait3A] : memref<2x10000x16xf32, #tpu.memory_space<hbm>> -> memref<1x624x16xf32, #tpu.memory_space<hbm>>
        %dma_wait3A_37 = tpu.memref_squeeze %dma_wait3A_36 : memref<1x624x16xf32, #tpu.memory_space<hbm>> -> memref<624x16xf32, #tpu.memory_space<hbm>>
        %dma_wait3A_38 = arith.constant 0 : i32
        %dma_wait3A_39 = tpu.memref_slice %arg10[%mul3A_2, %dma_wait3A_38] : memref<10008x16xf32, #tpu.memory_space<vmem_shared>> -> memref<624x16xf32, #tpu.memory_space<vmem_shared>>
        tpu.wait_dma2 semaphore(%run_scoped3A : memref<!tpu.dma_semaphore, #tpu.memory_space<semaphore_mem>>) src(%dma_wait3A_39 : memref<624x16xf32, #tpu.memory_space<vmem_shared>>) dst(%dma_wait3A_37 : memref<624x16xf32, #tpu.memory_space<hbm>>)
        tpu.yield
      }) : () -> ()
    } else {
    }
    %eq3A_26 = arith.constant 15 : i32
    %eq3A_27 = arith.cmpi eq, %arg1, %eq3A_26 : i32
    %convert_element_type3A_28 = arith.extui %eq3A_27 : i1 to i32
    %cond3A_29 = arith.constant 0 : i32
    %cond3A_30 = arith.cmpi ne, %convert_element_type3A_28, %cond3A_29 : i32
    scf.if %cond3A_30 {
      "tpu.region"() ({
        %run_scoped3A = tpu.sem_alloc : memref<!tpu.dma_semaphore, #tpu.memory_space<semaphore_mem>>
        %dma_start3A_31 = arith.constant 9360 : i32
        %dma_start3A_32 = arith.constant 0 : i32
        %dma_start3A_33 = tpu.memref_slice %arg7[%arg0, %dma_start3A_31, %dma_start3A_32] : memref<2x10000x128xf32, #tpu.memory_space<hbm>> -> memref<1x640x128xf32, #tpu.memory_space<hbm>>
        %dma_start3A_34 = tpu.memref_squeeze %dma_start3A_33 : memref<1x640x128xf32, #tpu.memory_space<hbm>> -> memref<640x128xf32, #tpu.memory_space<hbm>>
        %dma_start3A_35 = arith.constant 9360 : i32
        %dma_start3A_36 = arith.constant 0 : i32
        %dma_start3A_37 = tpu.memref_slice %arg9[%dma_start3A_35, %dma_start3A_36] : memref<10008x128xf32, #tpu.memory_space<vmem_shared>> -> memref<640x128xf32, #tpu.memory_space<vmem_shared>>
        tpu.enqueue_dma source(%dma_start3A_37 : memref<640x128xf32, #tpu.memory_space<vmem_shared>>) target(%dma_start3A_34 : memref<640x128xf32, #tpu.memory_space<hbm>>) target_semaphore(%run_scoped3A : memref<!tpu.dma_semaphore, #tpu.memory_space<semaphore_mem>>)
        %dma_wait3A = arith.constant 9360 : i32
        %dma_wait3A_38 = arith.constant 0 : i32
        %dma_wait3A_39 = tpu.memref_slice %arg7[%arg0, %dma_wait3A, %dma_wait3A_38] : memref<2x10000x128xf32, #tpu.memory_space<hbm>> -> memref<1x640x128xf32, #tpu.memory_space<hbm>>
        %dma_wait3A_40 = tpu.memref_squeeze %dma_wait3A_39 : memref<1x640x128xf32, #tpu.memory_space<hbm>> -> memref<640x128xf32, #tpu.memory_space<hbm>>
        %dma_wait3A_41 = arith.constant 9360 : i32
        %dma_wait3A_42 = arith.constant 0 : i32
        %dma_wait3A_43 = tpu.memref_slice %arg9[%dma_wait3A_41, %dma_wait3A_42] : memref<10008x128xf32, #tpu.memory_space<vmem_shared>> -> memref<640x128xf32, #tpu.memory_space<vmem_shared>>
        tpu.wait_dma2 semaphore(%run_scoped3A : memref<!tpu.dma_semaphore, #tpu.memory_space<semaphore_mem>>) src(%dma_wait3A_43 : memref<640x128xf32, #tpu.memory_space<vmem_shared>>) dst(%dma_wait3A_40 : memref<640x128xf32, #tpu.memory_space<hbm>>)
        tpu.yield
      }) : () -> ()
      "tpu.region"() ({
        %run_scoped3A = tpu.sem_alloc : memref<!tpu.dma_semaphore, #tpu.memory_space<semaphore_mem>>
        %dma_start3A_31 = arith.constant 9360 : i32
        %dma_start3A_32 = arith.constant 0 : i32
        %dma_start3A_33 = tpu.memref_slice %arg8[%arg0, %dma_start3A_31, %dma_start3A_32] : memref<2x10000x16xf32, #tpu.memory_space<hbm>> -> memref<1x640x16xf32, #tpu.memory_space<hbm>>
        %dma_start3A_34 = tpu.memref_squeeze %dma_start3A_33 : memref<1x640x16xf32, #tpu.memory_space<hbm>> -> memref<640x16xf32, #tpu.memory_space<hbm>>
        %dma_start3A_35 = arith.constant 9360 : i32
        %dma_start3A_36 = arith.constant 0 : i32
        %dma_start3A_37 = tpu.memref_slice %arg10[%dma_start3A_35, %dma_start3A_36] : memref<10008x16xf32, #tpu.memory_space<vmem_shared>> -> memref<640x16xf32, #tpu.memory_space<vmem_shared>>
        tpu.enqueue_dma source(%dma_start3A_37 : memref<640x16xf32, #tpu.memory_space<vmem_shared>>) target(%dma_start3A_34 : memref<640x16xf32, #tpu.memory_space<hbm>>) target_semaphore(%run_scoped3A : memref<!tpu.dma_semaphore, #tpu.memory_space<semaphore_mem>>)
        %dma_wait3A = arith.constant 9360 : i32
        %dma_wait3A_38 = arith.constant 0 : i32
        %dma_wait3A_39 = tpu.memref_slice %arg8[%arg0, %dma_wait3A, %dma_wait3A_38] : memref<2x10000x16xf32, #tpu.memory_space<hbm>> -> memref<1x640x16xf32, #tpu.memory_space<hbm>>
        %dma_wait3A_40 = tpu.memref_squeeze %dma_wait3A_39 : memref<1x640x16xf32, #tpu.memory_space<hbm>> -> memref<640x16xf32, #tpu.memory_space<hbm>>
        %dma_wait3A_41 = arith.constant 9360 : i32
        %dma_wait3A_42 = arith.constant 0 : i32
        %dma_wait3A_43 = tpu.memref_slice %arg10[%dma_wait3A_41, %dma_wait3A_42] : memref<10008x16xf32, #tpu.memory_space<vmem_shared>> -> memref<640x16xf32, #tpu.memory_space<vmem_shared>>
        tpu.wait_dma2 semaphore(%run_scoped3A : memref<!tpu.dma_semaphore, #tpu.memory_space<semaphore_mem>>) src(%dma_wait3A_43 : memref<640x16xf32, #tpu.memory_space<vmem_shared>>) dst(%dma_wait3A_40 : memref<640x16xf32, #tpu.memory_space<hbm>>)
        tpu.yield
      }) : () -> ()
    } else {
    }
    return
  }
}

module attributes {stable_mosaic.version = 14 : i64} {
  func.func @body(%arg0: i32, %arg1: memref<1000x128xf32, #tpu.memory_space<vmem>>, %arg2: memref<128x128xf32, #tpu.memory_space<vmem>>, %arg3: memref<128x32xf32, #tpu.memory_space<vmem>>, %arg4: memref<1000x128xf32, #tpu.memory_space<vmem>>, %arg5: memref<1000x32xf32, #tpu.memory_space<vmem>>) attributes {dimension_semantics = [#tpu.dimension_semantics<arbitrary>], iteration_bounds = array<i64: 10>, scalar_prefetch = 0 : i64, scratch_operands = 0 : i64, tpu.core_type = #tpu.core_type<tc>, window_params = [{transform_indices = @transform_0, window_bounds = array<i64: 1000, 128>}, {pipeline_mode = #tpu.pipeline_mode<synchronous>, transform_indices = @transform_1, window_bounds = array<i64: 128, 128>}, {pipeline_mode = #tpu.pipeline_mode<synchronous>, transform_indices = @transform_2, window_bounds = array<i64: 128, 32>}, {transform_indices = @transform_3, window_bounds = array<i64: 1000, 128>}, {transform_indices = @transform_4, window_bounds = array<i64: 1000, 32>}]} {
    %get3A = arith.constant 0 : index
    %get3A_0 = arith.constant 0 : index
    %get3A_1 = vector.load %arg1[%get3A, %get3A_0] : memref<1000x128xf32, #tpu.memory_space<vmem>>, vector<1000x128xf32>
    %get3A_2 = arith.constant 0 : index
    %get3A_3 = arith.constant 0 : index
    %get3A_4 = vector.load %arg2[%get3A_2, %get3A_3] : memref<128x128xf32, #tpu.memory_space<vmem>>, vector<128x128xf32>
    %dot_general3A = arith.constant dense<0.000000e+00> : vector<1000x128xf32>
    %dot_general3A_5 = tpu.matmul %get3A_1, %get3A_4, %dot_general3A {dimension_numbers = #tpu.dot_dimension_numbers<[1], [0], [0], [1], [0, 0, 1, 1], [], []>, precision = #tpu.contract_precision<fp32>, transpose_lhs_hint = false} : vector<1000x128xf32>, vector<128x128xf32>, vector<1000x128xf32> -> vector<1000x128xf32>
    %swap3A = arith.constant 0 : index
    %swap3A_6 = arith.constant 0 : index
    %swap3A_7 = vector.load %arg4[%swap3A, %swap3A_6] : memref<1000x128xf32, #tpu.memory_space<vmem>>, vector<1000x128xf32>
    tpu.vector_store %arg4[%swap3A, %swap3A_6], %dot_general3A_5 {strides = array<i32>} : memref<1000x128xf32, #tpu.memory_space<vmem>>, vector<1000x128xf32>,
    %get3A_8 = arith.constant 0 : index
    %get3A_9 = arith.constant 0 : index
    %get3A_10 = vector.load %arg3[%get3A_8, %get3A_9] : memref<128x32xf32, #tpu.memory_space<vmem>>, vector<128x32xf32>
    %dot_general3A_11 = arith.constant dense<0.000000e+00> : vector<1000x32xf32>
    %dot_general3A_12 = tpu.matmul %dot_general3A_5, %get3A_10, %dot_general3A_11 {dimension_numbers = #tpu.dot_dimension_numbers<[1], [0], [0], [1], [0, 0, 1, 1], [], []>, precision = #tpu.contract_precision<fp32>, transpose_lhs_hint = false} : vector<1000x128xf32>, vector<128x32xf32>, vector<1000x32xf32> -> vector<1000x32xf32>
    %swap3A_13 = arith.constant 0 : index
    %swap3A_14 = arith.constant 0 : index
    %swap3A_15 = vector.load %arg5[%swap3A_13, %swap3A_14] : memref<1000x32xf32, #tpu.memory_space<vmem>>, vector<1000x32xf32>
    tpu.vector_store %arg5[%swap3A_13, %swap3A_14], %dot_general3A_12 {strides = array<i32>} : memref<1000x32xf32, #tpu.memory_space<vmem>>, vector<1000x32xf32>,
    return
  }
  func.func @transform_0(%arg0: i32) -> (i32, i32) {
    %c0_i32 = arith.constant 0 : i32
    %c0_i32_0 = arith.constant 0 : i32
    return %arg0, %c0_i32 : i32, i32
  }
  func.func @transform_1(%arg0: i32) -> (i32, i32) {
    %c0_i32 = arith.constant 0 : i32
    %c0_i32_0 = arith.constant 0 : i32
    %c0_i32_1 = arith.constant 0 : i32
    return %c0_i32, %c0_i32_0 : i32, i32
  }
  func.func @transform_2(%arg0: i32) -> (i32, i32) {
    %c0_i32 = arith.constant 0 : i32
    %c0_i32_0 = arith.constant 0 : i32
    %c0_i32_1 = arith.constant 0 : i32
    return %c0_i32, %c0_i32_0 : i32, i32
  }
  func.func @transform_3(%arg0: i32) -> (i32, i32) {
    %c0_i32 = arith.constant 0 : i32
    %c0_i32_0 = arith.constant 0 : i32
    return %arg0, %c0_i32 : i32, i32
  }
  func.func @transform_4(%arg0: i32) -> (i32, i32) {
    %c0_i32 = arith.constant 0 : i32
    %c0_i32_0 = arith.constant 0 : i32
    return %arg0, %c0_i32 : i32, i32
  }
}

module attributes {stable_mosaic.version = 14 : i64} {
  func.func @body(%arg0: i32, %arg1: memref<1000x128xf32, #tpu.memory_space<vmem>>, %arg2: memref<1000x128xf32, #tpu.memory_space<vmem>>, %arg3: memref<1000x16xf32, #tpu.memory_space<vmem>>, %arg4: memref<1000x16xf32, #tpu.memory_space<vmem>>, %arg5: memref<16x128xf32, #tpu.memory_space<vmem>>, %arg6: memref<1000x128xf32, #tpu.memory_space<vmem>>) attributes {dimension_semantics = [#tpu.dimension_semantics<arbitrary>], iteration_bounds = array<i64: 10>, scalar_prefetch = 0 : i64, scratch_operands = 0 : i64, tpu.core_type = #tpu.core_type<tc>, window_params = [{transform_indices = @transform_0, window_bounds = array<i64: 1000, 128>}, {transform_indices = @transform_1, window_bounds = array<i64: 1000, 128>}, {transform_indices = @transform_2, window_bounds = array<i64: 1000, 16>}, {transform_indices = @transform_3, window_bounds = array<i64: 1000, 16>}, {pipeline_mode = #tpu.pipeline_mode<synchronous>, transform_indices = @transform_4, window_bounds = array<i64: 16, 128>}, {transform_indices = @transform_5, window_bounds = array<i64: 1000, 128>}]} {
    %get3A = arith.constant 0 : index
    %get3A_0 = arith.constant 0 : index
    %get3A_1 = vector.load %arg1[%get3A, %get3A_0] : memref<1000x128xf32, #tpu.memory_space<vmem>>, vector<1000x128xf32>
    %get3A_2 = arith.constant 0 : index
    %get3A_3 = arith.constant 0 : index
    %get3A_4 = vector.load %arg2[%get3A_2, %get3A_3] : memref<1000x128xf32, #tpu.memory_space<vmem>>, vector<1000x128xf32>
    %add3A = arith.addf %get3A_1, %get3A_4 : vector<1000x128xf32>
    %get3A_5 = arith.constant 0 : index
    %get3A_6 = arith.constant 0 : index
    %get3A_7 = vector.load %arg3[%get3A_5, %get3A_6] : memref<1000x16xf32, #tpu.memory_space<vmem>>, vector<1000x16xf32>
    %get3A_8 = arith.constant 0 : index
    %get3A_9 = arith.constant 0 : index
    %get3A_10 = vector.load %arg4[%get3A_8, %get3A_9] : memref<1000x16xf32, #tpu.memory_space<vmem>>, vector<1000x16xf32>
    %add3A_11 = arith.addf %get3A_7, %get3A_10 : vector<1000x16xf32>
    %add3A_12 = arith.constant 1.000000e-10 : f32
    %add3A_13 = vector.broadcast %add3A_12 : f32 to vector<1000x16xf32>
    %add3A_14 = arith.addf %add3A_11, %add3A_13 : vector<1000x16xf32>
    %div3A = arith.constant 1.000000e+00 : f32
    %div3A_15 = vector.broadcast %div3A : f32 to vector<1000x16xf32>
    %div3A_16 = arith.divf %div3A_15, %add3A_14 : vector<1000x16xf32>
    %get3A_17 = arith.constant 0 : index
    %get3A_18 = arith.constant 0 : index
    %get3A_19 = vector.load %arg5[%get3A_17, %get3A_18] : memref<16x128xf32, #tpu.memory_space<vmem>>, vector<16x128xf32>
    %dot_general3A = arith.constant dense<0.000000e+00> : vector<1000x128xf32>
    %dot_general3A_20 = tpu.matmul %div3A_16, %get3A_19, %dot_general3A {dimension_numbers = #tpu.dot_dimension_numbers<[1], [0], [0], [1], [0, 0, 1, 1], [], []>, transpose_lhs_hint = false} : vector<1000x16xf32>, vector<16x128xf32>, vector<1000x128xf32> -> vector<1000x128xf32>
    %mul3A = arith.mulf %add3A, %dot_general3A_20 : vector<1000x128xf32>
    %swap3A = arith.constant 0 : index
    %swap3A_21 = arith.constant 0 : index
    %swap3A_22 = vector.load %arg6[%swap3A, %swap3A_21] : memref<1000x128xf32, #tpu.memory_space<vmem>>, vector<1000x128xf32>
    tpu.vector_store %arg6[%swap3A, %swap3A_21], %mul3A {strides = array<i32>} : memref<1000x128xf32, #tpu.memory_space<vmem>>, vector<1000x128xf32>,
    return
  }
  func.func @transform_0(%arg0: i32) -> (i32, i32) {
    %c0_i32 = arith.constant 0 : i32
    %c0_i32_0 = arith.constant 0 : i32
    return %arg0, %c0_i32 : i32, i32
  }
  func.func @transform_1(%arg0: i32) -> (i32, i32) {
    %c0_i32 = arith.constant 0 : i32
    %c0_i32_0 = arith.constant 0 : i32
    return %arg0, %c0_i32 : i32, i32
  }
  func.func @transform_2(%arg0: i32) -> (i32, i32) {
    %c0_i32 = arith.constant 0 : i32
    %c0_i32_0 = arith.constant 0 : i32
    return %arg0, %c0_i32 : i32, i32
  }
  func.func @transform_3(%arg0: i32) -> (i32, i32) {
    %c0_i32 = arith.constant 0 : i32
    %c0_i32_0 = arith.constant 0 : i32
    return %arg0, %c0_i32 : i32, i32
  }
  func.func @transform_4(%arg0: i32) -> (i32, i32) {
    %c0_i32 = arith.constant 0 : i32
    %c0_i32_0 = arith.constant 0 : i32
    %c0_i32_1 = arith.constant 0 : i32
    return %c0_i32, %c0_i32_0 : i32, i32
  }
  func.func @transform_5(%arg0: i32) -> (i32, i32) {
    %c0_i32 = arith.constant 0 : i32
    %c0_i32_0 = arith.constant 0 : i32
    return %arg0, %c0_i32 : i32, i32
  }
}

</mosaic_0001>

<sc_bundles>
// kernel: kernel.5.cloned.1.call-start
scs
__scs_entry_jumppad:
0x0: {  	(pc) =	sbr.rel $0x88, $3  }
0x1: {  	(tag) =	ssettag $0x0;
	lr =	simm.s32 $0x1  }
0x2: {  	[smem:$0x3F9C] =	sst lr;
	_ =	strace $0xD0000000  }
0x3: {  	_ = 	snop  }
0x4: {  	_ = 	snop  }
0x5: {  	_ = 	snop  }
0x6: {  	_ = 	snop  }
0x7: {  	_ = 	snop  }
__scs_overlays_trampoline_lowered:
0x8: {  	[smem:$0x3FAB] =	sst s0  }
0x9: {  	[smem:$0x3FAC] =	sst s1  }
0xa: {  	[smem:$0x3FAD] =	sst s2  }
0xb: {  	[smem:$0x3FAE] =	sst s3  }
0xc: {  	[smem:$0x3FAF] =	sst s4  }
0xd: {  	[smem:$0x3FB0] =	sst s5  }
0xe: {  	[smem:$0x3FB1] =	sst s6  }
0xf: {  	[smem:$0x3FB2] =	sst s7  }
0x10: {  	[smem:$0x3FB3] =	sst s8  }
0x11: {  	[smem:$0x3FB4] =	sst s9;
	s0 =	simm.s32 @!p0 $0x0  }
0x12: {  	s1 =	sld [smem:$0x3F9A];
	s0 =	simm.s32 @p0 $0x1  }
0x13: {  	[smem:$0x3FB5] =	sst s0;
	s0 =	simm.s32 @!p1 $0x0  }
0x14: {  	s2 =	sld [smem:$0x3F99];
	s0 =	simm.s32 @p1 $0x1  }
0x15: {  	[smem:$0x3FB6] =	sst s0;
	s0 =	simm.s32 @!p2 $0x0  }
0x16: {  	s3 =	sld [smem:$0x3FDB];
	s0 =	simm.s32 @p2 $0x1  }
0x17: {  	s4 =	simm.s32 $0x1BF5;
	[smem:$0x3FB8] =	sst s0  }
0x18: {  	s0 =	sld [smem:$0x3F9B];
	_ =	swait.ge [sflag:s4], $0x0  }
0x19: {  	s7 =	sld [smem:$0x3F9C]  }
0x1a: {  	s8 =	sadd.s32 $0xFFFFE003, lr  }
0x1b: {  	s9 =	sadd.s32 $0xFFFFFEF7, lr;
	s5 =	simm.s32 $0xFFFFFFFF;
	p2 =	slt.u32 s8, $0xFFFFF086  }
0x1c: {  	p1 =	slt.u32 s9, $0xF7A;
	s5 =	simm.s32 @!p2 $0x0  }
0x1d: {  	s5 =	simm.s32 @p1 $0x1;
	p0 =	seq.s32 s7, s2  }
0x1e: {  	s7 =	smul.u32 @!p0 $0xF7A, s2;
	p2 =	seq.s32 @!p0 s5, $0x0  }
0x1f: {  	s9 =	smul.u32 $0xF7A, s1;
	s8 =	simm.s32 @!p0 $0x1BF5;
	p2 =	por !p2, p0  }
0x20: {  	[sflag:s8] =	ssyncset.s32 @!p0 $0xFFFFF086;
	s6 =	sadd.s32 @!p0 s3, s7;
	s7 =	simm.s32 @!p0 $0x108  }
0x21: {  	s3 =	sadd.s32 s3, s9;
	s6 =	sadd.s32 @!p0 $0x88, s6;
	s7 =	simm.s32 @p2 $0x1082  }
0x22: {  	[simem:s7], [sflag:s8] =	dma.local @!p0 [hbm:s6], $0xF7A  }
0x23: {  	s9 =	sor.u32 $0xD0000000, s2;
	s6 =	simm.s32 $0x108;
	_ =	swait.ge @!p0 [sflag:s8], $0x0  }
0x24: {  	s3 =	sadd.s32 $0x88, s3;
	s6 =	simm.s32 @!p1 $0x1082;
	[sflag:s4] =	ssyncset.s32 $0xFFFFF086  }
0x25: {  	[simem:s6], [sflag:s4] =	dma.local [hbm:s3], $0xF7A  }
0x26: {  	[smem:$0x3F9C] =	sst s1;
	(tag) =	ssettag s2;
	_ =	strace s9  }
0x27: {  	s1 =	sld [smem:$0x3FAC]  }
0x28: {  	s2 =	sld [smem:$0x3FAD]  }
0x29: {  	s4 =	sld [smem:$0x3FAF]  }
0x2a: {  	p0 =	seq.s32 s5, $0x0;
	s5 =	sld [smem:$0x3FB0]  }
0x2b: {  	s6 =	sld [smem:$0x3FB1]  }
0x2c: {  	s7 =	sld [smem:$0x3FB2]  }
0x2d: {  	s3 =	simm.s32 $0x108;
	s8 =	sld [smem:$0x3FB3]  }
0x2e: {  	s3 =	simm.s32 @!p0 $0x1082;
	s9 =	sld [smem:$0x3FB4]  }
0x2f: {  	lr =	sadd.s32 s0, s3;
	s0 =	sld [smem:$0x3FAB]  }
0x30: {  	s3 =	sld [smem:$0x3FAE]  }
0x31: {  	[smem:$0x3FB7] =	sst s10  }
0x32: {  	s10 =	sld [smem:$0x3FB5];
	_ =	sdelay $0x3  }
0x33: {  	p0 =	seq.s32 s10, $0x1;
	s10 =	sld [smem:$0x3FB7];
	_ =	sdelay $0x3  }
0x34: {  	[smem:$0x3FB7] =	sst s10  }
0x35: {  	s10 =	sld [smem:$0x3FB6];
	_ =	sdelay $0x3  }
0x36: {  	p1 =	seq.s32 s10, $0x1;
	s10 =	sld [smem:$0x3FB7];
	_ =	sdelay $0x3  }
0x37: {  	[smem:$0x3FB7] =	sst s10  }
0x38: {  	s10 =	sld [smem:$0x3FB8]  }
0x39: {  	_ = 	snop;
	(pc) =	sbr.ind lr, $3  }
0x3a: {  	_ = 	snop  }
0x3b: {  	_ = 	snop  }
0x3c: {  	p2 =	seq.s32 s10, $0x1;
	s10 =	sld [smem:$0x3FB7]  }
0x3d: {  	_ =	shalt  }
0x3e: {  	_ =	shalt  }
0x3f: {  	_ =	shalt  }
0x40: {  	_ =	shalt  }
0x41: {  	_ =	shalt  }
0x42: {  	_ =	shalt  }
0x43: {  	_ =	shalt  }
0x44: {  	_ =	shalt  }
0x45: {  	_ =	shalt  }
0x46: {  	_ =	shalt  }
0x47: {  	_ =	shalt  }
0x48: {  	_ =	shalt  }
0x49: {  	_ =	shalt  }
0x4a: {  	_ =	shalt  }
0x4b: {  	_ =	shalt  }
0x4c: {  	_ =	shalt  }
0x4d: {  	_ =	shalt  }
0x4e: {  	_ =	shalt  }
0x4f: {  	_ =	shalt  }
0x50: {  	_ =	shalt  }
0x51: {  	_ =	shalt  }
0x52: {  	_ =	shalt  }
0x53: {  	_ =	shalt  }
0x54: {  	_ =	shalt  }
0x55: {  	_ =	shalt  }
0x56: {  	_ =	shalt  }
0x57: {  	_ =	shalt  }
0x58: {  	_ =	shalt  }
0x59: {  	_ =	shalt  }
0x5a: {  	_ =	shalt  }
0x5b: {  	_ =	shalt  }
0x5c: {  	_ =	shalt  }
0x5d: {  	_ =	shalt  }
0x5e: {  	_ =	shalt  }
0x5f: {  	_ =	shalt  }
0x60: {  	_ =	shalt  }
0x61: {  	_ =	shalt  }
0x62: {  	_ =	shalt  }
0x63: {  	_ =	shalt  }
0x64: {  	_ =	shalt  }
0x65: {  	_ =	shalt  }
0x66: {  	_ =	shalt  }
0x67: {  	_ =	shalt  }
0x68: {  	_ =	shalt  }
0x69: {  	_ =	shalt  }
0x6a: {  	_ =	shalt  }
0x6b: {  	_ =	shalt  }
0x6c: {  	_ =	shalt  }
0x6d: {  	_ =	shalt  }
0x6e: {  	_ =	shalt  }
0x6f: {  	_ =	shalt  }
0x70: {  	_ =	shalt  }
0x71: {  	_ =	shalt  }
0x72: {  	_ =	shalt  }
0x73: {  	_ =	shalt  }
0x74: {  	_ =	shalt  }
0x75: {  	_ =	shalt  }
0x76: {  	_ =	shalt  }
0x77: {  	_ =	shalt  }
0x78: {  	_ =	shalt  }
0x79: {  	_ =	shalt  }
0x7a: {  	_ =	shalt  }
0x7b: {  	_ =	shalt  }
0x7c: {  	_ =	shalt  }
0x7d: {  	_ =	shalt  }
0x7e: {  	_ =	shalt  }
0x7f: {  	_ =	shalt  }
0x80: {  	_ =	shalt  }
0x81: {  	_ =	shalt  }
0x82: {  	_ =	shalt  }
0x83: {  	_ =	shalt  }
0x84: {  	_ =	shalt  }
0x85: {  	_ =	shalt  }
0x86: {  	_ =	shalt  }
0x87: {  	_ =	shalt  }
.Lfunc_end0:
.L_simem_size_0:
called_computation_lowered:
.L_overlay_start_0:
0x88: {  	s2 =	sld [smem:$0x3FD9]  }
0x89: {  	s3 =	sld [smem:$0x3FFE];
	_ =	sdelay $0x1  }
0x8a: {  	s1 =	srdreg.scid  }
0x8b: {  	s0 =	sand.u32 $0x1, s1  }
0x8c: {  	s17 =	sshll.u32 s0, $0xA;
	s2 =	sadd.s32 s3, s2  }
0x8d: {  	s2 =	sadd.s32 s2, s17  }
0x8e: {  	[smem:$0x3FC3] =	sst s2  }
0x8f: {  	_ = 	snop  }
0x90: {  	s2 =	sld [smem:$0x3FD0];
	(tm) =	ssettm $0x1  }
0x91: {  	s18 =	sld [smem:$0x3FFB];
	_ =	sdelay $0x3  }
0x92: {  	_ =	strace s18  }
0x93: {  	s3 =	sld [smem:$0x3FFC];
	_ =	sdelay $0x3  }
0x94: {  	_ =	strace s3  }
0x95: {  	s3 =	sld [smem:$0x3FFD];
	_ =	sdelay $0x3  }
0x96: {  	_ =	strace s3  }
0x97: {  	_ =	strace $0x8FFFFFFF  }
0x98: {  	s19 =	sld [smem:$0x3FDB];
	_ =	sdelay $0x1  }
0x99: {  	s4 =	simm.s32 $_scs_section_size  }
0x9a: {  	s5 =	simm.s32 $_size__tile_overlayer_lowered;
	s6 =	simm.s32 $_tile_overlayer_lowered  }
0x9b: {  	s22 =	simm.s32 $0x1BFF;
	s21 =	sshll.u32 s6, $0x1;
	s3 =	sadd.s32 s4, s19  }
0x9c: {  	s7 =	simm.s32 $0x0;
	s20 =	sshll.u32 s5, $0x1;
	s5 =	sadd.s32 s21, s3  }
0x9d: {  	[timem:s7], [sflag:s22] =	dma.local [hbm:s5], s20  }
0x9e: {  	_ =	swait.ge [sflag:s22], s20  }
0x9f: {  	s4 =	ssub.s32 $0x0, s20;
	[sflag:s22] =	ssyncset.done $0x0  }
0xa0: {  	[sflag:s22] =	ssyncadd.s32 s4;
	_ =	sdelay $0x1  }
0xa1: {  	s23 =	simm.s32 $0x1B8B  }
0xa2: {  	_ =	swait.ge [sflag:s23], $0x1  }
0xa3: {  	[sflag:s23] =	ssyncset.done $0x0  }
0xa4: {  	s25 =	simm.s32 $0x1B8E;
	s24 =	sld [smem:$0x3FFE];
	[sflag:s23] =	ssyncadd.s32 $0xFFFFFFFF  }
0xa5: {  	s26 =	simm.s32 $execute0_lowered;
	[smem:$0x3FD2] =	sst s25  }
0xa6: {  	s5 =	sshll.u32 s26, $0x1;
	_ =	strace $0x80000046;
	[dreg:$0x1] =	wrdreg $0xFFFFFFFF  }
0xa7: {  	s28 =	simm.s32 $_size_execute0_lowered;
	s3 =	sadd.s32 s3, s5;
	[dreg:$0x0] =	wrdreg $0x0  }
0xa8: {  	s5 =	sshll.u32 s28, $0x1;
	[dreg:$0x2] =	wrdreg s3  }
0xa9: {  	[dreg:$0x3] =	wrdreg s5  }
0xaa: {  	[dreg:$0x4] =	wrdreg $0xC0  }
0xab: {  	_ =	task [dreg:s7], $0x5FFFF  }
0xac: {  	[dreg:$0x1] =	wrdreg $0xFFFFFFFF  }
0xad: {  	[dreg:$0x0] =	wrdreg $0x60  }
0xae: {  	[dreg:$0x2] =	wrdreg s2  }
0xaf: {  	[dreg:$0x3] =	wrdreg s24  }
0xb0: {  	[dreg:$0x4] =	wrdreg $0x0  }
0xb1: {  	[dreg:$0x5] =	wrdreg $0x138C00  }
0xb2: {  	[dreg:$0x6] =	wrdreg $0x9  }
0xb3: {  	_ =	task.clear_ibuf [dreg:s7], $0x7FFFF;
	_ =	strace $0x90000046  }
0xb4: {  	s29 =	simm.s32 $0x9;
	_ =	strace $0x80000048  }
0xb5: {  	_ =	swait.ge [sflag:s29], $0x1  }
0xb6: {  	[sflag:s29] =	ssyncadd.s32 $0xFFFFFFFF  }
0xb7: {  	_ =	strace $0x90000048  }
0xb8: {  	_ =	sfence  }
0xb9: {  	s30 =	sld [smem:$0x0];
	_ =	sdelay $0x2  }
0xba: {  	s31 =	sshll.u32 s1, $0xD;
	s1 =	sshrl.u32 s1, $0x2  }
0xbb: {  	s3 =	sand.u32 $0x4000, s31;
	s1 =	sadd.s32 s1, s30  }
0xbc: {  	s0 =	sor.u32 s3, s0;
	s1 =	sshll.u32 s1, $0x11  }
0xbd: {  	s0 =	sor.u32 s1, s0  }
0xbe: {  	s0 =	sadd.s32 $0x8F2B, s0  }
0xbf: {  	[sflag:s0] =	ssyncadd.remote.s32 $0x1  }
0xc0: {  	_ =	sfence.sel $0xFFFF  }
0xc1: {  	[dreg:$0x0] =	wrdreg $0xFFFFFFFF;
	(pc) =	sbr.abs _section_cstart, $3  }
0xc2: {  	[dreg:$0x1] =	wrdreg $0xFFFFFFFF  }
0xc3: {  	_ =	task.clear_ibuf [dreg:s7], $0x2FFFF;
	_ =	strace $0x9FFFFFFF  }
0xc4: {  	(tm) =	ssettm $0x7FFFFFFF  }
0xc5: {  	_ =	shalt  }
tec
execute0_lowered:
.L_overlay_start_1:
0x0: {  	(tag) =	ssettag $0x1  }
0x1: {  	s1 =	rddreg [dreg:$0x0]  }
0x2: {  	s0 =	rddreg [dreg:$0x1]  }
0x3: {  	s2 =	rddreg [dreg:$0x2]  }
0x4: {  	s4 =	rddreg [dreg:$0x3];
	s5 =	simm.s32 $0x0  }
0x5: {  	s16 =	stileid.u32;
	s8 =	srdreg.scid;
	s28 =	simm.s32 $0x1E0  }
0x6: {  	s29 =	simm.s32 $0x16398;
	s30 =	simm.s32 $0xF0;
	s31 =	simm.s32 $0x18378  }
0x7: {  	[smem:$0x7FF] =	sst s5;
	s3 =	smul.u32 $0x13800, s16;
	s6 =	sadd.s32 $0xA00, s0  }
0x8: {  	s9 =	smul.u32 $0x2700, s16;
	s7 =	sadd.s32 $0xA800, s0;
	s11 =	sand.u32 $0x1, s8  }
0x9: {  	s14 =	sadd.s32 $0x4A600, s0;
	s15 =	sadd.s32 $0x98800, s0;
	s23 =	sshll.u32 s16, $0x1  }
0xa: {  	s18 =	sadd.s32 $0x42D00, s0;
	s20 =	sadd.s32 $0x24900, s4;
	p0 =	seq.s32 s16, $0xF  }
0xb: {  	_ =	strace $0x80000047;
	s12 =	ssub.s32 $0x2, s11;
	[dreg:$0xa] =	wrdreg s18  }
0xc: {  	s8 =	sor.u32 s11, s23;
	s26 =	smul.u32 $0x138800, s11;
	[dreg:$0xb] =	wrdreg s20  }
0xd: {  	s11 =	smul.u32 $0x27100, s11;
	s10 =	sshrl.u32 s3, $0x3;
	s21 =	sshrl.u32 s9, $0x3  }
0xe: {  	s22 =	sshrl.u32 s12, $0x1;
	s17 =	sadd.s32 s3, s2;
	s24 =	sadd.s32 s9, s4  }
0xf: {  	s19 =	smul.u32 $0x3C, s8;
	s10 =	sadd.s32 s10, s0;
	[dreg:$0x5] =	wrdreg s17  }
0x10: {  	s13 =	sadd.s32 s21, s0;
	s12 =	ssub.s32 s12, s22;
	[dreg:$0x7] =	wrdreg s24  }
0x11: {  	s17 =	sadd.s32 $0x124800, s2;
	s3 =	sadd.s32 s3, s26;
	s21 =	sadd.s32 $0x49F20, s0  }
0x12: {  	s22 =	sadd.s32 s9, s11;
	s23 =	sshrl.u32 s26, $0x3;
	s24 =	sshrl.u32 s11, $0x3  }
0x13: {  	s11 =	simm.s32 $0x162A8;
	s10 =	sadd.s32 $0x1E400, s10;
	[dreg:$0x9] =	wrdreg s17  }
0x14: {  	s25 =	sadd.s32 $0x45600, s13;
	[dreg:$0xc] =	wrdreg s21;
	s13 =	sadd.s32 s7, s19  }
0x15: {  	s3 =	sshrl.u32 s3, $0x3;
	s9 =	sadd.s32 s14, s23;
	[dreg:$0x6] =	wrdreg s10  }
0x16: {  	s19 =	sor.u32 $0x40, s8;
	s26 =	smax.u32 s12, $0x1;
	[dreg:$0x8] =	wrdreg s25  }
0x17: {  	s12 =	simm.s32 $0x16578;
	[dreg:$0xd] =	wrdreg s13;
	s3 =	sadd.s32 s14, s3  }
0x18: {  	s25 =	sadd.s32 s15, s24;
	s9 =	sadd.s32 $0x24900, s9;
	[dreg:$0x12] =	wrdreg s26  }
0x19: {  	s24 =	sadd.s32 $0xAF80, s0;
	s26 =	simm.s32 $0x2;
	s0 =	simm.s32 $0x1  }
0x1a: {  	s10 =	simm.s32 $0x3;
	[dreg:$0xe] =	wrdreg s3;
	s3 =	sshrl.u32 s22, $0x3  }
0x1b: {  	s13 =	simm.s32 $0x0;
	[dreg:$0x10] =	wrdreg s9;
	s3 =	sadd.s32 s15, s3  }
0x1c: {  	s9 =	simm.s32 $0x161B8;
	[dreg:$0xf] =	wrdreg s3;
	s3 =	sadd.s32 $0x4920, s25  }
0x1d: {  	s25 =	simm.s32 $0x15FD8;
	[dreg:$0x11] =	wrdreg s3;
	s3 =	simm.s32 $0x160C8  }
.LBB2_1:
0x1e: {  	s14 =	rddreg [dreg:$0x9]  }
0x1f: {  	s15 =	rddreg [dreg:$0xa];
	s16 =	sshrl.u32 @p0 s14, $0x3  }
0x20: {  	s14 =	simm.s32 @p0 $0x1FC4;
	[dreg:$0x13] =	wrdreg s16  }
0x21: {  	[spmem:s16], [sflag:s14] =	dma.local @p0 [hbm:s15], $0x2880  }
0x22: {  	s15 =	simm.s32 @p0 $0x4  }
0x23: {  	_ =	swait.ge @p0 [sflag:s15], $0x2880  }
0x24: {  	s16 =	rddreg [dreg:$0xb]  }
0x25: {  	[sflag:s15] =	ssyncset.done @p0 $0x0;
	s17 =	sshrl.u32 @p0 s16, $0x3;
	s16 =	rddreg [dreg:$0xc]  }
0x26: {  	[sflag:s15] =	ssyncadd.s32 @p0 $0xFFFFD780;
	[dreg:$0x14] =	wrdreg s17  }
0x27: {  	[spmem:s17], [sflag:s14] =	dma.local @p0 [hbm:s16], $0x510  }
0x28: {  	_ =	swait.ge @p0 [sflag:s15], $0x510  }
0x29: {  	[sflag:s15] =	ssyncset.done @p0 $0x0  }
0x2a: {  	s14 =	stileid.u32;
	[sflag:s15] =	ssyncadd.s32 @p0 $0xFFFFFAF0;
	s15 =	rddreg [dreg:$0x5]  }
0x2b: {  	s14 =	sshll.u32 @!p0 s14, $0x6;
	s16 =	sshrl.u32 @!p0 s15, $0x3;
	s15 =	rddreg [dreg:$0x6]  }
0x2c: {  	s14 =	sor.u32 @!p0 $0x1C04, s14;
	[dreg:$0x15] =	wrdreg s16  }
0x2d: {  	[spmem:s16], [sflag:s14] =	dma.local @!p0 [hbm:s15], $0x2700  }
0x2e: {  	s15 =	simm.s32 @!p0 $0x4  }
0x2f: {  	_ =	swait.ge @!p0 [sflag:s15], $0x2700  }
0x30: {  	[sflag:s15] =	ssyncset.done @!p0 $0x0;
	s16 =	rddreg [dreg:$0x7]  }
0x31: {  	[sflag:s15] =	ssyncadd.s32 @!p0 $0xFFFFD900;
	s18 =	sshrl.u32 @!p0 s16, $0x3;
	s16 =	rddreg [dreg:$0x8]  }
0x32: {  	[spmem:s18], [sflag:s14] =	dma.local @!p0 [hbm:s16], $0x4E0  }
0x33: {  	_ =	swait.ge @!p0 [sflag:s15], $0x4E0  }
0x34: {  	[sflag:s15] =	ssyncset.done @!p0 $0x0  }
0x35: {  	[sflag:s15] =	ssyncadd.s32 @!p0 $0xFFFFFB20  }
0x36: {  	[bflag:$0x0] =	sbarrier.arrive $0xFFFF  }
0x37: {  	s20 =	simm.s32 $0x0;
	s23 =	rddreg [dreg:$0xd]  }
0x38: {  	[tilespmem:s25], [sflag:$0x2] =	stream.linear.gather [hbm4b:s23+s5], $0x1E0, $0x38;
	[tilespmem:$0x1FB78] =	vst v63  }
.LBB2_2:
0x39: {  	_ =	swait.ge [sflag:s26], $0x1E0  }
0x3a: {  	[sflag:s26] =	ssyncset.done $0x0  }
0x3b: {  	[sflag:s26] =	ssyncadd.s32 $0xFFFFFE20  }
0x3c: {  	v0 =	vld [tilespmem:$0x15FD8]  }
0x3d: {  	v1 =	vld [tilespmem:$0x160C8]  }
0x3e: {  	v2 =	vld [tilespmem:$0x15FE8]  }
0x3f: {  	v4 =	vld [tilespmem:$0x15FF8]  }
0x40: {  	v25 =	vld [tilespmem:$0x16008]  }
0x41: {  	v28 =	vld [tilespmem:$0x16018]  }
0x42: {  	v31 =	vld [tilespmem:$0x16028];
	[tilespmem:$0x16398] =	vst v0  }
0x43: {  	v33 =	vld [tilespmem:$0x16038];
	[tilespmem:$0x163A8] =	vst v2  }
0x44: {  	v35 =	vld [tilespmem:$0x16048];
	[tilespmem:$0x163B8] =	vst v4  }
0x45: {  	v37 =	vld [tilespmem:$0x16058];
	[tilespmem:$0x163C8] =	vst v25  }
0x46: {  	v39 =	vld [tilespmem:$0x16068];
	[tilespmem:$0x163D8] =	vst v28  }
0x47: {  	v41 =	vld [tilespmem:$0x16078];
	[tilespmem:$0x163E8] =	vst v31  }
0x48: {  	v43 =	vld [tilespmem:$0x16088];
	[tilespmem:$0x163F8] =	vst v33  }
0x49: {  	v45 =	vld [tilespmem:$0x16098];
	[tilespmem:$0x16408] =	vst v35  }
0x4a: {  	v47 =	vld [tilespmem:$0x160A8];
	[tilespmem:$0x16418] =	vst v37  }
0x4b: {  	v49 =	vld [tilespmem:$0x160B8];
	[tilespmem:$0x16428] =	vst v39  }
0x4c: {  	v3 =	vld [tilespmem:$0x160D8];
	[tilespmem:$0x16438] =	vst v41  }
0x4d: {  	v5 =	vld [tilespmem:$0x160E8];
	[tilespmem:$0x16448] =	vst v43  }
0x4e: {  	v26 =	vld [tilespmem:$0x160F8];
	[tilespmem:$0x16458] =	vst v45  }
0x4f: {  	v29 =	vld [tilespmem:$0x16108];
	[tilespmem:$0x16468] =	vst v47  }
0x50: {  	v32 =	vld [tilespmem:$0x16118];
	v24 =	vadd.s32 $0x2718, v1;
	[tilespmem:$0x16478] =	vst v49  }
0x51: {  	v48 =	vld [tilespmem:$0x16198];
	v27 =	vadd.s32 $0x2718, v3;
	[tilespmem:$0x16488] =	vst v24  }
0x52: {  	v50 =	vld [tilespmem:$0x161A8];
	v30 =	vadd.s32 $0x2718, v5;
	[tilespmem:$0x16498] =	vst v27  }
0x53: {  	v34 =	vld [tilespmem:$0x16128];
	v0 =	vadd.s32 $0x2718, v26;
	[tilespmem:$0x164A8] =	vst v30  }
0x54: {  	v36 =	vld [tilespmem:$0x16138];
	v2 =	vadd.s32 $0x2718, v29;
	[tilespmem:$0x164B8] =	vst v0  }
0x55: {  	v38 =	vld [tilespmem:$0x16148];
	v4 =	vadd.s32 $0x2718, v32;
	[tilespmem:$0x164C8] =	vst v2  }
0x56: {  	v40 =	vld [tilespmem:$0x16158];
	v51 =	vadd.s32 $0x2718, v48;
	[tilespmem:$0x164D8] =	vst v4  }
0x57: {  	v42 =	vld [tilespmem:$0x16168];
	v52 =	vadd.s32 $0x2718, v50;
	[tilespmem:$0x16558] =	vst v51  }
0x58: {  	v44 =	vld [tilespmem:$0x16178];
	v0 =	vadd.s32 $0x2718, v34;
	[tilespmem:$0x16568] =	vst v52  }
0x59: {  	v46 =	vld [tilespmem:$0x16188];
	v2 =	vadd.s32 $0x2718, v36;
	[tilespmem:$0x164E8] =	vst v0  }
0x5a: {  	v4 =	vadd.s32 $0x2718, v38;
	[tilespmem:$0x164F8] =	vst v2  }
0x5b: {  	[tilespmem:$0x16508] =	vst v4;
	v0 =	vadd.s32 $0x2718, v40  }
0x5c: {  	v2 =	vadd.s32 $0x2718, v42;
	[tilespmem:$0x16518] =	vst v0  }
0x5d: {  	v4 =	vadd.s32 $0x2718, v44;
	[tilespmem:$0x16528] =	vst v2  }
0x5e: {  	[tilespmem:$0x16538] =	vst v4;
	v0 =	vadd.s32 $0x2718, v46  }
0x5f: {  	s15 =	simm.s32 $0x16578;
	[tilespmem:$0x16548] =	vst v0  }
0x60: {  	[tilespmem:s15], [sflag:$0x1] =	stream.indirect.gather [hbm4b:s6+s28], $0x10, s29, s28, $0xb8;
	[tilespmem:$0x1FB78] =	vst v63  }
0x61: {  	_ = 	snop  }
0x62: {  	[tilespmem:s31], [sflag:$0x1] =	stream.indirect.gather [hbm4b:s1+s30], $0x80, s25, s30, $0xb8;
	[tilespmem:$0x1FB78] =	vst v63  }
0x63: {  	_ =	swait.ge [sflag:s0], $0x1E00  }
0x64: {  	[sflag:s0] =	ssyncset.done $0x0  }
0x65: {  	[sflag:s0] =	ssyncadd.s32 $0xFFFFE200  }
0x66: {  	v54 =	vld [tilespmem:s15+$0xF30]  }
0x67: {  	v55 =	vld [tilespmem:s15+$0x30]  }
0x68: {  	v53 =	vld [tilespmem:s15+$0xF00]  }
0x69: {  	v56 =	vld [tilespmem:s15+$0xF10]  }
0x6a: {  	v57 =	vld [tilespmem:s15+$0xF20]  }
0x6b: {  	v58 =	vld [tilespmem:s15+$0x20]  }
0x6c: {  	v6 =	vld [tilespmem:s15+$0x0];
	v1 =	vadd.f32 v54, v55  }
0x6d: {  	v7 =	vld [tilespmem:s15+$0x10]  }
0x6e: {  	v2 =	vmul.f32 $2.000000030e-01, v1  }
0x6f: {  	vm0 =	vge.f32 v1, $0.0e+00  }
0x70: {  	v4 =	vadd.f32 v57, v58;
	v1 =	vsel vm0, v1, v2  }
0x71: {  	v0 =	vadd.f32 v53, v6;
	v1 =	vmul.f32 $1.442695020e+00, v1  }
0x72: {  	v59 =	vadd.f32 v56, v7;
	v60 =	vmul.f32 $2.000000030e-01, v4  }
0x73: {  	vm14 =	vge.f32 v4, $0.0e+00;
	v61 =	vmul.f32 $2.000000030e-01, v0;
	(erf) = vpow2.f32 v1  }
0x74: {  	vm1 =	vge.f32 v0, $0.0e+00;
	v62 =	vmul.f32 $2.000000030e-01, v59;
	v3 =	vsel vm14, v4, v60  }
0x75: {  	vm15 =	vge.f32 v59, $0.0e+00;
	v0 =	vsel vm1, v0, v61;
	v3 =	vmul.f32 $1.442695020e+00, v3  }
0x76: {  	v63 =	vsel vm15, v59, v62;
	v0 =	vmul.f32 $1.442695020e+00, v0  }
0x77: {  	v1 =	vmul.f32 $1.442695020e+00, v63;
	(erf) = vpow2.f32 v3  }
0x78: {  	(erf) = vpow2.f32 v0  }
0x79: {  	(erf) = vpow2.f32 v1;
	_ =	sdelay $0x1  }
0x7a: {  	s16 =	simm.s32 $0x0;
	s17 =	simm.s32 $0x165B8  }
.LBB2_3:
0x7b: {  	v0 =	vld [tilespmem:s17+$0xF00];
	s16 =	sadd.s32 $0x4, s16;
	v1 =	vpop (erf)  }
0x7c: {  	v2 =	vld [tilespmem:s17+$0xF30];
	p1 =	slt.u32 s16, $0xEC;
	[tilespmem:s15+$0x30] =	vst v1  }
0x7d: {  	v1 =	vld [tilespmem:s17+$0x30];
	_ =	sdelay $0x1  }
0x7e: {  	v3 =	vld [tilespmem:s17+$0xF10];
	v4 =	vpop (erf)  }
0x7f: {  	v5 =	vld [tilespmem:s17+$0xF20];
	[tilespmem:s15+$0x20] =	vst v4;
	v4 =	vpop (erf)  }
0x80: {  	v6 =	vld [tilespmem:s17+$0x20];
	[tilespmem:s15+$0x0] =	vst v4;
	v4 =	vpop (erf)  }
0x81: {  	v7 =	vld [tilespmem:s17+$0x0];
	v1 =	vadd.f32 v2, v1;
	[tilespmem:s15+$0x10] =	vst v4;
	s15 =	smov.u32 s17  }
0x82: {  	v2 =	vld [tilespmem:s17+$0x10]  }
0x83: {  	v4 =	vmul.f32 $2.000000030e-01, v1  }
0x84: {  	vm0 =	vge.f32 v1, $0.0e+00  }
0x85: {  	v5 =	vadd.f32 v5, v6;
	v1 =	vsel vm0, v1, v4  }
0x86: {  	v0 =	vadd.f32 v0, v7;
	v1 =	vmul.f32 $1.442695020e+00, v1  }
0x87: {  	v2 =	vadd.f32 v3, v2;
	vm0 =	vge.f32 v5, $0.0e+00;
	v3 =	vmul.f32 $2.000000030e-01, v5  }
0x88: {  	vm1 =	vge.f32 v0, $0.0e+00;
	v4 =	vmul.f32 $2.000000030e-01, v0;
	(erf) = vpow2.f32 v1  }
0x89: {  	vm2 =	vge.f32 v2, $0.0e+00;
	v1 =	vmul.f32 $2.000000030e-01, v2;
	v3 =	vsel vm0, v5, v3  }
0x8a: {  	v0 =	vsel vm1, v0, v4;
	v3 =	vmul.f32 $1.442695020e+00, v3  }
0x8b: {  	v0 =	vmul.f32 $1.442695020e+00, v0;
	v1 =	vsel vm2, v2, v1  }
.Ltmp0:
0x8c: {  	v1 =	vmul.f32 $1.442695020e+00, v1;
	(erf) = vpow2.f32 v3;
	(pc) =	sbr.rel @p1 .LBB2_3-.Ltmp0, $3  }
0x8d: {  	(erf) = vpow2.f32 v0  }
0x8e: {  	(erf) = vpow2.f32 v1;
	_ =	sdelay $0x1  }
0x8f: {  	s17 =	sadd.s32 $0x40, s17  }
0x90: {  	_ =	sdelay $0x2  }
0x91: {  	v0 =	vpop (erf)  }
0x92: {  	[tilespmem:s15+$0x30] =	vst v0;
	v0 =	vpop (erf)  }
0x93: {  	[tilespmem:s15+$0x20] =	vst v0;
	v0 =	vpop (erf)  }
0x94: {  	[tilespmem:s15+$0x0] =	vst v0;
	v0 =	vpop (erf)  }
0x95: {  	[tilespmem:s15+$0x10] =	vst v0  }
0x96: {  	_ =	swait.ge [sflag:s0], $0x7800  }
0x97: {  	[sflag:s0] =	ssyncset.done $0x0  }
0x98: {  	s22 =	simm.s32 $0x16588;
	[sflag:s0] =	ssyncadd.s32 $0xFFFF8800  }
0x99: {  	v1 =	vld [tilespmem:s22+$0xFFFFFFF0]  }
0x9a: {  	s21 =	simm.s32 $0x183F8  }
0x9b: {  	v3 =	vld [tilespmem:s21+$0xFFFFFFC0]  }
0x9c: {  	v4 =	vld [tilespmem:s21+$0xFFFFFF90]  }
0x9d: {  	v7 =	vld [tilespmem:s21+$0xFFFFFFB0]  }
0x9e: {  	v0 =	vld [tilespmem:s21+$0xFFFFFFE0];
	v5 =	vbroadcast v1, $0x4  }
0x9f: {  	v6 =	vld [tilespmem:s21+$0xFFFFFFA0];
	v2 =	vbroadcast v1, $0x0  }
0xa0: {  	v9 =	vbroadcast v1, $0x1;
	v10 =	vmul.f32 v3, v5;
	v3 =	vld [tilespmem:s21+$0xFFFFFF80]  }
0xa1: {  	v8 =	vbroadcast v1, $0x2;
	v12 =	vbroadcast v1, $0x3;
	v5 =	vld [tilespmem:s21+$0xFFFFFFF0]  }
0xa2: {  	v11 =	vmul.f32 v4, v9;
	v4 =	vbroadcast v1, $0x5  }
0xa3: {  	s16 =	simm.s32 $0x183F8;
	s23 =	simm.s32 $0x16588;
	s15 =	simm.s32 $0x0;
	v9 =	vmul.f32 v7, v12;
	v7 =	vld [tilespmem:s21+$0xFFFFFFD0];
	[tilespmem:s21+$0xFFFFFFC0] =	vst v10;
	v10 =	vbroadcast v1, $0x6  }
.LBB2_5:
0xa4: {  	s15 =	sadd.s32 $0x2, s15;
	[tilespmem:s21+$0xFFFFFF90] =	vst v11;
	v6 =	vmul.f32 v6, v8;
	v1 =	vbroadcast v1, $0x7;
	s22 =	sadd.s32 $0x20, s22;
	s16 =	sadd.s32 $0x100, s16  }
0xa5: {  	p1 =	slt.u32 s15, $0xEE;
	v2 =	vmul.f32 v2, v3;
	[tilespmem:s21+$0xFFFFFFB0] =	vst v9;
	v0 =	vmul.f32 v0, v10  }
0xa6: {  	[tilespmem:s21+$0xFFFFFFA0] =	vst v6;
	v1 =	vmul.f32 v5, v1  }
0xa7: {  	[tilespmem:s21+$0xFFFFFFE0] =	vst v0  }
0xa8: {  	v0 =	vmul.f32 v7, v4;
	[tilespmem:s21+$0xFFFFFFF0] =	vst v1  }
0xa9: {  	[tilespmem:s21+$0xFFFFFF80] =	vst v2  }
0xaa: {  	[tilespmem:s21+$0xFFFFFFD0] =	vst v0;
	v0 =	vld [tilespmem:s21+$0x10]  }
0xab: {  	v1 =	vld [tilespmem:s23+$0x0];
	s23 =	smov.u32 s22  }
0xac: {  	v2 =	vld [tilespmem:s21+$0x70]  }
0xad: {  	v3 =	vld [tilespmem:s21+$0x0]  }
0xae: {  	v4 =	vld [tilespmem:s21+$0x20]  }
0xaf: {  	v5 =	vld [tilespmem:s21+$0x40]  }
0xb0: {  	v6 =	vbroadcast v1, $0x0;
	v7 =	vld [tilespmem:s21+$0x30];
	v8 =	vbroadcast v1, $0x7  }
0xb1: {  	v9 =	vbroadcast v1, $0x2;
	v11 =	vbroadcast v1, $0x6;
	v10 =	vld [tilespmem:s21+$0x60]  }
0xb2: {  	v3 =	vmul.f32 v6, v3;
	v6 =	vbroadcast v1, $0x4;
	v12 =	vld [tilespmem:s21+$0x50]  }
0xb3: {  	v4 =	vmul.f32 v4, v9;
	v9 =	vbroadcast v1, $0x3  }
0xb4: {  	[tilespmem:s21+$0x0] =	vst v3;
	v3 =	vbroadcast v1, $0x1;
	v5 =	vmul.f32 v5, v6  }
0xb5: {  	v1 =	vbroadcast v1, $0x5;
	[tilespmem:s21+$0x20] =	vst v4;
	v4 =	vmul.f32 v7, v9  }
0xb6: {  	v2 =	vmul.f32 v2, v8;
	[tilespmem:s21+$0x40] =	vst v5;
	v5 =	vmul.f32 v10, v11  }
0xb7: {  	v0 =	vmul.f32 v0, v3;
	[tilespmem:s21+$0x30] =	vst v4;
	v1 =	vmul.f32 v12, v1  }
0xb8: {  	[tilespmem:s21+$0x70] =	vst v2  }
0xb9: {  	[tilespmem:s21+$0x10] =	vst v0  }
0xba: {  	[tilespmem:s21+$0x60] =	vst v5  }
0xbb: {  	[tilespmem:s21+$0x50] =	vst v1;
	s21 =	smov.u32 s16  }
0xbc: {  	v1 =	vld [tilespmem:s22+$0xFFFFFFF0]  }
0xbd: {  	v0 =	vld [tilespmem:s16+$0xFFFFFFE0]  }
0xbe: {  	v4 =	vld [tilespmem:s16+$0xFFFFFFC0]  }
0xbf: {  	v7 =	vld [tilespmem:s16+$0xFFFFFF90]  }
0xc0: {  	v9 =	vld [tilespmem:s16+$0xFFFFFFB0]  }
.Ltmp1:
0xc1: {  	v2 =	vbroadcast v1, $0x0;
	v6 =	vld [tilespmem:s16+$0xFFFFFFA0];
	v5 =	vbroadcast v1, $0x4;
	(pc) =	sbr.rel @p1 .LBB2_5-.Ltmp1, $4  }
0xc2: {  	v10 =	vbroadcast v1, $0x1;
	v8 =	vbroadcast v1, $0x2;
	v3 =	vld [tilespmem:s16+$0xFFFFFF80]  }
0xc3: {  	v12 =	vbroadcast v1, $0x3;
	v13 =	vmul.f32 v4, v5;
	v5 =	vld [tilespmem:s16+$0xFFFFFFF0]  }
0xc4: {  	v4 =	vbroadcast v1, $0x5;
	v11 =	vmul.f32 v7, v10  }
0xc5: {  	v10 =	vbroadcast v1, $0x6;
	v9 =	vmul.f32 v9, v12;
	[tilespmem:s16+$0xFFFFFFC0] =	vst v13;
	v7 =	vld [tilespmem:s16+$0xFFFFFFD0]  }
0xc6: {  	[tilespmem:s21+$0xFFFFFF90] =	vst v11;
	v6 =	vmul.f32 v6, v8  }
0xc7: {  	v1 =	vbroadcast v1, $0x7;
	[tilespmem:s21+$0xFFFFFFB0] =	vst v9;
	v0 =	vmul.f32 v0, v10  }
0xc8: {  	v2 =	vmul.f32 v2, v3;
	[tilespmem:s21+$0xFFFFFFA0] =	vst v6  }
0xc9: {  	v1 =	vmul.f32 v5, v1;
	[tilespmem:s21+$0xFFFFFFE0] =	vst v0  }
0xca: {  	[tilespmem:s21+$0xFFFFFF80] =	vst v2;
	v48 =	vmul.f32 v7, v4  }
0xcb: {  	[tilespmem:s21+$0xFFFFFFF0] =	vst v1  }
0xcc: {  	[tilespmem:s21+$0xFFFFFFD0] =	vst v48  }
0xcd: {  	v0 =	vld [tilespmem:s23+$0x0];
	_ =	sdelay $0x1  }
0xce: {  	v49 =	vld [tilespmem:s21+$0x0]  }
0xcf: {  	v50 =	vld [tilespmem:s21+$0x20]  }
0xd0: {  	v51 =	vld [tilespmem:s21+$0x40]  }
0xd1: {  	v53 =	vld [tilespmem:s21+$0x30];
	v52 =	vbroadcast v0, $0x0  }
0xd2: {  	v54 =	vld [tilespmem:s21+$0x70];
	v55 =	vbroadcast v0, $0x2  }
0xd3: {  	v56 =	vld [tilespmem:s21+$0x10];
	v57 =	vbroadcast v0, $0x4;
	v1 =	vmul.f32 v52, v49  }
0xd4: {  	v58 =	vld [tilespmem:s21+$0x60];
	v59 =	vbroadcast v0, $0x3;
	v2 =	vmul.f32 v50, v55  }
0xd5: {  	v61 =	vld [tilespmem:s21+$0x50];
	v60 =	vbroadcast v0, $0x7;
	v62 =	vmul.f32 v51, v57;
	[tilespmem:s21+$0x0] =	vst v1  }
0xd6: {  	v63 =	vbroadcast v0, $0x1;
	v12 =	vmul.f32 v53, v59;
	[tilespmem:s21+$0x20] =	vst v2  }
0xd7: {  	v13 =	vbroadcast v0, $0x6;
	v14 =	vmul.f32 v54, v60;
	[tilespmem:s21+$0x40] =	vst v62  }
0xd8: {  	v0 =	vbroadcast v0, $0x5;
	v3 =	vmul.f32 v56, v63;
	[tilespmem:s21+$0x30] =	vst v12  }
0xd9: {  	v15 =	vmul.f32 v58, v13;
	[tilespmem:s21+$0x70] =	vst v14  }
0xda: {  	v0 =	vmul.f32 v61, v0;
	[tilespmem:s21+$0x10] =	vst v3  }
0xdb: {  	[tilespmem:s21+$0x60] =	vst v15  }
0xdc: {  	s22 =	simm.s32 $0x16578;
	[tilespmem:s21+$0x50] =	vst v0;
	s21 =	sshll.u32 s20, $0x6  }
0xdd: {  	[spmem:s4] =	stream.indirect.scatter.add.f32 [tilespmem:s22], [sflag:$0x3], $0x10, s3, s30, $0xb8;
	[tilespmem:$0x1FB78] =	vst v63  }
0xde: {  	s15 =	sor.u32 s8, s21  }
0xdf: {  	s15 =	smul.u32 $0x3C, s15  }
0xe0: {  	[spmem:s2] =	stream.indirect.scatter.add.f32 [tilespmem:s31], [sflag:$0x3], $0x80, s3, s30, $0xb8;
	[tilespmem:$0x1FB78] =	vst v63  }
0xe1: {  	s15 =	sadd.s32 s24, s15  }
0xe2: {  	[tilespmem:s9], [sflag:$0x2] =	stream.linear.gather [hbm4b:s15+s5], $0x1E0, $0x38;
	[tilespmem:$0x1FB78] =	vst v63  }
0xe3: {  	_ =	swait.ge [sflag:s10], $0xF00  }
0xe4: {  	[sflag:s10] =	ssyncset.done $0x0  }
0xe5: {  	[sflag:s10] =	ssyncadd.s32 $0xFFFFF100  }
0xe6: {  	_ =	swait.ge [sflag:s10], $0x7800  }
0xe7: {  	[sflag:s10] =	ssyncset.done $0x0  }
0xe8: {  	[sflag:s10] =	ssyncadd.s32 $0xFFFF8800  }
0xe9: {  	_ =	swait.ge [sflag:s26], $0x1E0  }
0xea: {  	[sflag:s26] =	ssyncset.done $0x0  }
0xeb: {  	[sflag:s26] =	ssyncadd.s32 $0xFFFFFE20  }
0xec: {  	v16 =	vld [tilespmem:$0x161B8]  }
0xed: {  	v17 =	vld [tilespmem:$0x162A8]  }
0xee: {  	v18 =	vld [tilespmem:$0x161C8]  }
0xef: {  	v20 =	vld [tilespmem:$0x161D8]  }
0xf0: {  	v23 =	vld [tilespmem:$0x161E8]  }
0xf1: {  	v26 =	vld [tilespmem:$0x161F8]  }
0xf2: {  	v29 =	vld [tilespmem:$0x16208];
	[tilespmem:$0x16398] =	vst v16  }
0xf3: {  	v31 =	vld [tilespmem:$0x16218];
	[tilespmem:$0x163A8] =	vst v18  }
0xf4: {  	v33 =	vld [tilespmem:$0x16228];
	[tilespmem:$0x163B8] =	vst v20  }
0xf5: {  	v35 =	vld [tilespmem:$0x16238];
	[tilespmem:$0x163C8] =	vst v23  }
0xf6: {  	v37 =	vld [tilespmem:$0x16248];
	[tilespmem:$0x163D8] =	vst v26  }
0xf7: {  	v39 =	vld [tilespmem:$0x16258];
	[tilespmem:$0x163E8] =	vst v29  }
0xf8: {  	v41 =	vld [tilespmem:$0x16268];
	[tilespmem:$0x163F8] =	vst v31  }
0xf9: {  	v43 =	vld [tilespmem:$0x16278];
	[tilespmem:$0x16408] =	vst v33  }
0xfa: {  	v45 =	vld [tilespmem:$0x16288];
	[tilespmem:$0x16418] =	vst v35  }
0xfb: {  	v47 =	vld [tilespmem:$0x16298];
	[tilespmem:$0x16428] =	vst v37  }
0xfc: {  	v19 =	vld [tilespmem:$0x162B8];
	[tilespmem:$0x16438] =	vst v39  }
0xfd: {  	v21 =	vld [tilespmem:$0x162C8];
	[tilespmem:$0x16448] =	vst v41  }
0xfe: {  	v24 =	vld [tilespmem:$0x162D8];
	[tilespmem:$0x16458] =	vst v43  }
0xff: {  	v27 =	vld [tilespmem:$0x162E8];
	[tilespmem:$0x16468] =	vst v45  }
0x100: {  	v30 =	vld [tilespmem:$0x162F8];
	v22 =	vadd.s32 $0x2718, v17;
	[tilespmem:$0x16478] =	vst v47  }
0x101: {  	v46 =	vld [tilespmem:$0x16378];
	v25 =	vadd.s32 $0x2718, v19;
	[tilespmem:$0x16488] =	vst v22  }
0x102: {  	v48 =	vld [tilespmem:$0x16388];
	v28 =	vadd.s32 $0x2718, v21;
	[tilespmem:$0x16498] =	vst v25  }
0x103: {  	v32 =	vld [tilespmem:$0x16308];
	v0 =	vadd.s32 $0x2718, v24;
	[tilespmem:$0x164A8] =	vst v28  }
0x104: {  	v34 =	vld [tilespmem:$0x16318];
	v2 =	vadd.s32 $0x2718, v27;
	[tilespmem:$0x164B8] =	vst v0  }
0x105: {  	v36 =	vld [tilespmem:$0x16328];
	v4 =	vadd.s32 $0x2718, v30;
	[tilespmem:$0x164C8] =	vst v2  }
0x106: {  	v38 =	vld [tilespmem:$0x16338];
	v49 =	vadd.s32 $0x2718, v46;
	[tilespmem:$0x164D8] =	vst v4  }
0x107: {  	v40 =	vld [tilespmem:$0x16348];
	v50 =	vadd.s32 $0x2718, v48;
	[tilespmem:$0x16558] =	vst v49  }
0x108: {  	v42 =	vld [tilespmem:$0x16358];
	v0 =	vadd.s32 $0x2718, v32;
	[tilespmem:$0x16568] =	vst v50  }
0x109: {  	v44 =	vld [tilespmem:$0x16368];
	v2 =	vadd.s32 $0x2718, v34;
	[tilespmem:$0x164E8] =	vst v0  }
0x10a: {  	v4 =	vadd.s32 $0x2718, v36;
	[tilespmem:$0x164F8] =	vst v2  }
0x10b: {  	[tilespmem:$0x16508] =	vst v4;
	v0 =	vadd.s32 $0x2718, v38  }
0x10c: {  	v2 =	vadd.s32 $0x2718, v40;
	[tilespmem:$0x16518] =	vst v0  }
0x10d: {  	v4 =	vadd.s32 $0x2718, v42;
	[tilespmem:$0x16528] =	vst v2  }
0x10e: {  	[tilespmem:$0x16538] =	vst v4;
	v0 =	vadd.s32 $0x2718, v44  }
0x10f: {  	[tilespmem:$0x16548] =	vst v0  }
0x110: {  	[tilespmem:s22], [sflag:$0x1] =	stream.indirect.gather [hbm4b:s6+s28], $0x10, s29, s28, $0xb8;
	[tilespmem:$0x1FB78] =	vst v63  }
0x111: {  	_ = 	snop  }
0x112: {  	[tilespmem:s31], [sflag:$0x1] =	stream.indirect.gather [hbm4b:s1+s30], $0x80, s9, s30, $0xb8;
	[tilespmem:$0x1FB78] =	vst v63  }
0x113: {  	_ =	swait.ge [sflag:s0], $0x1E00  }
0x114: {  	[sflag:s0] =	ssyncset.done $0x0  }
0x115: {  	[sflag:s0] =	ssyncadd.s32 $0xFFFFE200  }
0x116: {  	v52 =	vld [tilespmem:s22+$0xF30]  }
0x117: {  	v53 =	vld [tilespmem:s22+$0x30]  }
0x118: {  	v51 =	vld [tilespmem:s22+$0xF00]  }
0x119: {  	v54 =	vld [tilespmem:s22+$0xF10]  }
0x11a: {  	v55 =	vld [tilespmem:s22+$0xF20]  }
0x11b: {  	v56 =	vld [tilespmem:s22+$0x20]  }
0x11c: {  	v57 =	vld [tilespmem:s22+$0x0];
	v1 =	vadd.f32 v52, v53  }
0x11d: {  	v58 =	vld [tilespmem:s22+$0x10]  }
0x11e: {  	v2 =	vmul.f32 $2.000000030e-01, v1  }
0x11f: {  	vm0 =	vge.f32 v1, $0.0e+00  }
0x120: {  	v4 =	vadd.f32 v55, v56;
	v1 =	vsel vm0, v1, v2  }
0x121: {  	v0 =	vadd.f32 v51, v57;
	v1 =	vmul.f32 $1.442695020e+00, v1  }
0x122: {  	v59 =	vadd.f32 v54, v58;
	v60 =	vmul.f32 $2.000000030e-01, v4  }
0x123: {  	vm14 =	vge.f32 v4, $0.0e+00;
	v61 =	vmul.f32 $2.000000030e-01, v0;
	(erf) = vpow2.f32 v1  }
0x124: {  	vm1 =	vge.f32 v0, $0.0e+00;
	v62 =	vmul.f32 $2.000000030e-01, v59;
	v3 =	vsel vm14, v4, v60  }
0x125: {  	vm15 =	vge.f32 v59, $0.0e+00;
	v0 =	vsel vm1, v0, v61;
	v3 =	vmul.f32 $1.442695020e+00, v3  }
0x126: {  	v63 =	vsel vm15, v59, v62;
	v0 =	vmul.f32 $1.442695020e+00, v0  }
0x127: {  	v1 =	vmul.f32 $1.442695020e+00, v63;
	(erf) = vpow2.f32 v3  }
0x128: {  	(erf) = vpow2.f32 v0  }
0x129: {  	(erf) = vpow2.f32 v1;
	_ =	sdelay $0x1  }
0x12a: {  	s16 =	simm.s32 $0x165B8;
	s15 =	simm.s32 $0x0  }
.LBB2_7:
0x12b: {  	v0 =	vld [tilespmem:s16+$0xF00];
	s15 =	sadd.s32 $0x4, s15;
	v1 =	vpop (erf)  }
0x12c: {  	v2 =	vld [tilespmem:s16+$0xF30];
	p1 =	slt.u32 s15, $0xEC;
	[tilespmem:s22+$0x30] =	vst v1  }
0x12d: {  	v1 =	vld [tilespmem:s16+$0x30];
	_ =	sdelay $0x1  }
0x12e: {  	v3 =	vld [tilespmem:s16+$0xF10];
	v4 =	vpop (erf)  }
0x12f: {  	v5 =	vld [tilespmem:s16+$0xF20];
	[tilespmem:s22+$0x20] =	vst v4;
	v4 =	vpop (erf)  }
0x130: {  	v6 =	vld [tilespmem:s16+$0x20];
	[tilespmem:s22+$0x0] =	vst v4;
	v4 =	vpop (erf)  }
0x131: {  	v7 =	vld [tilespmem:s16+$0x0];
	v1 =	vadd.f32 v2, v1;
	[tilespmem:s22+$0x10] =	vst v4;
	s22 =	smov.u32 s16  }
0x132: {  	v2 =	vld [tilespmem:s16+$0x10]  }
0x133: {  	v4 =	vmul.f32 $2.000000030e-01, v1  }
0x134: {  	vm0 =	vge.f32 v1, $0.0e+00  }
0x135: {  	v5 =	vadd.f32 v5, v6;
	v1 =	vsel vm0, v1, v4  }
0x136: {  	v0 =	vadd.f32 v0, v7;
	v1 =	vmul.f32 $1.442695020e+00, v1  }
0x137: {  	v2 =	vadd.f32 v3, v2;
	vm0 =	vge.f32 v5, $0.0e+00;
	v3 =	vmul.f32 $2.000000030e-01, v5  }
0x138: {  	vm1 =	vge.f32 v0, $0.0e+00;
	v4 =	vmul.f32 $2.000000030e-01, v0;
	(erf) = vpow2.f32 v1  }
0x139: {  	vm2 =	vge.f32 v2, $0.0e+00;
	v1 =	vmul.f32 $2.000000030e-01, v2;
	v3 =	vsel vm0, v5, v3  }
0x13a: {  	v0 =	vsel vm1, v0, v4;
	v3 =	vmul.f32 $1.442695020e+00, v3  }
0x13b: {  	v0 =	vmul.f32 $1.442695020e+00, v0;
	v1 =	vsel vm2, v2, v1  }
.Ltmp2:
0x13c: {  	v1 =	vmul.f32 $1.442695020e+00, v1;
	(erf) = vpow2.f32 v3;
	(pc) =	sbr.rel @p1 .LBB2_7-.Ltmp2, $3  }
0x13d: {  	(erf) = vpow2.f32 v0  }
0x13e: {  	(erf) = vpow2.f32 v1;
	_ =	sdelay $0x1  }
0x13f: {  	s16 =	sadd.s32 $0x40, s16  }
0x140: {  	_ =	sdelay $0x2  }
0x141: {  	v0 =	vpop (erf)  }
0x142: {  	[tilespmem:s22+$0x30] =	vst v0;
	v0 =	vpop (erf)  }
0x143: {  	[tilespmem:s22+$0x20] =	vst v0;
	v0 =	vpop (erf)  }
0x144: {  	[tilespmem:s22+$0x0] =	vst v0;
	v0 =	vpop (erf)  }
0x145: {  	[tilespmem:s22+$0x10] =	vst v0  }
0x146: {  	_ =	swait.ge [sflag:s0], $0x7800  }
0x147: {  	[sflag:s0] =	ssyncset.done $0x0  }
0x148: {  	s23 =	simm.s32 $0x16588;
	[sflag:s0] =	ssyncadd.s32 $0xFFFF8800  }
0x149: {  	v1 =	vld [tilespmem:s23+$0xFFFFFFF0]  }
0x14a: {  	s22 =	simm.s32 $0x183F8  }
0x14b: {  	v3 =	vld [tilespmem:s22+$0xFFFFFFC0]  }
0x14c: {  	v4 =	vld [tilespmem:s22+$0xFFFFFF90]  }
0x14d: {  	v7 =	vld [tilespmem:s22+$0xFFFFFFB0]  }
0x14e: {  	v0 =	vld [tilespmem:s22+$0xFFFFFFE0];
	v5 =	vbroadcast v1, $0x4  }
0x14f: {  	v6 =	vld [tilespmem:s22+$0xFFFFFFA0];
	v2 =	vbroadcast v1, $0x0  }
0x150: {  	v9 =	vbroadcast v1, $0x1;
	v10 =	vmul.f32 v3, v5;
	v3 =	vld [tilespmem:s22+$0xFFFFFF80]  }
0x151: {  	v8 =	vbroadcast v1, $0x2;
	v12 =	vbroadcast v1, $0x3;
	v5 =	vld [tilespmem:s22+$0xFFFFFFF0]  }
0x152: {  	v11 =	vmul.f32 v4, v9;
	v4 =	vbroadcast v1, $0x5  }
0x153: {  	s16 =	simm.s32 $0x0;
	s17 =	simm.s32 $0x183F8;
	s15 =	simm.s32 $0x16588;
	v9 =	vmul.f32 v7, v12;
	v7 =	vld [tilespmem:s22+$0xFFFFFFD0];
	[tilespmem:s22+$0xFFFFFFC0] =	vst v10;
	v10 =	vbroadcast v1, $0x6  }
.LBB2_9:
0x154: {  	s16 =	sadd.s32 $0x2, s16;
	[tilespmem:s22+$0xFFFFFF90] =	vst v11;
	v6 =	vmul.f32 v6, v8;
	v1 =	vbroadcast v1, $0x7;
	s23 =	sadd.s32 $0x20, s23;
	s17 =	sadd.s32 $0x100, s17  }
0x155: {  	p1 =	slt.u32 s16, $0xEE;
	v2 =	vmul.f32 v2, v3;
	[tilespmem:s22+$0xFFFFFFB0] =	vst v9;
	v0 =	vmul.f32 v0, v10  }
0x156: {  	[tilespmem:s22+$0xFFFFFFA0] =	vst v6;
	v1 =	vmul.f32 v5, v1  }
0x157: {  	[tilespmem:s22+$0xFFFFFFE0] =	vst v0  }
0x158: {  	v0 =	vmul.f32 v7, v4;
	[tilespmem:s22+$0xFFFFFFF0] =	vst v1  }
0x159: {  	[tilespmem:s22+$0xFFFFFF80] =	vst v2  }
0x15a: {  	[tilespmem:s22+$0xFFFFFFD0] =	vst v0;
	v0 =	vld [tilespmem:s22+$0x10]  }
0x15b: {  	v1 =	vld [tilespmem:s15+$0x0];
	s15 =	smov.u32 s23  }
0x15c: {  	v2 =	vld [tilespmem:s22+$0x70]  }
0x15d: {  	v3 =	vld [tilespmem:s22+$0x0]  }
0x15e: {  	v4 =	vld [tilespmem:s22+$0x20]  }
0x15f: {  	v5 =	vld [tilespmem:s22+$0x40]  }
0x160: {  	v6 =	vbroadcast v1, $0x0;
	v7 =	vld [tilespmem:s22+$0x30];
	v8 =	vbroadcast v1, $0x7  }
0x161: {  	v9 =	vbroadcast v1, $0x2;
	v11 =	vbroadcast v1, $0x6;
	v10 =	vld [tilespmem:s22+$0x60]  }
0x162: {  	v3 =	vmul.f32 v6, v3;
	v6 =	vbroadcast v1, $0x4;
	v12 =	vld [tilespmem:s22+$0x50]  }
0x163: {  	v4 =	vmul.f32 v4, v9;
	v9 =	vbroadcast v1, $0x3  }
0x164: {  	[tilespmem:s22+$0x0] =	vst v3;
	v3 =	vbroadcast v1, $0x1;
	v5 =	vmul.f32 v5, v6  }
0x165: {  	v1 =	vbroadcast v1, $0x5;
	[tilespmem:s22+$0x20] =	vst v4;
	v4 =	vmul.f32 v7, v9  }
0x166: {  	v2 =	vmul.f32 v2, v8;
	[tilespmem:s22+$0x40] =	vst v5;
	v5 =	vmul.f32 v10, v11  }
0x167: {  	v0 =	vmul.f32 v0, v3;
	[tilespmem:s22+$0x30] =	vst v4;
	v1 =	vmul.f32 v12, v1  }
0x168: {  	[tilespmem:s22+$0x70] =	vst v2  }
0x169: {  	[tilespmem:s22+$0x10] =	vst v0  }
0x16a: {  	[tilespmem:s22+$0x60] =	vst v5  }
0x16b: {  	[tilespmem:s22+$0x50] =	vst v1;
	s22 =	smov.u32 s17  }
0x16c: {  	v1 =	vld [tilespmem:s23+$0xFFFFFFF0]  }
0x16d: {  	v0 =	vld [tilespmem:s17+$0xFFFFFFE0]  }
0x16e: {  	v4 =	vld [tilespmem:s17+$0xFFFFFFC0]  }
0x16f: {  	v7 =	vld [tilespmem:s17+$0xFFFFFF90]  }
0x170: {  	v9 =	vld [tilespmem:s17+$0xFFFFFFB0]  }
.Ltmp3:
0x171: {  	v2 =	vbroadcast v1, $0x0;
	v6 =	vld [tilespmem:s17+$0xFFFFFFA0];
	v5 =	vbroadcast v1, $0x4;
	(pc) =	sbr.rel @p1 .LBB2_9-.Ltmp3, $4  }
0x172: {  	v10 =	vbroadcast v1, $0x1;
	v8 =	vbroadcast v1, $0x2;
	v3 =	vld [tilespmem:s17+$0xFFFFFF80]  }
0x173: {  	v12 =	vbroadcast v1, $0x3;
	v13 =	vmul.f32 v4, v5;
	v5 =	vld [tilespmem:s17+$0xFFFFFFF0]  }
0x174: {  	v4 =	vbroadcast v1, $0x5;
	v11 =	vmul.f32 v7, v10  }
0x175: {  	v10 =	vbroadcast v1, $0x6;
	v9 =	vmul.f32 v9, v12;
	[tilespmem:s17+$0xFFFFFFC0] =	vst v13;
	v7 =	vld [tilespmem:s17+$0xFFFFFFD0]  }
0x176: {  	[tilespmem:s22+$0xFFFFFF90] =	vst v11;
	v6 =	vmul.f32 v6, v8  }
0x177: {  	v1 =	vbroadcast v1, $0x7;
	[tilespmem:s22+$0xFFFFFFB0] =	vst v9;
	v0 =	vmul.f32 v0, v10  }
0x178: {  	v2 =	vmul.f32 v2, v3;
	[tilespmem:s22+$0xFFFFFFA0] =	vst v6  }
0x179: {  	v1 =	vmul.f32 v5, v1;
	[tilespmem:s22+$0xFFFFFFE0] =	vst v0  }
0x17a: {  	[tilespmem:s22+$0xFFFFFF80] =	vst v2;
	v44 =	vmul.f32 v7, v4  }
0x17b: {  	[tilespmem:s22+$0xFFFFFFF0] =	vst v1  }
0x17c: {  	[tilespmem:s22+$0xFFFFFFD0] =	vst v44  }
0x17d: {  	v0 =	vld [tilespmem:s15+$0x0];
	_ =	sdelay $0x1  }
0x17e: {  	v45 =	vld [tilespmem:s22+$0x0]  }
0x17f: {  	v46 =	vld [tilespmem:s22+$0x20]  }
0x180: {  	v47 =	vld [tilespmem:s22+$0x40]  }
0x181: {  	v49 =	vld [tilespmem:s22+$0x30];
	v48 =	vbroadcast v0, $0x0  }
0x182: {  	v50 =	vld [tilespmem:s22+$0x70];
	v51 =	vbroadcast v0, $0x2  }
0x183: {  	v52 =	vld [tilespmem:s22+$0x10];
	v53 =	vbroadcast v0, $0x4;
	v1 =	vmul.f32 v48, v45  }
0x184: {  	v54 =	vld [tilespmem:s22+$0x60];
	v55 =	vbroadcast v0, $0x3;
	v2 =	vmul.f32 v46, v51  }
0x185: {  	v57 =	vld [tilespmem:s22+$0x50];
	v56 =	vbroadcast v0, $0x7;
	v58 =	vmul.f32 v47, v53;
	[tilespmem:s22+$0x0] =	vst v1  }
0x186: {  	v59 =	vbroadcast v0, $0x1;
	v60 =	vmul.f32 v49, v55;
	[tilespmem:s22+$0x20] =	vst v2  }
0x187: {  	v61 =	vbroadcast v0, $0x6;
	v62 =	vmul.f32 v50, v56;
	[tilespmem:s22+$0x40] =	vst v58  }
0x188: {  	v0 =	vbroadcast v0, $0x5;
	v3 =	vmul.f32 v52, v59;
	[tilespmem:s22+$0x30] =	vst v60  }
0x189: {  	v63 =	vmul.f32 v54, v61;
	[tilespmem:s22+$0x70] =	vst v62  }
0x18a: {  	v0 =	vmul.f32 v57, v0;
	[tilespmem:s22+$0x10] =	vst v3  }
0x18b: {  	p1 =	seq.s32 s20, $0x14;
	[tilespmem:s22+$0x60] =	vst v63  }
0x18c: {  	s15 =	sadd.s32 @!p1 s19, s21;
	[tilespmem:s22+$0x50] =	vst v0  }
0x18d: {  	[spmem:s4] =	stream.indirect.scatter.add.f32 [tilespmem:s12], [sflag:$0x3], $0x10, s11, s30, $0xb8;
	[tilespmem:$0x1FB78] =	vst v63  }
0x18e: {  	s20 =	sadd.s32 $0x1, s20;
	s15 =	smul.u32 @!p1 $0x3C, s15  }
0x18f: {  	[spmem:s2] =	stream.indirect.scatter.add.f32 [tilespmem:s31], [sflag:$0x3], $0x80, s11, s30, $0xb8;
	[tilespmem:$0x1FB78] =	vst v63  }
0x190: {  	s16 =	simm.s32 @!p1 $0x0;
	s17 =	simm.s32 @!p1 $0x15FD8;
	s15 =	sadd.s32 @!p1 s7, s15  }
0x191: {  	[tilespmem:s17], [sflag:$0x2] =	stream.linear.gather @!p1 [hbm4b:s15+s16], $0x1E0, $0x38;
	[tilespmem:$0x1FB78] =	vst v63  }
0x192: {  	p1 =	sne.s32 s20, $0x15;
	_ =	swait.ge [sflag:s10], $0xF00  }
.Ltmp4:
0x193: {  	[sflag:s10] =	ssyncset.done $0x0;
	(pc) =	sbr.rel @p1 .LBB2_2-.Ltmp4, $4  }
0x194: {  	[sflag:s10] =	ssyncadd.s32 $0xFFFFF100  }
0x195: {  	_ =	swait.ge [sflag:s10], $0x7800  }
0x196: {  	[sflag:s10] =	ssyncset.done $0x0  }
0x197: {  	[sflag:s10] =	ssyncadd.s32 $0xFFFF8800  }
0x198: {  	[bflag:$0x0] =	sbarrier.arrive $0xFFFF  }
0x199: {  	s16 =	rddreg [dreg:$0x10]  }
0x19a: {  	s15 =	simm.s32 @p0 $0x1FC4;
	s17 =	rddreg [dreg:$0x13]  }
0x19b: {  	[hbm:s16], [sflag:s15] =	dma.local @p0 [spmem:s17], $0x2800  }
0x19c: {  	s16 =	simm.s32 @p0 $0x4  }
0x19d: {  	_ =	swait.ge @p0 [sflag:s16], $0x2800  }
0x19e: {  	[sflag:s16] =	ssyncset.done @p0 $0x0;
	s17 =	rddreg [dreg:$0x11]  }
0x19f: {  	s20 =	rddreg [dreg:$0x14];
	[sflag:s16] =	ssyncadd.s32 @p0 $0xFFFFD800  }
0x1a0: {  	[hbm:s17], [sflag:s15] =	dma.local @p0 [spmem:s20], $0x500  }
0x1a1: {  	_ =	swait.ge @p0 [sflag:s16], $0x500  }
0x1a2: {  	[sflag:s16] =	ssyncset.done @p0 $0x0;
	s15 =	rddreg [dreg:$0xe]  }
0x1a3: {  	[sflag:s16] =	ssyncadd.s32 @p0 $0xFFFFFB00;
	s16 =	rddreg [dreg:$0x15]  }
0x1a4: {  	[hbm:s15], [sflag:s14] =	dma.local @!p0 [spmem:s16], $0x2700  }
0x1a5: {  	s15 =	simm.s32 @!p0 $0x4  }
0x1a6: {  	_ =	swait.ge @!p0 [sflag:s15], $0x2700  }
0x1a7: {  	[sflag:s15] =	ssyncset.done @!p0 $0x0  }
0x1a8: {  	s16 =	rddreg [dreg:$0xf];
	[sflag:s15] =	ssyncadd.s32 @!p0 $0xFFFFD900  }
0x1a9: {  	[hbm:s16], [sflag:s14] =	dma.local @!p0 [spmem:s18], $0x4E0  }
0x1aa: {  	_ =	swait.ge @!p0 [sflag:s15], $0x4E0  }
0x1ab: {  	s13 =	sadd.s32 $0x1, s13;
	s23 =	rddreg [dreg:$0x12]  }
0x1ac: {  	p1 =	sne.s32 s13, s23  }
.Ltmp5:
0x1ad: {  	_ = 	snop;
	(pc) =	sbr.rel @p1 .LBB2_1-.Ltmp5, $3  }
0x1ae: {  	_ =	sdelay $0x1  }
0x1af: {  	[sflag:s15] =	ssyncset.done @!p0 $0x0  }
0x1b0: {  	[sflag:s15] =	ssyncadd.s32 @!p0 $0xFFFFFB20  }
0x1b1: {  	_ =	sfence.sel $0x180000  }
0x1b2: {  	[bflag:$0x0] =	sbarrier.arrive $0xFFFF  }
0x1b3: {  	_ =	strace $0x90000047  }
0x1b4: {  	s0 =	stileid.u32;
	[bflag:$0x2] =	sbarrier.arrive $0xFFFF  }
0x1b5: {  	p0 =	sne.s32 s0, $0x0;
	s0 =	rddreg [dreg:$0x4]  }
0x1b6: {  	s0 =	sadd.s32 @!p0 $0x100000, s0  }
0x1b7: {  	[sflag:s0] =	ssyncadd.tile.s32 @!p0 $0x1;
	_ =	shalt  }
.Lfunc_end2:
_tile_overlayer_lowered:
.L_overlay_start_2:
0x1b8: {  	(tag) =	ssettag $0x2  }
0x1b9: {  	s0 =	rddreg [dreg:$0x0];
	s2 =	stileid.u32  }
0x1ba: {  	s1 =	rddreg [dreg:$0x1];
	p0 =	sne.s32 s2, $0x0  }
0x1bb: {  	s3 =	rddreg [dreg:$0x2];
	[bflag:$0x3] =	sbarrier.arrive $0xFFFF;
	s2 =	simm.s32 @!p0 $0x1C04  }
0x1bc: {  	[timem:s3], [sflag:s2] =	dma.local @!p0 [hbm:s0], s1  }
0x1bd: {  	s0 =	simm.s32 @!p0 $0x4  }
0x1be: {  	_ =	swait.ge @!p0 [sflag:s0], s1  }
0x1bf: {  	s1 =	ssub.s32 @!p0 $0x0, s1;
	[sflag:s0] =	ssyncset.done @!p0 $0x0  }
0x1c0: {  	[sflag:s0] =	ssyncadd.s32 @!p0 s1  }
0x1c1: {  	[bflag:$0x3] =	sbarrier.arrive $0xFFFF  }
0x1c2: {  	_ =	shalt  }

</sc_bundles>
